<compile_context>
chip_gen: v7x
topology: tpu7x:2x2x1
jax: 0.10.2.dev20260603
libtpu: 0.0.44.dev20260713+nightly
codegen_flags: <defaults>
</compile_context>

<pallas_src>
import functools

import jax
import jax.numpy as jnp
from jax import lax
from jax.experimental import pallas as pl
from jax.experimental.pallas import tpu as pltpu
from jax.experimental.pallas import tpu_sc as plsc

N_NODES = 10000
N_EDGES = 160000
D_FEAT = 256

NUM_CORES = 2
NUM_TILES = 16
HALF = D_FEAT // NUM_CORES
EDGES_PER_TILE = N_EDGES // NUM_TILES
CHUNK = 80
NUM_CHUNKS = EDGES_PER_TILE // CHUNK
NBUF = 4
ROWS_PER_TILE = N_NODES // NUM_TILES
WB_ROWS = 624
WB_LAST_BASE = (NUM_TILES - 1) * WB_ROWS
WB_LAST = N_NODES - WB_LAST_BASE

_mesh = plsc.VectorSubcoreMesh(core_axis_name="c", subcore_axis_name="s")


@functools.partial(
    pl.kernel,
    out_type=jax.ShapeDtypeStruct((N_NODES, D_FEAT), jnp.float32),
    mesh=_mesh,
    scratch_types=[
        pltpu.VMEM((NBUF, CHUNK), jnp.int32),
        pltpu.VMEM((NBUF, CHUNK), jnp.int32),
        pltpu.VMEM((NBUF, CHUNK, HALF), jnp.float32),
        pltpu.VMEM_SHARED((N_NODES, HALF), jnp.float32),
        [pltpu.SemaphoreType.DMA] * NBUF,
        [pltpu.SemaphoreType.DMA] * NBUF,
        [pltpu.SemaphoreType.DMA] * NBUF,
        [pltpu.SemaphoreType.DMA] * NBUF,
    ],
)
def _mp_kernel(x, src_hbm, dst_hbm, out,
               src_ring, dst_ring, rows, acc,
               sem_si, sem_di, sem_g, sem_s):
    cid = lax.axis_index("c")
    sid = lax.axis_index("s")
    base0 = sid * EDGES_PER_TILE
    col0 = pl.multiple_of(cid * HALF, HALF)

    zeros16 = jnp.zeros((16,), jnp.float32)

    @pl.loop(0, CHUNK)
    def _zero(r):
        @pl.loop(0, HALF // 16)
        def _zrow(c):
            rows[0, r, pl.ds(c * 16, 16)] = zeros16

    @pl.loop(0, ROWS_PER_TILE // CHUNK)
    def _zacc(j):
        pltpu.sync_copy(
            rows.at[0], acc.at[pl.ds(sid * ROWS_PER_TILE + j * CHUNK, CHUNK)])

    _ztail = ROWS_PER_TILE - (ROWS_PER_TILE // CHUNK) * CHUNK
    pltpu.sync_copy(
        rows.at[0, pl.ds(0, _ztail)],
        acc.at[pl.ds(sid * ROWS_PER_TILE + ROWS_PER_TILE - _ztail, _ztail)])

    plsc.subcore_barrier()

    def hbm_idx(arr, c):
        return arr.at[pl.ds(pl.multiple_of(base0 + c * CHUNK, 8), CHUNK)]

    def start_src_idx(c, b):
        pltpu.async_copy(hbm_idx(src_hbm, c), src_ring.at[b], sem_si[b])

    def wait_src_idx(c, b):
        pltpu.make_async_copy(
            hbm_idx(src_hbm, c), src_ring.at[b], sem_si[b]).wait()

    def start_dst_idx(c, b):
        pltpu.async_copy(hbm_idx(dst_hbm, c), dst_ring.at[b], sem_di[b])

    def wait_dst_idx(c, b):
        pltpu.make_async_copy(
            hbm_idx(dst_hbm, c), dst_ring.at[b], sem_di[b]).wait()

    def start_gather(c, b):
        pltpu.async_copy(
            x.at[src_ring.at[b], pl.ds(col0, HALF)], rows.at[b], sem_g[b])

    def wait_gather(c, b):
        pltpu.make_async_copy(
            x.at[src_ring.at[b], pl.ds(col0, HALF)], rows.at[b],
            sem_g[b]).wait()

    def start_scatter(c, b):
        pltpu.async_copy(
            rows.at[b], acc.at[dst_ring.at[b]], sem_s[b], add=True)

    def wait_scatter(c, b):
        pltpu.make_async_copy(
            rows.at[b], acc.at[dst_ring.at[b]], sem_s[b]).wait()

    for k in range(NBUF):
        start_src_idx(k, k)
    for k in range(2):
        start_dst_idx(k, k)
    for k in range(2):
        wait_src_idx(k, k)
        start_gather(k, k)

    @pl.loop(0, NUM_CHUNKS, step=NBUF)
    def _step(i):
        for b in range(NBUF):
            c = i + b
            b2 = (b + 2) % NBUF

            @pl.when(c < NUM_CHUNKS)
            def _():
                wait_gather(c, b)

                @pl.when(c + NBUF < NUM_CHUNKS)
                def _():
                    start_src_idx(c + NBUF, b)

                @pl.when(c >= 2)
                def _():
                    wait_scatter(c - 2, b2)

                @pl.when(c + 2 < NUM_CHUNKS)
                def _():
                    start_dst_idx(c + 2, b2)
                    wait_src_idx(c + 2, b2)
                    start_gather(c + 2, b2)

                wait_dst_idx(c, b)
                start_scatter(c, b)

    for k in range(min(2, NUM_CHUNKS)):
        cc = NUM_CHUNKS - 1 - k
        wait_scatter(cc, cc % NBUF)

    plsc.subcore_barrier()

    @pl.when(sid < NUM_TILES - 1)
    def _wb():
        base = pl.multiple_of(sid * WB_ROWS, 8)
        pltpu.sync_copy(
            acc.at[pl.ds(base, WB_ROWS)],
            out.at[pl.ds(base, WB_ROWS), pl.ds(col0, HALF)],
        )

    @pl.when(sid == NUM_TILES - 1)
    def _wb_last():
        pltpu.sync_copy(
            acc.at[pl.ds(WB_LAST_BASE, WB_LAST)],
            out.at[pl.ds(WB_LAST_BASE, WB_LAST), pl.ds(col0, HALF)],
        )


def kernel(x, edge_index):
    ei = edge_index.astype(jnp.int32)
    return _mp_kernel(x, ei[0], ei[1])

# --- scband reference (transcript-rebuilt; emitter-appended) ---
"""Pipeline reference for scband-message-passing-40209483825476 (READ-ONLY COPY).

The authoritative reference and input builder live on the scoring server;
editing this copy changes nothing except your own understanding.
"""

import jax, jax.numpy as jnp
import numpy as np

N_NODES = 10000
N_EDGES = 160000
D_FEAT = 256

def setup_inputs(seed: int = 0) -> dict:
    key = jax.random.key(seed)
    k_x, k_e = jax.random.split(key, 2)
    x = jax.random.normal(k_x, (N_NODES, D_FEAT), dtype=jnp.float32)
    edge_index = jax.random.randint(k_e, (2, N_EDGES), 0, N_NODES, dtype=jnp.int64 if jax.config.jax_enable_x64 else jnp.int32)
    return {"x": x, "edge_index": edge_index}

def reference(x, edge_index):
    # MessagePassing with aggr='add' (SumAggregation), flow source_to_target:
    # message(x_j) = x[src]; aggregate = scatter-sum over dst index; update = identity.
    src = edge_index[0]
    dst = edge_index[1]
    msgs = jnp.take(x, src, axis=0)                      # gather: _lift of x_j along node_dim
    out = jax.ops.segment_sum(msgs, dst, num_segments=x.shape[0])  # SumAggregation.reduce (scatter-add)
    return out

if __name__ == "__main__":
    import jax
    _d = setup_inputs()
    print(jax.jit(kernel)(*tuple(_d.values())))

</pallas_src>

<mosaic_0001>
#map = affine_map<(d0, d1) -> (0, 0)>
#map1 = affine_map<(d0, d1) -> (0)>
module attributes {stable_mosaic.version = 14 : i64} {
  func.func @_mp_kernel(%arg0: i32, %arg1: i32, %arg2: memref<10000x256xf32, #tpu.memory_space<hbm>>, %arg3: memref<160000xi32, #tpu.memory_space<hbm>>, %arg4: memref<160000xi32, #tpu.memory_space<hbm>>, %arg5: memref<10000x256xf32, #tpu.memory_space<hbm>>, %arg6: memref<4x80xi32, #tpu.memory_space<vmem>>, %arg7: memref<4x80xi32, #tpu.memory_space<vmem>>, %arg8: memref<4x80x128xf32, #tpu.memory_space<vmem>>, %arg9: memref<10000x128xf32, #tpu.memory_space<vmem_shared>>, %arg10: memref<!tpu.dma_semaphore, #tpu.memory_space<semaphore_mem>>, %arg11: memref<!tpu.dma_semaphore, #tpu.memory_space<semaphore_mem>>, %arg12: memref<!tpu.dma_semaphore, #tpu.memory_space<semaphore_mem>>, %arg13: memref<!tpu.dma_semaphore, #tpu.memory_space<semaphore_mem>>, %arg14: memref<!tpu.dma_semaphore, #tpu.memory_space<semaphore_mem>>, %arg15: memref<!tpu.dma_semaphore, #tpu.memory_space<semaphore_mem>>, %arg16: memref<!tpu.dma_semaphore, #tpu.memory_space<semaphore_mem>>, %arg17: memref<!tpu.dma_semaphore, #tpu.memory_space<semaphore_mem>>, %arg18: memref<!tpu.dma_semaphore, #tpu.memory_space<semaphore_mem>>, %arg19: memref<!tpu.dma_semaphore, #tpu.memory_space<semaphore_mem>>, %arg20: memref<!tpu.dma_semaphore, #tpu.memory_space<semaphore_mem>>, %arg21: memref<!tpu.dma_semaphore, #tpu.memory_space<semaphore_mem>>, %arg22: memref<!tpu.dma_semaphore, #tpu.memory_space<semaphore_mem>>, %arg23: memref<!tpu.dma_semaphore, #tpu.memory_space<semaphore_mem>>, %arg24: memref<!tpu.dma_semaphore, #tpu.memory_space<semaphore_mem>>, %arg25: memref<!tpu.dma_semaphore, #tpu.memory_space<semaphore_mem>>) attributes {dimension_semantics = [#tpu.dimension_semantics<core_parallel>, #tpu.dimension_semantics<subcore_parallel>], iteration_bounds = array<i64: 2, 16>, scalar_prefetch = 0 : i64, scratch_operands = 20 : i64, tpu.core_type = #tpu.core_type<sc_vector_subcore>, window_params = [{transform_indices = #map}, {transform_indices = #map1}, {transform_indices = #map1}, {transform_indices = #map}]} {
    %mul3A = arith.constant 10000 : i32
    %mul3A_0 = arith.muli %arg1, %mul3A : i32
    %mul3A_1 = arith.constant 128 : i32
    %mul3A_2 = arith.muli %arg0, %mul3A_1 : i32
    %multiple_of3A = tpu.assume_multiple %mul3A_2, 128 : i32
    %broadcast_in_dim3A = arith.constant 0.000000e+00 : f32
    %broadcast_in_dim3A_3 = vector.broadcast %broadcast_in_dim3A : f32 to vector<16xf32>
    %scan3A = arith.constant 0 : i32
    %scan3A_4 = arith.constant 80 : i32
    %scan3A_5 = arith.addi %scan3A, %scan3A_4 : i32
    %scan3A_6 = arith.constant 1 : i32
    scf.for %scan3A_169 = %scan3A to %scan3A_5 step %scan3A_6  : i32 {
      %mul3A_170 = arith.constant 1 : i32
      %mul3A_171 = arith.muli %scan3A_169, %mul3A_170 : i32
      %add3A_172 = arith.constant 0 : i32
      %add3A_173 = arith.addi %add3A_172, %mul3A_171 : i32
      %scan3A_174 = arith.constant 0 : i32
      %scan3A_175 = arith.constant 8 : i32
      %scan3A_176 = arith.addi %scan3A_174, %scan3A_175 : i32
      %scan3A_177 = arith.constant 1 : i32
      scf.for %scan3A_179 = %scan3A_174 to %scan3A_176 step %scan3A_177  : i32 {
        %mul3A_180 = arith.constant 1 : i32
        %mul3A_181 = arith.muli %scan3A_179, %mul3A_180 : i32
        %add3A_182 = arith.constant 0 : i32
        %add3A_183 = arith.addi %add3A_182, %mul3A_181 : i32
        %mul3A_184 = arith.constant 16 : i32
        %mul3A_185 = arith.muli %add3A_183, %mul3A_184 : i32
        %swap3A = arith.constant 0 : i32
        %swap3A_186 = arith.index_cast %swap3A : i32 to index
        %swap3A_187 = arith.index_cast %add3A_173 : i32 to index
        %swap3A_188 = arith.index_cast %mul3A_185 : i32 to index
        %swap3A_189 = tpu.vector_load %arg8[%swap3A_186, %swap3A_187, %swap3A_188] {strides = array<i32>} : memref<4x80x128xf32, #tpu.memory_space<vmem>>, vector<1x1x16xf32>,
        %swap3A_190 = vector.shape_cast %swap3A_189 : vector<1x1x16xf32> to vector<16xf32>
        %swap3A_191 = vector.shape_cast %broadcast_in_dim3A_3 : vector<16xf32> to vector<1x1x16xf32>
        tpu.vector_store %arg8[%swap3A_186, %swap3A_187, %swap3A_188], %swap3A_191 {strides = array<i32>} : memref<4x80x128xf32, #tpu.memory_space<vmem>>, vector<1x1x16xf32>,
      }
      %scan3A_178 = arith.constant 8 : i32
    }
    %scan3A_7 = arith.constant 80 : i32
    %scan3A_8 = arith.constant 0 : i32
    %scan3A_9 = arith.constant 7 : i32
    %scan3A_10 = arith.addi %scan3A_8, %scan3A_9 : i32
    %scan3A_11 = arith.constant 1 : i32
    scf.for %scan3A_169 = %scan3A_8 to %scan3A_10 step %scan3A_11  : i32 {
      %mul3A_170 = arith.constant 1 : i32
      %mul3A_171 = arith.muli %scan3A_169, %mul3A_170 : i32
      %add3A_172 = arith.constant 0 : i32
      %add3A_173 = arith.addi %add3A_172, %mul3A_171 : i32
      %mul3A_174 = arith.constant 625 : i32
      %mul3A_175 = arith.muli %arg1, %mul3A_174 : i32
      %mul3A_176 = arith.constant 80 : i32
      %mul3A_177 = arith.muli %add3A_173, %mul3A_176 : i32
      %add3A_178 = arith.addi %mul3A_175, %mul3A_177 : i32
      %run_scoped3A_179 = arith.constant 0 : i32
      "tpu.region"() ({
        %run_scoped3A_180 = tpu.sem_alloc : memref<!tpu.dma_semaphore, #tpu.memory_space<semaphore_mem>>
        %dma_start3A_181 = arith.constant 0 : i32
        %dma_start3A_182 = arith.constant 0 : i32
        %dma_start3A_183 = tpu.memref_slice %arg8[%run_scoped3A_179, %dma_start3A_181, %dma_start3A_182] : memref<4x80x128xf32, #tpu.memory_space<vmem>> -> memref<1x80x128xf32, #tpu.memory_space<vmem>>
        %dma_start3A_184 = tpu.memref_squeeze %dma_start3A_183 : memref<1x80x128xf32, #tpu.memory_space<vmem>> -> memref<80x128xf32, #tpu.memory_space<vmem>>
        %dma_start3A_185 = arith.constant 0 : i32
        %dma_start3A_186 = tpu.memref_slice %arg9[%add3A_178, %dma_start3A_185] : memref<10000x128xf32, #tpu.memory_space<vmem_shared>> -> memref<80x128xf32, #tpu.memory_space<vmem_shared>>
        %dma_start3A_187 = arith.constant 0 : i32
        %dma_start3A_188 = tpu.memref_slice %arg9[%add3A_178, %dma_start3A_187] : memref<10000x128xf32, #tpu.memory_space<vmem_shared>> -> memref<80x128xf32, #tpu.memory_space<vmem_shared>>
        %dma_start3A_189 = arith.constant 0 : i32
        %dma_start3A_190 = arith.constant 0 : i32
        %dma_start3A_191 = tpu.memref_slice %arg8[%run_scoped3A_179, %dma_start3A_189, %dma_start3A_190] : memref<4x80x128xf32, #tpu.memory_space<vmem>> -> memref<1x80x128xf32, #tpu.memory_space<vmem>>
        %dma_start3A_192 = tpu.memref_squeeze %dma_start3A_191 : memref<1x80x128xf32, #tpu.memory_space<vmem>> -> memref<80x128xf32, #tpu.memory_space<vmem>>
        tpu.enqueue_dma source(%dma_start3A_192 : memref<80x128xf32, #tpu.memory_space<vmem>>) target(%dma_start3A_188 : memref<80x128xf32, #tpu.memory_space<vmem_shared>>) target_semaphore(%run_scoped3A_180 : memref<!tpu.dma_semaphore, #tpu.memory_space<semaphore_mem>>)
        %dma_wait3A_193 = arith.constant 0 : i32
        %dma_wait3A_194 = arith.constant 0 : i32
        %dma_wait3A_195 = tpu.memref_slice %arg8[%run_scoped3A_179, %dma_wait3A_193, %dma_wait3A_194] : memref<4x80x128xf32, #tpu.memory_space<vmem>> -> memref<1x80x128xf32, #tpu.memory_space<vmem>>
        %dma_wait3A_196 = tpu.memref_squeeze %dma_wait3A_195 : memref<1x80x128xf32, #tpu.memory_space<vmem>> -> memref<80x128xf32, #tpu.memory_space<vmem>>
        %dma_wait3A_197 = arith.constant 0 : i32
        %dma_wait3A_198 = tpu.memref_slice %arg9[%add3A_178, %dma_wait3A_197] : memref<10000x128xf32, #tpu.memory_space<vmem_shared>> -> memref<80x128xf32, #tpu.memory_space<vmem_shared>>
        %dma_wait3A_199 = arith.constant 0 : i32
        %dma_wait3A_200 = tpu.memref_slice %arg9[%add3A_178, %dma_wait3A_199] : memref<10000x128xf32, #tpu.memory_space<vmem_shared>> -> memref<80x128xf32, #tpu.memory_space<vmem_shared>>
        %dma_wait3A_201 = arith.constant 0 : i32
        %dma_wait3A_202 = arith.constant 0 : i32
        %dma_wait3A_203 = tpu.memref_slice %arg8[%run_scoped3A_179, %dma_wait3A_201, %dma_wait3A_202] : memref<4x80x128xf32, #tpu.memory_space<vmem>> -> memref<1x80x128xf32, #tpu.memory_space<vmem>>
        %dma_wait3A_204 = tpu.memref_squeeze %dma_wait3A_203 : memref<1x80x128xf32, #tpu.memory_space<vmem>> -> memref<80x128xf32, #tpu.memory_space<vmem>>
        tpu.wait_dma2 semaphore(%run_scoped3A_180 : memref<!tpu.dma_semaphore, #tpu.memory_space<semaphore_mem>>) src(%dma_wait3A_204 : memref<80x128xf32, #tpu.memory_space<vmem>>) dst(%dma_wait3A_200 : memref<80x128xf32, #tpu.memory_space<vmem_shared>>)
        tpu.yield
      }) : () -> ()
    }
    %scan3A_12 = arith.constant 7 : i32
    %mul3A_13 = arith.constant 625 : i32
    %mul3A_14 = arith.muli %arg1, %mul3A_13 : i32
    %add3A = arith.constant 625 : i32
    %add3A_15 = arith.addi %mul3A_14, %add3A : i32
    %sub3A = arith.constant 65 : i32
    %sub3A_16 = arith.subi %add3A_15, %sub3A : i32
    %run_scoped3A = arith.constant 0 : i32
    "tpu.region"() ({
      %run_scoped3A_169 = tpu.sem_alloc : memref<!tpu.dma_semaphore, #tpu.memory_space<semaphore_mem>>
      %dma_start3A_170 = arith.constant 0 : i32
      %dma_start3A_171 = arith.constant 0 : i32
      %dma_start3A_172 = tpu.memref_slice %arg8[%run_scoped3A, %dma_start3A_170, %dma_start3A_171] : memref<4x80x128xf32, #tpu.memory_space<vmem>> -> memref<1x65x128xf32, #tpu.memory_space<vmem>>
      %dma_start3A_173 = tpu.memref_squeeze %dma_start3A_172 : memref<1x65x128xf32, #tpu.memory_space<vmem>> -> memref<65x128xf32, #tpu.memory_space<vmem>>
      %dma_start3A_174 = arith.constant 0 : i32
      %dma_start3A_175 = tpu.memref_slice %arg9[%sub3A_16, %dma_start3A_174] : memref<10000x128xf32, #tpu.memory_space<vmem_shared>> -> memref<65x128xf32, #tpu.memory_space<vmem_shared>>
      %dma_start3A_176 = arith.constant 0 : i32
      %dma_start3A_177 = tpu.memref_slice %arg9[%sub3A_16, %dma_start3A_176] : memref<10000x128xf32, #tpu.memory_space<vmem_shared>> -> memref<65x128xf32, #tpu.memory_space<vmem_shared>>
      %dma_start3A_178 = arith.constant 0 : i32
      %dma_start3A_179 = arith.constant 0 : i32
      %dma_start3A_180 = tpu.memref_slice %arg8[%run_scoped3A, %dma_start3A_178, %dma_start3A_179] : memref<4x80x128xf32, #tpu.memory_space<vmem>> -> memref<1x65x128xf32, #tpu.memory_space<vmem>>
      %dma_start3A_181 = tpu.memref_squeeze %dma_start3A_180 : memref<1x65x128xf32, #tpu.memory_space<vmem>> -> memref<65x128xf32, #tpu.memory_space<vmem>>
      tpu.enqueue_dma source(%dma_start3A_181 : memref<65x128xf32, #tpu.memory_space<vmem>>) target(%dma_start3A_177 : memref<65x128xf32, #tpu.memory_space<vmem_shared>>) target_semaphore(%run_scoped3A_169 : memref<!tpu.dma_semaphore, #tpu.memory_space<semaphore_mem>>)
      %dma_wait3A_182 = arith.constant 0 : i32
      %dma_wait3A_183 = arith.constant 0 : i32
      %dma_wait3A_184 = tpu.memref_slice %arg8[%run_scoped3A, %dma_wait3A_182, %dma_wait3A_183] : memref<4x80x128xf32, #tpu.memory_space<vmem>> -> memref<1x65x128xf32, #tpu.memory_space<vmem>>
      %dma_wait3A_185 = tpu.memref_squeeze %dma_wait3A_184 : memref<1x65x128xf32, #tpu.memory_space<vmem>> -> memref<65x128xf32, #tpu.memory_space<vmem>>
      %dma_wait3A_186 = arith.constant 0 : i32
      %dma_wait3A_187 = tpu.memref_slice %arg9[%sub3A_16, %dma_wait3A_186] : memref<10000x128xf32, #tpu.memory_space<vmem_shared>> -> memref<65x128xf32, #tpu.memory_space<vmem_shared>>
      %dma_wait3A_188 = arith.constant 0 : i32
      %dma_wait3A_189 = tpu.memref_slice %arg9[%sub3A_16, %dma_wait3A_188] : memref<10000x128xf32, #tpu.memory_space<vmem_shared>> -> memref<65x128xf32, #tpu.memory_space<vmem_shared>>
      %dma_wait3A_190 = arith.constant 0 : i32
      %dma_wait3A_191 = arith.constant 0 : i32
      %dma_wait3A_192 = tpu.memref_slice %arg8[%run_scoped3A, %dma_wait3A_190, %dma_wait3A_191] : memref<4x80x128xf32, #tpu.memory_space<vmem>> -> memref<1x65x128xf32, #tpu.memory_space<vmem>>
      %dma_wait3A_193 = tpu.memref_squeeze %dma_wait3A_192 : memref<1x65x128xf32, #tpu.memory_space<vmem>> -> memref<65x128xf32, #tpu.memory_space<vmem>>
      tpu.wait_dma2 semaphore(%run_scoped3A_169 : memref<!tpu.dma_semaphore, #tpu.memory_space<semaphore_mem>>) src(%dma_wait3A_193 : memref<65x128xf32, #tpu.memory_space<vmem>>) dst(%dma_wait3A_189 : memref<65x128xf32, #tpu.memory_space<vmem_shared>>)
      tpu.yield
    }) : () -> ()
    %barrier3A = arith.constant 0 : index
    tpu.barrier barrier_id(%barrier3A)
    %add3A_17 = arith.constant 0 : i32
    %add3A_18 = arith.addi %mul3A_0, %add3A_17 : i32
    %multiple_of3A_19 = tpu.assume_multiple %add3A_18, 8 : i32
    %dma_start3A = arith.constant 0 : i32
    %dma_start3A_20 = arith.constant 0 : i32
    %dma_start3A_21 = tpu.memref_slice %arg6[%dma_start3A, %dma_start3A_20] : memref<4x80xi32, #tpu.memory_space<vmem>> -> memref<1x80xi32, #tpu.memory_space<vmem>>
    %dma_start3A_22 = tpu.memref_squeeze %dma_start3A_21 : memref<1x80xi32, #tpu.memory_space<vmem>> -> memref<80xi32, #tpu.memory_space<vmem>>
    %dma_start3A_23 = tpu.memref_slice %arg3[%multiple_of3A_19] : memref<160000xi32, #tpu.memory_space<hbm>> -> memref<80xi32, #tpu.memory_space<hbm>>
    %dma_start3A_24 = arith.constant 0 : i32
    %dma_start3A_25 = tpu.memref_slice %arg6[%dma_start3A, %dma_start3A_24] : memref<4x80xi32, #tpu.memory_space<vmem>> -> memref<1x80xi32, #tpu.memory_space<vmem>>
    %dma_start3A_26 = tpu.memref_squeeze %dma_start3A_25 : memref<1x80xi32, #tpu.memory_space<vmem>> -> memref<80xi32, #tpu.memory_space<vmem>>
    %dma_start3A_27 = tpu.memref_slice %arg3[%multiple_of3A_19] : memref<160000xi32, #tpu.memory_space<hbm>> -> memref<80xi32, #tpu.memory_space<hbm>>
    tpu.enqueue_dma source(%dma_start3A_27 : memref<80xi32, #tpu.memory_space<hbm>>) target(%dma_start3A_26 : memref<80xi32, #tpu.memory_space<vmem>>) target_semaphore(%arg10 : memref<!tpu.dma_semaphore, #tpu.memory_space<semaphore_mem>>)
    %add3A_28 = arith.constant 80 : i32
    %add3A_29 = arith.addi %mul3A_0, %add3A_28 : i32
    %multiple_of3A_30 = tpu.assume_multiple %add3A_29, 8 : i32
    %dma_start3A_31 = arith.constant 1 : i32
    %dma_start3A_32 = arith.constant 0 : i32
    %dma_start3A_33 = tpu.memref_slice %arg6[%dma_start3A_31, %dma_start3A_32] : memref<4x80xi32, #tpu.memory_space<vmem>> -> memref<1x80xi32, #tpu.memory_space<vmem>>
    %dma_start3A_34 = tpu.memref_squeeze %dma_start3A_33 : memref<1x80xi32, #tpu.memory_space<vmem>> -> memref<80xi32, #tpu.memory_space<vmem>>
    %dma_start3A_35 = tpu.memref_slice %arg3[%multiple_of3A_30] : memref<160000xi32, #tpu.memory_space<hbm>> -> memref<80xi32, #tpu.memory_space<hbm>>
    %dma_start3A_36 = arith.constant 0 : i32
    %dma_start3A_37 = tpu.memref_slice %arg6[%dma_start3A_31, %dma_start3A_36] : memref<4x80xi32, #tpu.memory_space<vmem>> -> memref<1x80xi32, #tpu.memory_space<vmem>>
    %dma_start3A_38 = tpu.memref_squeeze %dma_start3A_37 : memref<1x80xi32, #tpu.memory_space<vmem>> -> memref<80xi32, #tpu.memory_space<vmem>>
    %dma_start3A_39 = tpu.memref_slice %arg3[%multiple_of3A_30] : memref<160000xi32, #tpu.memory_space<hbm>> -> memref<80xi32, #tpu.memory_space<hbm>>
    tpu.enqueue_dma source(%dma_start3A_39 : memref<80xi32, #tpu.memory_space<hbm>>) target(%dma_start3A_38 : memref<80xi32, #tpu.memory_space<vmem>>) target_semaphore(%arg11 : memref<!tpu.dma_semaphore, #tpu.memory_space<semaphore_mem>>)
    %add3A_40 = arith.constant 160 : i32
    %add3A_41 = arith.addi %mul3A_0, %add3A_40 : i32
    %multiple_of3A_42 = tpu.assume_multiple %add3A_41, 8 : i32
    %dma_start3A_43 = arith.constant 2 : i32
    %dma_start3A_44 = arith.constant 0 : i32
    %dma_start3A_45 = tpu.memref_slice %arg6[%dma_start3A_43, %dma_start3A_44] : memref<4x80xi32, #tpu.memory_space<vmem>> -> memref<1x80xi32, #tpu.memory_space<vmem>>
    %dma_start3A_46 = tpu.memref_squeeze %dma_start3A_45 : memref<1x80xi32, #tpu.memory_space<vmem>> -> memref<80xi32, #tpu.memory_space<vmem>>
    %dma_start3A_47 = tpu.memref_slice %arg3[%multiple_of3A_42] : memref<160000xi32, #tpu.memory_space<hbm>> -> memref<80xi32, #tpu.memory_space<hbm>>
    %dma_start3A_48 = arith.constant 0 : i32
    %dma_start3A_49 = tpu.memref_slice %arg6[%dma_start3A_43, %dma_start3A_48] : memref<4x80xi32, #tpu.memory_space<vmem>> -> memref<1x80xi32, #tpu.memory_space<vmem>>
    %dma_start3A_50 = tpu.memref_squeeze %dma_start3A_49 : memref<1x80xi32, #tpu.memory_space<vmem>> -> memref<80xi32, #tpu.memory_space<vmem>>
    %dma_start3A_51 = tpu.memref_slice %arg3[%multiple_of3A_42] : memref<160000xi32, #tpu.memory_space<hbm>> -> memref<80xi32, #tpu.memory_space<hbm>>
    tpu.enqueue_dma source(%dma_start3A_51 : memref<80xi32, #tpu.memory_space<hbm>>) target(%dma_start3A_50 : memref<80xi32, #tpu.memory_space<vmem>>) target_semaphore(%arg12 : memref<!tpu.dma_semaphore, #tpu.memory_space<semaphore_mem>>)
    %add3A_52 = arith.constant 240 : i32
    %add3A_53 = arith.addi %mul3A_0, %add3A_52 : i32
    %multiple_of3A_54 = tpu.assume_multiple %add3A_53, 8 : i32
    %dma_start3A_55 = arith.constant 3 : i32
    %dma_start3A_56 = arith.constant 0 : i32
    %dma_start3A_57 = tpu.memref_slice %arg6[%dma_start3A_55, %dma_start3A_56] : memref<4x80xi32, #tpu.memory_space<vmem>> -> memref<1x80xi32, #tpu.memory_space<vmem>>
    %dma_start3A_58 = tpu.memref_squeeze %dma_start3A_57 : memref<1x80xi32, #tpu.memory_space<vmem>> -> memref<80xi32, #tpu.memory_space<vmem>>
    %dma_start3A_59 = tpu.memref_slice %arg3[%multiple_of3A_54] : memref<160000xi32, #tpu.memory_space<hbm>> -> memref<80xi32, #tpu.memory_space<hbm>>
    %dma_start3A_60 = arith.constant 0 : i32
    %dma_start3A_61 = tpu.memref_slice %arg6[%dma_start3A_55, %dma_start3A_60] : memref<4x80xi32, #tpu.memory_space<vmem>> -> memref<1x80xi32, #tpu.memory_space<vmem>>
    %dma_start3A_62 = tpu.memref_squeeze %dma_start3A_61 : memref<1x80xi32, #tpu.memory_space<vmem>> -> memref<80xi32, #tpu.memory_space<vmem>>
    %dma_start3A_63 = tpu.memref_slice %arg3[%multiple_of3A_54] : memref<160000xi32, #tpu.memory_space<hbm>> -> memref<80xi32, #tpu.memory_space<hbm>>
    tpu.enqueue_dma source(%dma_start3A_63 : memref<80xi32, #tpu.memory_space<hbm>>) target(%dma_start3A_62 : memref<80xi32, #tpu.memory_space<vmem>>) target_semaphore(%arg13 : memref<!tpu.dma_semaphore, #tpu.memory_space<semaphore_mem>>)
    %add3A_64 = arith.constant 0 : i32
    %add3A_65 = arith.addi %mul3A_0, %add3A_64 : i32
    %multiple_of3A_66 = tpu.assume_multiple %add3A_65, 8 : i32
    %dma_start3A_67 = arith.constant 0 : i32
    %dma_start3A_68 = arith.constant 0 : i32
    %dma_start3A_69 = tpu.memref_slice %arg7[%dma_start3A_67, %dma_start3A_68] : memref<4x80xi32, #tpu.memory_space<vmem>> -> memref<1x80xi32, #tpu.memory_space<vmem>>
    %dma_start3A_70 = tpu.memref_squeeze %dma_start3A_69 : memref<1x80xi32, #tpu.memory_space<vmem>> -> memref<80xi32, #tpu.memory_space<vmem>>
    %dma_start3A_71 = tpu.memref_slice %arg4[%multiple_of3A_66] : memref<160000xi32, #tpu.memory_space<hbm>> -> memref<80xi32, #tpu.memory_space<hbm>>
    %dma_start3A_72 = arith.constant 0 : i32
    %dma_start3A_73 = tpu.memref_slice %arg7[%dma_start3A_67, %dma_start3A_72] : memref<4x80xi32, #tpu.memory_space<vmem>> -> memref<1x80xi32, #tpu.memory_space<vmem>>
    %dma_start3A_74 = tpu.memref_squeeze %dma_start3A_73 : memref<1x80xi32, #tpu.memory_space<vmem>> -> memref<80xi32, #tpu.memory_space<vmem>>
    %dma_start3A_75 = tpu.memref_slice %arg4[%multiple_of3A_66] : memref<160000xi32, #tpu.memory_space<hbm>> -> memref<80xi32, #tpu.memory_space<hbm>>
    tpu.enqueue_dma source(%dma_start3A_75 : memref<80xi32, #tpu.memory_space<hbm>>) target(%dma_start3A_74 : memref<80xi32, #tpu.memory_space<vmem>>) target_semaphore(%arg14 : memref<!tpu.dma_semaphore, #tpu.memory_space<semaphore_mem>>)
    %add3A_76 = arith.constant 80 : i32
    %add3A_77 = arith.addi %mul3A_0, %add3A_76 : i32
    %multiple_of3A_78 = tpu.assume_multiple %add3A_77, 8 : i32
    %dma_start3A_79 = arith.constant 1 : i32
    %dma_start3A_80 = arith.constant 0 : i32
    %dma_start3A_81 = tpu.memref_slice %arg7[%dma_start3A_79, %dma_start3A_80] : memref<4x80xi32, #tpu.memory_space<vmem>> -> memref<1x80xi32, #tpu.memory_space<vmem>>
    %dma_start3A_82 = tpu.memref_squeeze %dma_start3A_81 : memref<1x80xi32, #tpu.memory_space<vmem>> -> memref<80xi32, #tpu.memory_space<vmem>>
    %dma_start3A_83 = tpu.memref_slice %arg4[%multiple_of3A_78] : memref<160000xi32, #tpu.memory_space<hbm>> -> memref<80xi32, #tpu.memory_space<hbm>>
    %dma_start3A_84 = arith.constant 0 : i32
    %dma_start3A_85 = tpu.memref_slice %arg7[%dma_start3A_79, %dma_start3A_84] : memref<4x80xi32, #tpu.memory_space<vmem>> -> memref<1x80xi32, #tpu.memory_space<vmem>>
    %dma_start3A_86 = tpu.memref_squeeze %dma_start3A_85 : memref<1x80xi32, #tpu.memory_space<vmem>> -> memref<80xi32, #tpu.memory_space<vmem>>
    %dma_start3A_87 = tpu.memref_slice %arg4[%multiple_of3A_78] : memref<160000xi32, #tpu.memory_space<hbm>> -> memref<80xi32, #tpu.memory_space<hbm>>
    tpu.enqueue_dma source(%dma_start3A_87 : memref<80xi32, #tpu.memory_space<hbm>>) target(%dma_start3A_86 : memref<80xi32, #tpu.memory_space<vmem>>) target_semaphore(%arg15 : memref<!tpu.dma_semaphore, #tpu.memory_space<semaphore_mem>>)
    %add3A_88 = arith.constant 0 : i32
    %add3A_89 = arith.addi %mul3A_0, %add3A_88 : i32
    %multiple_of3A_90 = tpu.assume_multiple %add3A_89, 8 : i32
    %dma_wait3A = arith.constant 0 : i32
    %dma_wait3A_91 = arith.constant 0 : i32
    %dma_wait3A_92 = tpu.memref_slice %arg6[%dma_wait3A, %dma_wait3A_91] : memref<4x80xi32, #tpu.memory_space<vmem>> -> memref<1x80xi32, #tpu.memory_space<vmem>>
    %dma_wait3A_93 = tpu.memref_squeeze %dma_wait3A_92 : memref<1x80xi32, #tpu.memory_space<vmem>> -> memref<80xi32, #tpu.memory_space<vmem>>
    %dma_wait3A_94 = tpu.memref_slice %arg3[%multiple_of3A_90] : memref<160000xi32, #tpu.memory_space<hbm>> -> memref<80xi32, #tpu.memory_space<hbm>>
    %dma_wait3A_95 = arith.constant 0 : i32
    %dma_wait3A_96 = tpu.memref_slice %arg6[%dma_wait3A, %dma_wait3A_95] : memref<4x80xi32, #tpu.memory_space<vmem>> -> memref<1x80xi32, #tpu.memory_space<vmem>>
    %dma_wait3A_97 = tpu.memref_squeeze %dma_wait3A_96 : memref<1x80xi32, #tpu.memory_space<vmem>> -> memref<80xi32, #tpu.memory_space<vmem>>
    %dma_wait3A_98 = tpu.memref_slice %arg3[%multiple_of3A_90] : memref<160000xi32, #tpu.memory_space<hbm>> -> memref<80xi32, #tpu.memory_space<hbm>>
    tpu.wait_dma2 semaphore(%arg10 : memref<!tpu.dma_semaphore, #tpu.memory_space<semaphore_mem>>) src(%dma_wait3A_98 : memref<80xi32, #tpu.memory_space<hbm>>) dst(%dma_wait3A_97 : memref<80xi32, #tpu.memory_space<vmem>>)
    %dma_start3A_99 = arith.constant 0 : i32
    %dma_start3A_100 = arith.constant 0 : i32
    %dma_start3A_101 = arith.constant 0 : i32
    %dma_start3A_102 = arith.constant 0 : i32
    %dma_start3A_103 = tpu.memref_slice %arg8[%dma_start3A_100, %dma_start3A_101, %dma_start3A_102] : memref<4x80x128xf32, #tpu.memory_space<vmem>> -> memref<1x80x128xf32, #tpu.memory_space<vmem>>
    %dma_start3A_104 = tpu.memref_squeeze %dma_start3A_103 : memref<1x80x128xf32, #tpu.memory_space<vmem>> -> memref<80x128xf32, #tpu.memory_space<vmem>>
    %dma_start3A_105 = arith.constant 0 : i32
    %dma_start3A_106 = tpu.memref_slice %arg6[%dma_start3A_99, %dma_start3A_105] : memref<4x80xi32, #tpu.memory_space<vmem>> -> memref<1x80xi32, #tpu.memory_space<vmem>>
    %dma_start3A_107 = tpu.memref_squeeze %dma_start3A_106 : memref<1x80xi32, #tpu.memory_space<vmem>> -> memref<80xi32, #tpu.memory_space<vmem>>
    %dma_start3A_108 = arith.constant 0 : i32
    %dma_start3A_109 = tpu.memref_slice %arg2[%dma_start3A_108, %multiple_of3A] : memref<10000x256xf32, #tpu.memory_space<hbm>> -> memref<10000x128xf32, #tpu.memory_space<hbm>>
    tpu.enqueue_indirect_dma source(%dma_start3A_109 : memref<10000x128xf32, #tpu.memory_space<hbm>>) target(%dma_start3A_104 : memref<80x128xf32, #tpu.memory_space<vmem>>) offsets(%dma_start3A_107 : memref<80xi32, #tpu.memory_space<vmem>>) semaphore(%arg18 : memref<!tpu.dma_semaphore, #tpu.memory_space<semaphore_mem>>)
    %add3A_110 = arith.constant 80 : i32
    %add3A_111 = arith.addi %mul3A_0, %add3A_110 : i32
    %multiple_of3A_112 = tpu.assume_multiple %add3A_111, 8 : i32
    %dma_wait3A_113 = arith.constant 1 : i32
    %dma_wait3A_114 = arith.constant 0 : i32
    %dma_wait3A_115 = tpu.memref_slice %arg6[%dma_wait3A_113, %dma_wait3A_114] : memref<4x80xi32, #tpu.memory_space<vmem>> -> memref<1x80xi32, #tpu.memory_space<vmem>>
    %dma_wait3A_116 = tpu.memref_squeeze %dma_wait3A_115 : memref<1x80xi32, #tpu.memory_space<vmem>> -> memref<80xi32, #tpu.memory_space<vmem>>
    %dma_wait3A_117 = tpu.memref_slice %arg3[%multiple_of3A_112] : memref<160000xi32, #tpu.memory_space<hbm>> -> memref<80xi32, #tpu.memory_space<hbm>>
    %dma_wait3A_118 = arith.constant 0 : i32
    %dma_wait3A_119 = tpu.memref_slice %arg6[%dma_wait3A_113, %dma_wait3A_118] : memref<4x80xi32, #tpu.memory_space<vmem>> -> memref<1x80xi32, #tpu.memory_space<vmem>>
    %dma_wait3A_120 = tpu.memref_squeeze %dma_wait3A_119 : memref<1x80xi32, #tpu.memory_space<vmem>> -> memref<80xi32, #tpu.memory_space<vmem>>
    %dma_wait3A_121 = tpu.memref_slice %arg3[%multiple_of3A_112] : memref<160000xi32, #tpu.memory_space<hbm>> -> memref<80xi32, #tpu.memory_space<hbm>>
    tpu.wait_dma2 semaphore(%arg11 : memref<!tpu.dma_semaphore, #tpu.memory_space<semaphore_mem>>) src(%dma_wait3A_121 : memref<80xi32, #tpu.memory_space<hbm>>) dst(%dma_wait3A_120 : memref<80xi32, #tpu.memory_space<vmem>>)
    %dma_start3A_122 = arith.constant 1 : i32
    %dma_start3A_123 = arith.constant 1 : i32
    %dma_start3A_124 = arith.constant 0 : i32
    %dma_start3A_125 = arith.constant 0 : i32
    %dma_start3A_126 = tpu.memref_slice %arg8[%dma_start3A_123, %dma_start3A_124, %dma_start3A_125] : memref<4x80x128xf32, #tpu.memory_space<vmem>> -> memref<1x80x128xf32, #tpu.memory_space<vmem>>
    %dma_start3A_127 = tpu.memref_squeeze %dma_start3A_126 : memref<1x80x128xf32, #tpu.memory_space<vmem>> -> memref<80x128xf32, #tpu.memory_space<vmem>>
    %dma_start3A_128 = arith.constant 0 : i32
    %dma_start3A_129 = tpu.memref_slice %arg6[%dma_start3A_122, %dma_start3A_128] : memref<4x80xi32, #tpu.memory_space<vmem>> -> memref<1x80xi32, #tpu.memory_space<vmem>>
    %dma_start3A_130 = tpu.memref_squeeze %dma_start3A_129 : memref<1x80xi32, #tpu.memory_space<vmem>> -> memref<80xi32, #tpu.memory_space<vmem>>
    %dma_start3A_131 = arith.constant 0 : i32
    %dma_start3A_132 = tpu.memref_slice %arg2[%dma_start3A_131, %multiple_of3A] : memref<10000x256xf32, #tpu.memory_space<hbm>> -> memref<10000x128xf32, #tpu.memory_space<hbm>>
    tpu.enqueue_indirect_dma source(%dma_start3A_132 : memref<10000x128xf32, #tpu.memory_space<hbm>>) target(%dma_start3A_127 : memref<80x128xf32, #tpu.memory_space<vmem>>) offsets(%dma_start3A_130 : memref<80xi32, #tpu.memory_space<vmem>>) semaphore(%arg19 : memref<!tpu.dma_semaphore, #tpu.memory_space<semaphore_mem>>)
    %scan3A_133 = arith.constant 0 : i32
    %scan3A_134 = arith.constant 32 : i32
    %scan3A_135 = arith.addi %scan3A_133, %scan3A_134 : i32
    %scan3A_136 = arith.constant 1 : i32
    scf.for %scan3A_169 = %scan3A_133 to %scan3A_135 step %scan3A_136  : i32 {
      %mul3A_170 = arith.constant 4 : i32
      %mul3A_171 = arith.muli %scan3A_169, %mul3A_170 : i32
      %add3A_172 = arith.constant 0 : i32
      %add3A_173 = arith.addi %add3A_172, %mul3A_171 : i32
      %add3A_174 = arith.constant 0 : i32
      %add3A_175 = arith.addi %add3A_173, %add3A_174 : i32
      %lt3A_176 = arith.constant 125 : i32
      %lt3A_177 = arith.cmpi slt, %add3A_175, %lt3A_176 : i32
      %convert_element_type3A_178 = arith.extui %lt3A_177 : i1 to i32
      %cond3A_179 = arith.constant 0 : i32
      %cond3A_180 = arith.cmpi ne, %convert_element_type3A_178, %cond3A_179 : i32
      scf.if %cond3A_180 {
        %dma_wait3A_202 = arith.constant 0 : i32
        %dma_wait3A_203 = arith.constant 0 : i32
        %dma_wait3A_204 = arith.constant 0 : i32
        %dma_wait3A_205 = arith.constant 0 : i32
        %dma_wait3A_206 = tpu.memref_slice %arg8[%dma_wait3A_203, %dma_wait3A_204, %dma_wait3A_205] : memref<4x80x128xf32, #tpu.memory_space<vmem>> -> memref<1x80x128xf32, #tpu.memory_space<vmem>>
        %dma_wait3A_207 = tpu.memref_squeeze %dma_wait3A_206 : memref<1x80x128xf32, #tpu.memory_space<vmem>> -> memref<80x128xf32, #tpu.memory_space<vmem>>
        %dma_wait3A_208 = arith.constant 0 : i32
        %dma_wait3A_209 = tpu.memref_slice %arg6[%dma_wait3A_202, %dma_wait3A_208] : memref<4x80xi32, #tpu.memory_space<vmem>> -> memref<1x80xi32, #tpu.memory_space<vmem>>
        %dma_wait3A_210 = tpu.memref_squeeze %dma_wait3A_209 : memref<1x80xi32, #tpu.memory_space<vmem>> -> memref<80xi32, #tpu.memory_space<vmem>>
        %dma_wait3A_211 = arith.constant 0 : i32
        %dma_wait3A_212 = tpu.memref_slice %arg2[%dma_wait3A_211, %multiple_of3A] : memref<10000x256xf32, #tpu.memory_space<hbm>> -> memref<10000x128xf32, #tpu.memory_space<hbm>>
        tpu.wait_indirect_dma semaphore(%arg18 : memref<!tpu.dma_semaphore, #tpu.memory_space<semaphore_mem>>) src(%dma_wait3A_212 : memref<10000x128xf32, #tpu.memory_space<hbm>>) dst(%dma_wait3A_207 : memref<80x128xf32, #tpu.memory_space<vmem>>)
        %add3A_213 = arith.constant 4 : i32
        %add3A_214 = arith.addi %add3A_175, %add3A_213 : i32
        %lt3A_215 = arith.constant 125 : i32
        %lt3A_216 = arith.cmpi slt, %add3A_214, %lt3A_215 : i32
        %convert_element_type3A_217 = arith.extui %lt3A_216 : i1 to i32
        %cond3A_218 = arith.constant 0 : i32
        %cond3A_219 = arith.cmpi ne, %convert_element_type3A_217, %cond3A_218 : i32
        scf.if %cond3A_219 {
          %add3A_256 = arith.constant 4 : i32
          %add3A_257 = arith.addi %add3A_175, %add3A_256 : i32
          %mul3A_258 = arith.constant 80 : i32
          %mul3A_259 = arith.muli %add3A_257, %mul3A_258 : i32
          %add3A_260 = arith.addi %mul3A_0, %mul3A_259 : i32
          %multiple_of3A_261 = tpu.assume_multiple %add3A_260, 8 : i32
          %dma_start3A_262 = arith.constant 0 : i32
          %dma_start3A_263 = arith.constant 0 : i32
          %dma_start3A_264 = tpu.memref_slice %arg6[%dma_start3A_262, %dma_start3A_263] : memref<4x80xi32, #tpu.memory_space<vmem>> -> memref<1x80xi32, #tpu.memory_space<vmem>>
          %dma_start3A_265 = tpu.memref_squeeze %dma_start3A_264 : memref<1x80xi32, #tpu.memory_space<vmem>> -> memref<80xi32, #tpu.memory_space<vmem>>
          %dma_start3A_266 = tpu.memref_slice %arg3[%multiple_of3A_261] : memref<160000xi32, #tpu.memory_space<hbm>> -> memref<80xi32, #tpu.memory_space<hbm>>
          %dma_start3A_267 = arith.constant 0 : i32
          %dma_start3A_268 = tpu.memref_slice %arg6[%dma_start3A_262, %dma_start3A_267] : memref<4x80xi32, #tpu.memory_space<vmem>> -> memref<1x80xi32, #tpu.memory_space<vmem>>
          %dma_start3A_269 = tpu.memref_squeeze %dma_start3A_268 : memref<1x80xi32, #tpu.memory_space<vmem>> -> memref<80xi32, #tpu.memory_space<vmem>>
          %dma_start3A_270 = tpu.memref_slice %arg3[%multiple_of3A_261] : memref<160000xi32, #tpu.memory_space<hbm>> -> memref<80xi32, #tpu.memory_space<hbm>>
          tpu.enqueue_dma source(%dma_start3A_270 : memref<80xi32, #tpu.memory_space<hbm>>) target(%dma_start3A_269 : memref<80xi32, #tpu.memory_space<vmem>>) target_semaphore(%arg10 : memref<!tpu.dma_semaphore, #tpu.memory_space<semaphore_mem>>)
        } else {
        }
        %ge3A = arith.constant 2 : i32
        %ge3A_220 = arith.cmpi sge, %add3A_175, %ge3A : i32
        %convert_element_type3A_221 = arith.extui %ge3A_220 : i1 to i32
        %cond3A_222 = arith.constant 0 : i32
        %cond3A_223 = arith.cmpi ne, %convert_element_type3A_221, %cond3A_222 : i32
        scf.if %cond3A_223 {
          %sub3A_256 = arith.constant 2 : i32
          %sub3A_257 = arith.subi %add3A_175, %sub3A_256 : i32
          %dma_wait3A_258 = arith.constant 2 : i32
          %dma_wait3A_259 = arith.constant 2 : i32
          %dma_wait3A_260 = arith.constant 0 : i32
          %dma_wait3A_261 = arith.constant 0 : i32
          %dma_wait3A_262 = tpu.memref_slice %arg8[%dma_wait3A_258, %dma_wait3A_260, %dma_wait3A_261] : memref<4x80x128xf32, #tpu.memory_space<vmem>> -> memref<1x80x128xf32, #tpu.memory_space<vmem>>
          %dma_wait3A_263 = tpu.memref_squeeze %dma_wait3A_262 : memref<1x80x128xf32, #tpu.memory_space<vmem>> -> memref<80x128xf32, #tpu.memory_space<vmem>>
          %dma_wait3A_264 = arith.constant 0 : i32
          %dma_wait3A_265 = tpu.memref_slice %arg7[%dma_wait3A_259, %dma_wait3A_264] : memref<4x80xi32, #tpu.memory_space<vmem>> -> memref<1x80xi32, #tpu.memory_space<vmem>>
          %dma_wait3A_266 = tpu.memref_squeeze %dma_wait3A_265 : memref<1x80xi32, #tpu.memory_space<vmem>> -> memref<80xi32, #tpu.memory_space<vmem>>
          %dma_wait3A_267 = arith.constant 0 : i32
          %dma_wait3A_268 = arith.constant 0 : i32
          %dma_wait3A_269 = tpu.memref_slice %arg9[%dma_wait3A_267, %dma_wait3A_268] : memref<10000x128xf32, #tpu.memory_space<vmem_shared>> -> memref<10000x128xf32, #tpu.memory_space<vmem_shared>>
          tpu.wait_indirect_dma semaphore(%arg24 : memref<!tpu.dma_semaphore, #tpu.memory_space<semaphore_mem>>) src(%dma_wait3A_263 : memref<80x128xf32, #tpu.memory_space<vmem>>) dst(%dma_wait3A_269 : memref<10000x128xf32, #tpu.memory_space<vmem_shared>>)
        } else {
        }
        %add3A_224 = arith.constant 2 : i32
        %add3A_225 = arith.addi %add3A_175, %add3A_224 : i32
        %lt3A_226 = arith.constant 125 : i32
        %lt3A_227 = arith.cmpi slt, %add3A_225, %lt3A_226 : i32
        %convert_element_type3A_228 = arith.extui %lt3A_227 : i1 to i32
        %cond3A_229 = arith.constant 0 : i32
        %cond3A_230 = arith.cmpi ne, %convert_element_type3A_228, %cond3A_229 : i32
        scf.if %cond3A_230 {
          %add3A_256 = arith.constant 2 : i32
          %add3A_257 = arith.addi %add3A_175, %add3A_256 : i32
          %mul3A_258 = arith.constant 80 : i32
          %mul3A_259 = arith.muli %add3A_257, %mul3A_258 : i32
          %add3A_260 = arith.addi %mul3A_0, %mul3A_259 : i32
          %multiple_of3A_261 = tpu.assume_multiple %add3A_260, 8 : i32
          %dma_start3A_262 = arith.constant 2 : i32
          %dma_start3A_263 = arith.constant 0 : i32
          %dma_start3A_264 = tpu.memref_slice %arg7[%dma_start3A_262, %dma_start3A_263] : memref<4x80xi32, #tpu.memory_space<vmem>> -> memref<1x80xi32, #tpu.memory_space<vmem>>
          %dma_start3A_265 = tpu.memref_squeeze %dma_start3A_264 : memref<1x80xi32, #tpu.memory_space<vmem>> -> memref<80xi32, #tpu.memory_space<vmem>>
          %dma_start3A_266 = tpu.memref_slice %arg4[%multiple_of3A_261] : memref<160000xi32, #tpu.memory_space<hbm>> -> memref<80xi32, #tpu.memory_space<hbm>>
          %dma_start3A_267 = arith.constant 0 : i32
          %dma_start3A_268 = tpu.memref_slice %arg7[%dma_start3A_262, %dma_start3A_267] : memref<4x80xi32, #tpu.memory_space<vmem>> -> memref<1x80xi32, #tpu.memory_space<vmem>>
          %dma_start3A_269 = tpu.memref_squeeze %dma_start3A_268 : memref<1x80xi32, #tpu.memory_space<vmem>> -> memref<80xi32, #tpu.memory_space<vmem>>
          %dma_start3A_270 = tpu.memref_slice %arg4[%multiple_of3A_261] : memref<160000xi32, #tpu.memory_space<hbm>> -> memref<80xi32, #tpu.memory_space<hbm>>
          tpu.enqueue_dma source(%dma_start3A_270 : memref<80xi32, #tpu.memory_space<hbm>>) target(%dma_start3A_269 : memref<80xi32, #tpu.memory_space<vmem>>) target_semaphore(%arg16 : memref<!tpu.dma_semaphore, #tpu.memory_space<semaphore_mem>>)
          %add3A_271 = arith.constant 2 : i32
          %add3A_272 = arith.addi %add3A_175, %add3A_271 : i32
          %mul3A_273 = arith.constant 80 : i32
          %mul3A_274 = arith.muli %add3A_272, %mul3A_273 : i32
          %add3A_275 = arith.addi %mul3A_0, %mul3A_274 : i32
          %multiple_of3A_276 = tpu.assume_multiple %add3A_275, 8 : i32
          %dma_wait3A_277 = arith.constant 2 : i32
          %dma_wait3A_278 = arith.constant 0 : i32
          %dma_wait3A_279 = tpu.memref_slice %arg6[%dma_wait3A_277, %dma_wait3A_278] : memref<4x80xi32, #tpu.memory_space<vmem>> -> memref<1x80xi32, #tpu.memory_space<vmem>>
          %dma_wait3A_280 = tpu.memref_squeeze %dma_wait3A_279 : memref<1x80xi32, #tpu.memory_space<vmem>> -> memref<80xi32, #tpu.memory_space<vmem>>
          %dma_wait3A_281 = tpu.memref_slice %arg3[%multiple_of3A_276] : memref<160000xi32, #tpu.memory_space<hbm>> -> memref<80xi32, #tpu.memory_space<hbm>>
          %dma_wait3A_282 = arith.constant 0 : i32
          %dma_wait3A_283 = tpu.memref_slice %arg6[%dma_wait3A_277, %dma_wait3A_282] : memref<4x80xi32, #tpu.memory_space<vmem>> -> memref<1x80xi32, #tpu.memory_space<vmem>>
          %dma_wait3A_284 = tpu.memref_squeeze %dma_wait3A_283 : memref<1x80xi32, #tpu.memory_space<vmem>> -> memref<80xi32, #tpu.memory_space<vmem>>
          %dma_wait3A_285 = tpu.memref_slice %arg3[%multiple_of3A_276] : memref<160000xi32, #tpu.memory_space<hbm>> -> memref<80xi32, #tpu.memory_space<hbm>>
          tpu.wait_dma2 semaphore(%arg12 : memref<!tpu.dma_semaphore, #tpu.memory_space<semaphore_mem>>) src(%dma_wait3A_285 : memref<80xi32, #tpu.memory_space<hbm>>) dst(%dma_wait3A_284 : memref<80xi32, #tpu.memory_space<vmem>>)
          %add3A_286 = arith.constant 2 : i32
          %add3A_287 = arith.addi %add3A_175, %add3A_286 : i32
          %dma_start3A_288 = arith.constant 2 : i32
          %dma_start3A_289 = arith.constant 2 : i32
          %dma_start3A_290 = arith.constant 0 : i32
          %dma_start3A_291 = arith.constant 0 : i32
          %dma_start3A_292 = tpu.memref_slice %arg8[%dma_start3A_289, %dma_start3A_290, %dma_start3A_291] : memref<4x80x128xf32, #tpu.memory_space<vmem>> -> memref<1x80x128xf32, #tpu.memory_space<vmem>>
          %dma_start3A_293 = tpu.memref_squeeze %dma_start3A_292 : memref<1x80x128xf32, #tpu.memory_space<vmem>> -> memref<80x128xf32, #tpu.memory_space<vmem>>
          %dma_start3A_294 = arith.constant 0 : i32
          %dma_start3A_295 = tpu.memref_slice %arg6[%dma_start3A_288, %dma_start3A_294] : memref<4x80xi32, #tpu.memory_space<vmem>> -> memref<1x80xi32, #tpu.memory_space<vmem>>
          %dma_start3A_296 = tpu.memref_squeeze %dma_start3A_295 : memref<1x80xi32, #tpu.memory_space<vmem>> -> memref<80xi32, #tpu.memory_space<vmem>>
          %dma_start3A_297 = arith.constant 0 : i32
          %dma_start3A_298 = tpu.memref_slice %arg2[%dma_start3A_297, %multiple_of3A] : memref<10000x256xf32, #tpu.memory_space<hbm>> -> memref<10000x128xf32, #tpu.memory_space<hbm>>
          tpu.enqueue_indirect_dma source(%dma_start3A_298 : memref<10000x128xf32, #tpu.memory_space<hbm>>) target(%dma_start3A_293 : memref<80x128xf32, #tpu.memory_space<vmem>>) offsets(%dma_start3A_296 : memref<80xi32, #tpu.memory_space<vmem>>) semaphore(%arg20 : memref<!tpu.dma_semaphore, #tpu.memory_space<semaphore_mem>>)
        } else {
        }
        %mul3A_231 = arith.constant 80 : i32
        %mul3A_232 = arith.muli %add3A_175, %mul3A_231 : i32
        %add3A_233 = arith.addi %mul3A_0, %mul3A_232 : i32
        %multiple_of3A_234 = tpu.assume_multiple %add3A_233, 8 : i32
        %dma_wait3A_235 = arith.constant 0 : i32
        %dma_wait3A_236 = arith.constant 0 : i32
        %dma_wait3A_237 = tpu.memref_slice %arg7[%dma_wait3A_235, %dma_wait3A_236] : memref<4x80xi32, #tpu.memory_space<vmem>> -> memref<1x80xi32, #tpu.memory_space<vmem>>
        %dma_wait3A_238 = tpu.memref_squeeze %dma_wait3A_237 : memref<1x80xi32, #tpu.memory_space<vmem>> -> memref<80xi32, #tpu.memory_space<vmem>>
        %dma_wait3A_239 = tpu.memref_slice %arg4[%multiple_of3A_234] : memref<160000xi32, #tpu.memory_space<hbm>> -> memref<80xi32, #tpu.memory_space<hbm>>
        %dma_wait3A_240 = arith.constant 0 : i32
        %dma_wait3A_241 = tpu.memref_slice %arg7[%dma_wait3A_235, %dma_wait3A_240] : memref<4x80xi32, #tpu.memory_space<vmem>> -> memref<1x80xi32, #tpu.memory_space<vmem>>
        %dma_wait3A_242 = tpu.memref_squeeze %dma_wait3A_241 : memref<1x80xi32, #tpu.memory_space<vmem>> -> memref<80xi32, #tpu.memory_space<vmem>>
        %dma_wait3A_243 = tpu.memref_slice %arg4[%multiple_of3A_234] : memref<160000xi32, #tpu.memory_space<hbm>> -> memref<80xi32, #tpu.memory_space<hbm>>
        tpu.wait_dma2 semaphore(%arg14 : memref<!tpu.dma_semaphore, #tpu.memory_space<semaphore_mem>>) src(%dma_wait3A_243 : memref<80xi32, #tpu.memory_space<hbm>>) dst(%dma_wait3A_242 : memref<80xi32, #tpu.memory_space<vmem>>)
        %dma_start3A_244 = arith.constant 0 : i32
        %dma_start3A_245 = arith.constant 0 : i32
        %dma_start3A_246 = arith.constant 0 : i32
        %dma_start3A_247 = arith.constant 0 : i32
        %dma_start3A_248 = tpu.memref_slice %arg8[%dma_start3A_244, %dma_start3A_246, %dma_start3A_247] : memref<4x80x128xf32, #tpu.memory_space<vmem>> -> memref<1x80x128xf32, #tpu.memory_space<vmem>>
        %dma_start3A_249 = tpu.memref_squeeze %dma_start3A_248 : memref<1x80x128xf32, #tpu.memory_space<vmem>> -> memref<80x128xf32, #tpu.memory_space<vmem>>
        %dma_start3A_250 = arith.constant 0 : i32
        %dma_start3A_251 = tpu.memref_slice %arg7[%dma_start3A_245, %dma_start3A_250] : memref<4x80xi32, #tpu.memory_space<vmem>> -> memref<1x80xi32, #tpu.memory_space<vmem>>
        %dma_start3A_252 = tpu.memref_squeeze %dma_start3A_251 : memref<1x80xi32, #tpu.memory_space<vmem>> -> memref<80xi32, #tpu.memory_space<vmem>>
        %dma_start3A_253 = arith.constant 0 : i32
        %dma_start3A_254 = arith.constant 0 : i32
        %dma_start3A_255 = tpu.memref_slice %arg9[%dma_start3A_253, %dma_start3A_254] : memref<10000x128xf32, #tpu.memory_space<vmem_shared>> -> memref<10000x128xf32, #tpu.memory_space<vmem_shared>>
        tpu.enqueue_indirect_dma source(%dma_start3A_249 : memref<80x128xf32, #tpu.memory_space<vmem>>) target(%dma_start3A_255 : memref<10000x128xf32, #tpu.memory_space<vmem_shared>>) offsets(%dma_start3A_252 : memref<80xi32, #tpu.memory_space<vmem>>) semaphore(%arg22 : memref<!tpu.dma_semaphore, #tpu.memory_space<semaphore_mem>>) {add = true}
      } else {
      }
      %add3A_181 = arith.constant 1 : i32
      %add3A_182 = arith.addi %add3A_173, %add3A_181 : i32
      %lt3A_183 = arith.constant 125 : i32
      %lt3A_184 = arith.cmpi slt, %add3A_182, %lt3A_183 : i32
      %convert_element_type3A_185 = arith.extui %lt3A_184 : i1 to i32
      %cond3A_186 = arith.constant 0 : i32
      %cond3A_187 = arith.cmpi ne, %convert_element_type3A_185, %cond3A_186 : i32
      scf.if %cond3A_187 {
        %dma_wait3A_202 = arith.constant 1 : i32
        %dma_wait3A_203 = arith.constant 1 : i32
        %dma_wait3A_204 = arith.constant 0 : i32
        %dma_wait3A_205 = arith.constant 0 : i32
        %dma_wait3A_206 = tpu.memref_slice %arg8[%dma_wait3A_203, %dma_wait3A_204, %dma_wait3A_205] : memref<4x80x128xf32, #tpu.memory_space<vmem>> -> memref<1x80x128xf32, #tpu.memory_space<vmem>>
        %dma_wait3A_207 = tpu.memref_squeeze %dma_wait3A_206 : memref<1x80x128xf32, #tpu.memory_space<vmem>> -> memref<80x128xf32, #tpu.memory_space<vmem>>
        %dma_wait3A_208 = arith.constant 0 : i32
        %dma_wait3A_209 = tpu.memref_slice %arg6[%dma_wait3A_202, %dma_wait3A_208] : memref<4x80xi32, #tpu.memory_space<vmem>> -> memref<1x80xi32, #tpu.memory_space<vmem>>
        %dma_wait3A_210 = tpu.memref_squeeze %dma_wait3A_209 : memref<1x80xi32, #tpu.memory_space<vmem>> -> memref<80xi32, #tpu.memory_space<vmem>>
        %dma_wait3A_211 = arith.constant 0 : i32
        %dma_wait3A_212 = tpu.memref_slice %arg2[%dma_wait3A_211, %multiple_of3A] : memref<10000x256xf32, #tpu.memory_space<hbm>> -> memref<10000x128xf32, #tpu.memory_space<hbm>>
        tpu.wait_indirect_dma semaphore(%arg19 : memref<!tpu.dma_semaphore, #tpu.memory_space<semaphore_mem>>) src(%dma_wait3A_212 : memref<10000x128xf32, #tpu.memory_space<hbm>>) dst(%dma_wait3A_207 : memref<80x128xf32, #tpu.memory_space<vmem>>)
        %add3A_213 = arith.constant 4 : i32
        %add3A_214 = arith.addi %add3A_182, %add3A_213 : i32
        %lt3A_215 = arith.constant 125 : i32
        %lt3A_216 = arith.cmpi slt, %add3A_214, %lt3A_215 : i32
        %convert_element_type3A_217 = arith.extui %lt3A_216 : i1 to i32
        %cond3A_218 = arith.constant 0 : i32
        %cond3A_219 = arith.cmpi ne, %convert_element_type3A_217, %cond3A_218 : i32
        scf.if %cond3A_219 {
          %add3A_256 = arith.constant 4 : i32
          %add3A_257 = arith.addi %add3A_182, %add3A_256 : i32
          %mul3A_258 = arith.constant 80 : i32
          %mul3A_259 = arith.muli %add3A_257, %mul3A_258 : i32
          %add3A_260 = arith.addi %mul3A_0, %mul3A_259 : i32
          %multiple_of3A_261 = tpu.assume_multiple %add3A_260, 8 : i32
          %dma_start3A_262 = arith.constant 1 : i32
          %dma_start3A_263 = arith.constant 0 : i32
          %dma_start3A_264 = tpu.memref_slice %arg6[%dma_start3A_262, %dma_start3A_263] : memref<4x80xi32, #tpu.memory_space<vmem>> -> memref<1x80xi32, #tpu.memory_space<vmem>>
          %dma_start3A_265 = tpu.memref_squeeze %dma_start3A_264 : memref<1x80xi32, #tpu.memory_space<vmem>> -> memref<80xi32, #tpu.memory_space<vmem>>
          %dma_start3A_266 = tpu.memref_slice %arg3[%multiple_of3A_261] : memref<160000xi32, #tpu.memory_space<hbm>> -> memref<80xi32, #tpu.memory_space<hbm>>
          %dma_start3A_267 = arith.constant 0 : i32
          %dma_start3A_268 = tpu.memref_slice %arg6[%dma_start3A_262, %dma_start3A_267] : memref<4x80xi32, #tpu.memory_space<vmem>> -> memref<1x80xi32, #tpu.memory_space<vmem>>
          %dma_start3A_269 = tpu.memref_squeeze %dma_start3A_268 : memref<1x80xi32, #tpu.memory_space<vmem>> -> memref<80xi32, #tpu.memory_space<vmem>>
          %dma_start3A_270 = tpu.memref_slice %arg3[%multiple_of3A_261] : memref<160000xi32, #tpu.memory_space<hbm>> -> memref<80xi32, #tpu.memory_space<hbm>>
          tpu.enqueue_dma source(%dma_start3A_270 : memref<80xi32, #tpu.memory_space<hbm>>) target(%dma_start3A_269 : memref<80xi32, #tpu.memory_space<vmem>>) target_semaphore(%arg11 : memref<!tpu.dma_semaphore, #tpu.memory_space<semaphore_mem>>)
        } else {
        }
        %ge3A = arith.constant 2 : i32
        %ge3A_220 = arith.cmpi sge, %add3A_182, %ge3A : i32
        %convert_element_type3A_221 = arith.extui %ge3A_220 : i1 to i32
        %cond3A_222 = arith.constant 0 : i32
        %cond3A_223 = arith.cmpi ne, %convert_element_type3A_221, %cond3A_222 : i32
        scf.if %cond3A_223 {
          %sub3A_256 = arith.constant 2 : i32
          %sub3A_257 = arith.subi %add3A_182, %sub3A_256 : i32
          %dma_wait3A_258 = arith.constant 3 : i32
          %dma_wait3A_259 = arith.constant 3 : i32
          %dma_wait3A_260 = arith.constant 0 : i32
          %dma_wait3A_261 = arith.constant 0 : i32
          %dma_wait3A_262 = tpu.memref_slice %arg8[%dma_wait3A_258, %dma_wait3A_260, %dma_wait3A_261] : memref<4x80x128xf32, #tpu.memory_space<vmem>> -> memref<1x80x128xf32, #tpu.memory_space<vmem>>
          %dma_wait3A_263 = tpu.memref_squeeze %dma_wait3A_262 : memref<1x80x128xf32, #tpu.memory_space<vmem>> -> memref<80x128xf32, #tpu.memory_space<vmem>>
          %dma_wait3A_264 = arith.constant 0 : i32
          %dma_wait3A_265 = tpu.memref_slice %arg7[%dma_wait3A_259, %dma_wait3A_264] : memref<4x80xi32, #tpu.memory_space<vmem>> -> memref<1x80xi32, #tpu.memory_space<vmem>>
          %dma_wait3A_266 = tpu.memref_squeeze %dma_wait3A_265 : memref<1x80xi32, #tpu.memory_space<vmem>> -> memref<80xi32, #tpu.memory_space<vmem>>
          %dma_wait3A_267 = arith.constant 0 : i32
          %dma_wait3A_268 = arith.constant 0 : i32
          %dma_wait3A_269 = tpu.memref_slice %arg9[%dma_wait3A_267, %dma_wait3A_268] : memref<10000x128xf32, #tpu.memory_space<vmem_shared>> -> memref<10000x128xf32, #tpu.memory_space<vmem_shared>>
          tpu.wait_indirect_dma semaphore(%arg25 : memref<!tpu.dma_semaphore, #tpu.memory_space<semaphore_mem>>) src(%dma_wait3A_263 : memref<80x128xf32, #tpu.memory_space<vmem>>) dst(%dma_wait3A_269 : memref<10000x128xf32, #tpu.memory_space<vmem_shared>>)
        } else {
        }
        %add3A_224 = arith.constant 2 : i32
        %add3A_225 = arith.addi %add3A_182, %add3A_224 : i32
        %lt3A_226 = arith.constant 125 : i32
        %lt3A_227 = arith.cmpi slt, %add3A_225, %lt3A_226 : i32
        %convert_element_type3A_228 = arith.extui %lt3A_227 : i1 to i32
        %cond3A_229 = arith.constant 0 : i32
        %cond3A_230 = arith.cmpi ne, %convert_element_type3A_228, %cond3A_229 : i32
        scf.if %cond3A_230 {
          %add3A_256 = arith.constant 2 : i32
          %add3A_257 = arith.addi %add3A_182, %add3A_256 : i32
          %mul3A_258 = arith.constant 80 : i32
          %mul3A_259 = arith.muli %add3A_257, %mul3A_258 : i32
          %add3A_260 = arith.addi %mul3A_0, %mul3A_259 : i32
          %multiple_of3A_261 = tpu.assume_multiple %add3A_260, 8 : i32
          %dma_start3A_262 = arith.constant 3 : i32
          %dma_start3A_263 = arith.constant 0 : i32
          %dma_start3A_264 = tpu.memref_slice %arg7[%dma_start3A_262, %dma_start3A_263] : memref<4x80xi32, #tpu.memory_space<vmem>> -> memref<1x80xi32, #tpu.memory_space<vmem>>
          %dma_start3A_265 = tpu.memref_squeeze %dma_start3A_264 : memref<1x80xi32, #tpu.memory_space<vmem>> -> memref<80xi32, #tpu.memory_space<vmem>>
          %dma_start3A_266 = tpu.memref_slice %arg4[%multiple_of3A_261] : memref<160000xi32, #tpu.memory_space<hbm>> -> memref<80xi32, #tpu.memory_space<hbm>>
          %dma_start3A_267 = arith.constant 0 : i32
          %dma_start3A_268 = tpu.memref_slice %arg7[%dma_start3A_262, %dma_start3A_267] : memref<4x80xi32, #tpu.memory_space<vmem>> -> memref<1x80xi32, #tpu.memory_space<vmem>>
          %dma_start3A_269 = tpu.memref_squeeze %dma_start3A_268 : memref<1x80xi32, #tpu.memory_space<vmem>> -> memref<80xi32, #tpu.memory_space<vmem>>
          %dma_start3A_270 = tpu.memref_slice %arg4[%multiple_of3A_261] : memref<160000xi32, #tpu.memory_space<hbm>> -> memref<80xi32, #tpu.memory_space<hbm>>
          tpu.enqueue_dma source(%dma_start3A_270 : memref<80xi32, #tpu.memory_space<hbm>>) target(%dma_start3A_269 : memref<80xi32, #tpu.memory_space<vmem>>) target_semaphore(%arg17 : memref<!tpu.dma_semaphore, #tpu.memory_space<semaphore_mem>>)
          %add3A_271 = arith.constant 2 : i32
          %add3A_272 = arith.addi %add3A_182, %add3A_271 : i32
          %mul3A_273 = arith.constant 80 : i32
          %mul3A_274 = arith.muli %add3A_272, %mul3A_273 : i32
          %add3A_275 = arith.addi %mul3A_0, %mul3A_274 : i32
          %multiple_of3A_276 = tpu.assume_multiple %add3A_275, 8 : i32
          %dma_wait3A_277 = arith.constant 3 : i32
          %dma_wait3A_278 = arith.constant 0 : i32
          %dma_wait3A_279 = tpu.memref_slice %arg6[%dma_wait3A_277, %dma_wait3A_278] : memref<4x80xi32, #tpu.memory_space<vmem>> -> memref<1x80xi32, #tpu.memory_space<vmem>>
          %dma_wait3A_280 = tpu.memref_squeeze %dma_wait3A_279 : memref<1x80xi32, #tpu.memory_space<vmem>> -> memref<80xi32, #tpu.memory_space<vmem>>
          %dma_wait3A_281 = tpu.memref_slice %arg3[%multiple_of3A_276] : memref<160000xi32, #tpu.memory_space<hbm>> -> memref<80xi32, #tpu.memory_space<hbm>>
          %dma_wait3A_282 = arith.constant 0 : i32
          %dma_wait3A_283 = tpu.memref_slice %arg6[%dma_wait3A_277, %dma_wait3A_282] : memref<4x80xi32, #tpu.memory_space<vmem>> -> memref<1x80xi32, #tpu.memory_space<vmem>>
          %dma_wait3A_284 = tpu.memref_squeeze %dma_wait3A_283 : memref<1x80xi32, #tpu.memory_space<vmem>> -> memref<80xi32, #tpu.memory_space<vmem>>
          %dma_wait3A_285 = tpu.memref_slice %arg3[%multiple_of3A_276] : memref<160000xi32, #tpu.memory_space<hbm>> -> memref<80xi32, #tpu.memory_space<hbm>>
          tpu.wait_dma2 semaphore(%arg13 : memref<!tpu.dma_semaphore, #tpu.memory_space<semaphore_mem>>) src(%dma_wait3A_285 : memref<80xi32, #tpu.memory_space<hbm>>) dst(%dma_wait3A_284 : memref<80xi32, #tpu.memory_space<vmem>>)
          %add3A_286 = arith.constant 2 : i32
          %add3A_287 = arith.addi %add3A_182, %add3A_286 : i32
          %dma_start3A_288 = arith.constant 3 : i32
          %dma_start3A_289 = arith.constant 3 : i32
          %dma_start3A_290 = arith.constant 0 : i32
          %dma_start3A_291 = arith.constant 0 : i32
          %dma_start3A_292 = tpu.memref_slice %arg8[%dma_start3A_289, %dma_start3A_290, %dma_start3A_291] : memref<4x80x128xf32, #tpu.memory_space<vmem>> -> memref<1x80x128xf32, #tpu.memory_space<vmem>>
          %dma_start3A_293 = tpu.memref_squeeze %dma_start3A_292 : memref<1x80x128xf32, #tpu.memory_space<vmem>> -> memref<80x128xf32, #tpu.memory_space<vmem>>
          %dma_start3A_294 = arith.constant 0 : i32
          %dma_start3A_295 = tpu.memref_slice %arg6[%dma_start3A_288, %dma_start3A_294] : memref<4x80xi32, #tpu.memory_space<vmem>> -> memref<1x80xi32, #tpu.memory_space<vmem>>
          %dma_start3A_296 = tpu.memref_squeeze %dma_start3A_295 : memref<1x80xi32, #tpu.memory_space<vmem>> -> memref<80xi32, #tpu.memory_space<vmem>>
          %dma_start3A_297 = arith.constant 0 : i32
          %dma_start3A_298 = tpu.memref_slice %arg2[%dma_start3A_297, %multiple_of3A] : memref<10000x256xf32, #tpu.memory_space<hbm>> -> memref<10000x128xf32, #tpu.memory_space<hbm>>
          tpu.enqueue_indirect_dma source(%dma_start3A_298 : memref<10000x128xf32, #tpu.memory_space<hbm>>) target(%dma_start3A_293 : memref<80x128xf32, #tpu.memory_space<vmem>>) offsets(%dma_start3A_296 : memref<80xi32, #tpu.memory_space<vmem>>) semaphore(%arg21 : memref<!tpu.dma_semaphore, #tpu.memory_space<semaphore_mem>>)
        } else {
        }
        %mul3A_231 = arith.constant 80 : i32
        %mul3A_232 = arith.muli %add3A_182, %mul3A_231 : i32
        %add3A_233 = arith.addi %mul3A_0, %mul3A_232 : i32
        %multiple_of3A_234 = tpu.assume_multiple %add3A_233, 8 : i32
        %dma_wait3A_235 = arith.constant 1 : i32
        %dma_wait3A_236 = arith.constant 0 : i32
        %dma_wait3A_237 = tpu.memref_slice %arg7[%dma_wait3A_235, %dma_wait3A_236] : memref<4x80xi32, #tpu.memory_space<vmem>> -> memref<1x80xi32, #tpu.memory_space<vmem>>
        %dma_wait3A_238 = tpu.memref_squeeze %dma_wait3A_237 : memref<1x80xi32, #tpu.memory_space<vmem>> -> memref<80xi32, #tpu.memory_space<vmem>>
        %dma_wait3A_239 = tpu.memref_slice %arg4[%multiple_of3A_234] : memref<160000xi32, #tpu.memory_space<hbm>> -> memref<80xi32, #tpu.memory_space<hbm>>
        %dma_wait3A_240 = arith.constant 0 : i32
        %dma_wait3A_241 = tpu.memref_slice %arg7[%dma_wait3A_235, %dma_wait3A_240] : memref<4x80xi32, #tpu.memory_space<vmem>> -> memref<1x80xi32, #tpu.memory_space<vmem>>
        %dma_wait3A_242 = tpu.memref_squeeze %dma_wait3A_241 : memref<1x80xi32, #tpu.memory_space<vmem>> -> memref<80xi32, #tpu.memory_space<vmem>>
        %dma_wait3A_243 = tpu.memref_slice %arg4[%multiple_of3A_234] : memref<160000xi32, #tpu.memory_space<hbm>> -> memref<80xi32, #tpu.memory_space<hbm>>
        tpu.wait_dma2 semaphore(%arg15 : memref<!tpu.dma_semaphore, #tpu.memory_space<semaphore_mem>>) src(%dma_wait3A_243 : memref<80xi32, #tpu.memory_space<hbm>>) dst(%dma_wait3A_242 : memref<80xi32, #tpu.memory_space<vmem>>)
        %dma_start3A_244 = arith.constant 1 : i32
        %dma_start3A_245 = arith.constant 1 : i32
        %dma_start3A_246 = arith.constant 0 : i32
        %dma_start3A_247 = arith.constant 0 : i32
        %dma_start3A_248 = tpu.memref_slice %arg8[%dma_start3A_244, %dma_start3A_246, %dma_start3A_247] : memref<4x80x128xf32, #tpu.memory_space<vmem>> -> memref<1x80x128xf32, #tpu.memory_space<vmem>>
        %dma_start3A_249 = tpu.memref_squeeze %dma_start3A_248 : memref<1x80x128xf32, #tpu.memory_space<vmem>> -> memref<80x128xf32, #tpu.memory_space<vmem>>
        %dma_start3A_250 = arith.constant 0 : i32
        %dma_start3A_251 = tpu.memref_slice %arg7[%dma_start3A_245, %dma_start3A_250] : memref<4x80xi32, #tpu.memory_space<vmem>> -> memref<1x80xi32, #tpu.memory_space<vmem>>
        %dma_start3A_252 = tpu.memref_squeeze %dma_start3A_251 : memref<1x80xi32, #tpu.memory_space<vmem>> -> memref<80xi32, #tpu.memory_space<vmem>>
        %dma_start3A_253 = arith.constant 0 : i32
        %dma_start3A_254 = arith.constant 0 : i32
        %dma_start3A_255 = tpu.memref_slice %arg9[%dma_start3A_253, %dma_start3A_254] : memref<10000x128xf32, #tpu.memory_space<vmem_shared>> -> memref<10000x128xf32, #tpu.memory_space<vmem_shared>>
        tpu.enqueue_indirect_dma source(%dma_start3A_249 : memref<80x128xf32, #tpu.memory_space<vmem>>) target(%dma_start3A_255 : memref<10000x128xf32, #tpu.memory_space<vmem_shared>>) offsets(%dma_start3A_252 : memref<80xi32, #tpu.memory_space<vmem>>) semaphore(%arg23 : memref<!tpu.dma_semaphore, #tpu.memory_space<semaphore_mem>>) {add = true}
      } else {
      }
      %add3A_188 = arith.constant 2 : i32
      %add3A_189 = arith.addi %add3A_173, %add3A_188 : i32
      %lt3A_190 = arith.constant 125 : i32
      %lt3A_191 = arith.cmpi slt, %add3A_189, %lt3A_190 : i32
      %convert_element_type3A_192 = arith.extui %lt3A_191 : i1 to i32
      %cond3A_193 = arith.constant 0 : i32
      %cond3A_194 = arith.cmpi ne, %convert_element_type3A_192, %cond3A_193 : i32
      scf.if %cond3A_194 {
        %dma_wait3A_202 = arith.constant 2 : i32
        %dma_wait3A_203 = arith.constant 2 : i32
        %dma_wait3A_204 = arith.constant 0 : i32
        %dma_wait3A_205 = arith.constant 0 : i32
        %dma_wait3A_206 = tpu.memref_slice %arg8[%dma_wait3A_203, %dma_wait3A_204, %dma_wait3A_205] : memref<4x80x128xf32, #tpu.memory_space<vmem>> -> memref<1x80x128xf32, #tpu.memory_space<vmem>>
        %dma_wait3A_207 = tpu.memref_squeeze %dma_wait3A_206 : memref<1x80x128xf32, #tpu.memory_space<vmem>> -> memref<80x128xf32, #tpu.memory_space<vmem>>
        %dma_wait3A_208 = arith.constant 0 : i32
        %dma_wait3A_209 = tpu.memref_slice %arg6[%dma_wait3A_202, %dma_wait3A_208] : memref<4x80xi32, #tpu.memory_space<vmem>> -> memref<1x80xi32, #tpu.memory_space<vmem>>
        %dma_wait3A_210 = tpu.memref_squeeze %dma_wait3A_209 : memref<1x80xi32, #tpu.memory_space<vmem>> -> memref<80xi32, #tpu.memory_space<vmem>>
        %dma_wait3A_211 = arith.constant 0 : i32
        %dma_wait3A_212 = tpu.memref_slice %arg2[%dma_wait3A_211, %multiple_of3A] : memref<10000x256xf32, #tpu.memory_space<hbm>> -> memref<10000x128xf32, #tpu.memory_space<hbm>>
        tpu.wait_indirect_dma semaphore(%arg20 : memref<!tpu.dma_semaphore, #tpu.memory_space<semaphore_mem>>) src(%dma_wait3A_212 : memref<10000x128xf32, #tpu.memory_space<hbm>>) dst(%dma_wait3A_207 : memref<80x128xf32, #tpu.memory_space<vmem>>)
        %add3A_213 = arith.constant 4 : i32
        %add3A_214 = arith.addi %add3A_189, %add3A_213 : i32
        %lt3A_215 = arith.constant 125 : i32
        %lt3A_216 = arith.cmpi slt, %add3A_214, %lt3A_215 : i32
        %convert_element_type3A_217 = arith.extui %lt3A_216 : i1 to i32
        %cond3A_218 = arith.constant 0 : i32
        %cond3A_219 = arith.cmpi ne, %convert_element_type3A_217, %cond3A_218 : i32
        scf.if %cond3A_219 {
          %add3A_256 = arith.constant 4 : i32
          %add3A_257 = arith.addi %add3A_189, %add3A_256 : i32
          %mul3A_258 = arith.constant 80 : i32
          %mul3A_259 = arith.muli %add3A_257, %mul3A_258 : i32
          %add3A_260 = arith.addi %mul3A_0, %mul3A_259 : i32
          %multiple_of3A_261 = tpu.assume_multiple %add3A_260, 8 : i32
          %dma_start3A_262 = arith.constant 2 : i32
          %dma_start3A_263 = arith.constant 0 : i32
          %dma_start3A_264 = tpu.memref_slice %arg6[%dma_start3A_262, %dma_start3A_263] : memref<4x80xi32, #tpu.memory_space<vmem>> -> memref<1x80xi32, #tpu.memory_space<vmem>>
          %dma_start3A_265 = tpu.memref_squeeze %dma_start3A_264 : memref<1x80xi32, #tpu.memory_space<vmem>> -> memref<80xi32, #tpu.memory_space<vmem>>
          %dma_start3A_266 = tpu.memref_slice %arg3[%multiple_of3A_261] : memref<160000xi32, #tpu.memory_space<hbm>> -> memref<80xi32, #tpu.memory_space<hbm>>
          %dma_start3A_267 = arith.constant 0 : i32
          %dma_start3A_268 = tpu.memref_slice %arg6[%dma_start3A_262, %dma_start3A_267] : memref<4x80xi32, #tpu.memory_space<vmem>> -> memref<1x80xi32, #tpu.memory_space<vmem>>
          %dma_start3A_269 = tpu.memref_squeeze %dma_start3A_268 : memref<1x80xi32, #tpu.memory_space<vmem>> -> memref<80xi32, #tpu.memory_space<vmem>>
          %dma_start3A_270 = tpu.memref_slice %arg3[%multiple_of3A_261] : memref<160000xi32, #tpu.memory_space<hbm>> -> memref<80xi32, #tpu.memory_space<hbm>>
          tpu.enqueue_dma source(%dma_start3A_270 : memref<80xi32, #tpu.memory_space<hbm>>) target(%dma_start3A_269 : memref<80xi32, #tpu.memory_space<vmem>>) target_semaphore(%arg12 : memref<!tpu.dma_semaphore, #tpu.memory_space<semaphore_mem>>)
        } else {
        }
        %ge3A = arith.constant 2 : i32
        %ge3A_220 = arith.cmpi sge, %add3A_189, %ge3A : i32
        %convert_element_type3A_221 = arith.extui %ge3A_220 : i1 to i32
        %cond3A_222 = arith.constant 0 : i32
        %cond3A_223 = arith.cmpi ne, %convert_element_type3A_221, %cond3A_222 : i32
        scf.if %cond3A_223 {
          %sub3A_256 = arith.constant 2 : i32
          %sub3A_257 = arith.subi %add3A_189, %sub3A_256 : i32
          %dma_wait3A_258 = arith.constant 0 : i32
          %dma_wait3A_259 = arith.constant 0 : i32
          %dma_wait3A_260 = arith.constant 0 : i32
          %dma_wait3A_261 = arith.constant 0 : i32
          %dma_wait3A_262 = tpu.memref_slice %arg8[%dma_wait3A_258, %dma_wait3A_260, %dma_wait3A_261] : memref<4x80x128xf32, #tpu.memory_space<vmem>> -> memref<1x80x128xf32, #tpu.memory_space<vmem>>
          %dma_wait3A_263 = tpu.memref_squeeze %dma_wait3A_262 : memref<1x80x128xf32, #tpu.memory_space<vmem>> -> memref<80x128xf32, #tpu.memory_space<vmem>>
          %dma_wait3A_264 = arith.constant 0 : i32
          %dma_wait3A_265 = tpu.memref_slice %arg7[%dma_wait3A_259, %dma_wait3A_264] : memref<4x80xi32, #tpu.memory_space<vmem>> -> memref<1x80xi32, #tpu.memory_space<vmem>>
          %dma_wait3A_266 = tpu.memref_squeeze %dma_wait3A_265 : memref<1x80xi32, #tpu.memory_space<vmem>> -> memref<80xi32, #tpu.memory_space<vmem>>
          %dma_wait3A_267 = arith.constant 0 : i32
          %dma_wait3A_268 = arith.constant 0 : i32
          %dma_wait3A_269 = tpu.memref_slice %arg9[%dma_wait3A_267, %dma_wait3A_268] : memref<10000x128xf32, #tpu.memory_space<vmem_shared>> -> memref<10000x128xf32, #tpu.memory_space<vmem_shared>>
          tpu.wait_indirect_dma semaphore(%arg22 : memref<!tpu.dma_semaphore, #tpu.memory_space<semaphore_mem>>) src(%dma_wait3A_263 : memref<80x128xf32, #tpu.memory_space<vmem>>) dst(%dma_wait3A_269 : memref<10000x128xf32, #tpu.memory_space<vmem_shared>>)
        } else {
        }
        %add3A_224 = arith.constant 2 : i32
        %add3A_225 = arith.addi %add3A_189, %add3A_224 : i32
        %lt3A_226 = arith.constant 125 : i32
        %lt3A_227 = arith.cmpi slt, %add3A_225, %lt3A_226 : i32
        %convert_element_type3A_228 = arith.extui %lt3A_227 : i1 to i32
        %cond3A_229 = arith.constant 0 : i32
        %cond3A_230 = arith.cmpi ne, %convert_element_type3A_228, %cond3A_229 : i32
        scf.if %cond3A_230 {
          %add3A_256 = arith.constant 2 : i32
          %add3A_257 = arith.addi %add3A_189, %add3A_256 : i32
          %mul3A_258 = arith.constant 80 : i32
          %mul3A_259 = arith.muli %add3A_257, %mul3A_258 : i32
          %add3A_260 = arith.addi %mul3A_0, %mul3A_259 : i32
          %multiple_of3A_261 = tpu.assume_multiple %add3A_260, 8 : i32
          %dma_start3A_262 = arith.constant 0 : i32
          %dma_start3A_263 = arith.constant 0 : i32
          %dma_start3A_264 = tpu.memref_slice %arg7[%dma_start3A_262, %dma_start3A_263] : memref<4x80xi32, #tpu.memory_space<vmem>> -> memref<1x80xi32, #tpu.memory_space<vmem>>
          %dma_start3A_265 = tpu.memref_squeeze %dma_start3A_264 : memref<1x80xi32, #tpu.memory_space<vmem>> -> memref<80xi32, #tpu.memory_space<vmem>>
          %dma_start3A_266 = tpu.memref_slice %arg4[%multiple_of3A_261] : memref<160000xi32, #tpu.memory_space<hbm>> -> memref<80xi32, #tpu.memory_space<hbm>>
          %dma_start3A_267 = arith.constant 0 : i32
          %dma_start3A_268 = tpu.memref_slice %arg7[%dma_start3A_262, %dma_start3A_267] : memref<4x80xi32, #tpu.memory_space<vmem>> -> memref<1x80xi32, #tpu.memory_space<vmem>>
          %dma_start3A_269 = tpu.memref_squeeze %dma_start3A_268 : memref<1x80xi32, #tpu.memory_space<vmem>> -> memref<80xi32, #tpu.memory_space<vmem>>
          %dma_start3A_270 = tpu.memref_slice %arg4[%multiple_of3A_261] : memref<160000xi32, #tpu.memory_space<hbm>> -> memref<80xi32, #tpu.memory_space<hbm>>
          tpu.enqueue_dma source(%dma_start3A_270 : memref<80xi32, #tpu.memory_space<hbm>>) target(%dma_start3A_269 : memref<80xi32, #tpu.memory_space<vmem>>) target_semaphore(%arg14 : memref<!tpu.dma_semaphore, #tpu.memory_space<semaphore_mem>>)
          %add3A_271 = arith.constant 2 : i32
          %add3A_272 = arith.addi %add3A_189, %add3A_271 : i32
          %mul3A_273 = arith.constant 80 : i32
          %mul3A_274 = arith.muli %add3A_272, %mul3A_273 : i32
          %add3A_275 = arith.addi %mul3A_0, %mul3A_274 : i32
          %multiple_of3A_276 = tpu.assume_multiple %add3A_275, 8 : i32
          %dma_wait3A_277 = arith.constant 0 : i32
          %dma_wait3A_278 = arith.constant 0 : i32
          %dma_wait3A_279 = tpu.memref_slice %arg6[%dma_wait3A_277, %dma_wait3A_278] : memref<4x80xi32, #tpu.memory_space<vmem>> -> memref<1x80xi32, #tpu.memory_space<vmem>>
          %dma_wait3A_280 = tpu.memref_squeeze %dma_wait3A_279 : memref<1x80xi32, #tpu.memory_space<vmem>> -> memref<80xi32, #tpu.memory_space<vmem>>
          %dma_wait3A_281 = tpu.memref_slice %arg3[%multiple_of3A_276] : memref<160000xi32, #tpu.memory_space<hbm>> -> memref<80xi32, #tpu.memory_space<hbm>>
          %dma_wait3A_282 = arith.constant 0 : i32
          %dma_wait3A_283 = tpu.memref_slice %arg6[%dma_wait3A_277, %dma_wait3A_282] : memref<4x80xi32, #tpu.memory_space<vmem>> -> memref<1x80xi32, #tpu.memory_space<vmem>>
          %dma_wait3A_284 = tpu.memref_squeeze %dma_wait3A_283 : memref<1x80xi32, #tpu.memory_space<vmem>> -> memref<80xi32, #tpu.memory_space<vmem>>
          %dma_wait3A_285 = tpu.memref_slice %arg3[%multiple_of3A_276] : memref<160000xi32, #tpu.memory_space<hbm>> -> memref<80xi32, #tpu.memory_space<hbm>>
          tpu.wait_dma2 semaphore(%arg10 : memref<!tpu.dma_semaphore, #tpu.memory_space<semaphore_mem>>) src(%dma_wait3A_285 : memref<80xi32, #tpu.memory_space<hbm>>) dst(%dma_wait3A_284 : memref<80xi32, #tpu.memory_space<vmem>>)
          %add3A_286 = arith.constant 2 : i32
          %add3A_287 = arith.addi %add3A_189, %add3A_286 : i32
          %dma_start3A_288 = arith.constant 0 : i32
          %dma_start3A_289 = arith.constant 0 : i32
          %dma_start3A_290 = arith.constant 0 : i32
          %dma_start3A_291 = arith.constant 0 : i32
          %dma_start3A_292 = tpu.memref_slice %arg8[%dma_start3A_289, %dma_start3A_290, %dma_start3A_291] : memref<4x80x128xf32, #tpu.memory_space<vmem>> -> memref<1x80x128xf32, #tpu.memory_space<vmem>>
          %dma_start3A_293 = tpu.memref_squeeze %dma_start3A_292 : memref<1x80x128xf32, #tpu.memory_space<vmem>> -> memref<80x128xf32, #tpu.memory_space<vmem>>
          %dma_start3A_294 = arith.constant 0 : i32
          %dma_start3A_295 = tpu.memref_slice %arg6[%dma_start3A_288, %dma_start3A_294] : memref<4x80xi32, #tpu.memory_space<vmem>> -> memref<1x80xi32, #tpu.memory_space<vmem>>
          %dma_start3A_296 = tpu.memref_squeeze %dma_start3A_295 : memref<1x80xi32, #tpu.memory_space<vmem>> -> memref<80xi32, #tpu.memory_space<vmem>>
          %dma_start3A_297 = arith.constant 0 : i32
          %dma_start3A_298 = tpu.memref_slice %arg2[%dma_start3A_297, %multiple_of3A] : memref<10000x256xf32, #tpu.memory_space<hbm>> -> memref<10000x128xf32, #tpu.memory_space<hbm>>
          tpu.enqueue_indirect_dma source(%dma_start3A_298 : memref<10000x128xf32, #tpu.memory_space<hbm>>) target(%dma_start3A_293 : memref<80x128xf32, #tpu.memory_space<vmem>>) offsets(%dma_start3A_296 : memref<80xi32, #tpu.memory_space<vmem>>) semaphore(%arg18 : memref<!tpu.dma_semaphore, #tpu.memory_space<semaphore_mem>>)
        } else {
        }
        %mul3A_231 = arith.constant 80 : i32
        %mul3A_232 = arith.muli %add3A_189, %mul3A_231 : i32
        %add3A_233 = arith.addi %mul3A_0, %mul3A_232 : i32
        %multiple_of3A_234 = tpu.assume_multiple %add3A_233, 8 : i32
        %dma_wait3A_235 = arith.constant 2 : i32
        %dma_wait3A_236 = arith.constant 0 : i32
        %dma_wait3A_237 = tpu.memref_slice %arg7[%dma_wait3A_235, %dma_wait3A_236] : memref<4x80xi32, #tpu.memory_space<vmem>> -> memref<1x80xi32, #tpu.memory_space<vmem>>
        %dma_wait3A_238 = tpu.memref_squeeze %dma_wait3A_237 : memref<1x80xi32, #tpu.memory_space<vmem>> -> memref<80xi32, #tpu.memory_space<vmem>>
        %dma_wait3A_239 = tpu.memref_slice %arg4[%multiple_of3A_234] : memref<160000xi32, #tpu.memory_space<hbm>> -> memref<80xi32, #tpu.memory_space<hbm>>
        %dma_wait3A_240 = arith.constant 0 : i32
        %dma_wait3A_241 = tpu.memref_slice %arg7[%dma_wait3A_235, %dma_wait3A_240] : memref<4x80xi32, #tpu.memory_space<vmem>> -> memref<1x80xi32, #tpu.memory_space<vmem>>
        %dma_wait3A_242 = tpu.memref_squeeze %dma_wait3A_241 : memref<1x80xi32, #tpu.memory_space<vmem>> -> memref<80xi32, #tpu.memory_space<vmem>>
        %dma_wait3A_243 = tpu.memref_slice %arg4[%multiple_of3A_234] : memref<160000xi32, #tpu.memory_space<hbm>> -> memref<80xi32, #tpu.memory_space<hbm>>
        tpu.wait_dma2 semaphore(%arg16 : memref<!tpu.dma_semaphore, #tpu.memory_space<semaphore_mem>>) src(%dma_wait3A_243 : memref<80xi32, #tpu.memory_space<hbm>>) dst(%dma_wait3A_242 : memref<80xi32, #tpu.memory_space<vmem>>)
        %dma_start3A_244 = arith.constant 2 : i32
        %dma_start3A_245 = arith.constant 2 : i32
        %dma_start3A_246 = arith.constant 0 : i32
        %dma_start3A_247 = arith.constant 0 : i32
        %dma_start3A_248 = tpu.memref_slice %arg8[%dma_start3A_244, %dma_start3A_246, %dma_start3A_247] : memref<4x80x128xf32, #tpu.memory_space<vmem>> -> memref<1x80x128xf32, #tpu.memory_space<vmem>>
        %dma_start3A_249 = tpu.memref_squeeze %dma_start3A_248 : memref<1x80x128xf32, #tpu.memory_space<vmem>> -> memref<80x128xf32, #tpu.memory_space<vmem>>
        %dma_start3A_250 = arith.constant 0 : i32
        %dma_start3A_251 = tpu.memref_slice %arg7[%dma_start3A_245, %dma_start3A_250] : memref<4x80xi32, #tpu.memory_space<vmem>> -> memref<1x80xi32, #tpu.memory_space<vmem>>
        %dma_start3A_252 = tpu.memref_squeeze %dma_start3A_251 : memref<1x80xi32, #tpu.memory_space<vmem>> -> memref<80xi32, #tpu.memory_space<vmem>>
        %dma_start3A_253 = arith.constant 0 : i32
        %dma_start3A_254 = arith.constant 0 : i32
        %dma_start3A_255 = tpu.memref_slice %arg9[%dma_start3A_253, %dma_start3A_254] : memref<10000x128xf32, #tpu.memory_space<vmem_shared>> -> memref<10000x128xf32, #tpu.memory_space<vmem_shared>>
        tpu.enqueue_indirect_dma source(%dma_start3A_249 : memref<80x128xf32, #tpu.memory_space<vmem>>) target(%dma_start3A_255 : memref<10000x128xf32, #tpu.memory_space<vmem_shared>>) offsets(%dma_start3A_252 : memref<80xi32, #tpu.memory_space<vmem>>) semaphore(%arg24 : memref<!tpu.dma_semaphore, #tpu.memory_space<semaphore_mem>>) {add = true}
      } else {
      }
      %add3A_195 = arith.constant 3 : i32
      %add3A_196 = arith.addi %add3A_173, %add3A_195 : i32
      %lt3A_197 = arith.constant 125 : i32
      %lt3A_198 = arith.cmpi slt, %add3A_196, %lt3A_197 : i32
      %convert_element_type3A_199 = arith.extui %lt3A_198 : i1 to i32
      %cond3A_200 = arith.constant 0 : i32
      %cond3A_201 = arith.cmpi ne, %convert_element_type3A_199, %cond3A_200 : i32
      scf.if %cond3A_201 {
        %dma_wait3A_202 = arith.constant 3 : i32
        %dma_wait3A_203 = arith.constant 3 : i32
        %dma_wait3A_204 = arith.constant 0 : i32
        %dma_wait3A_205 = arith.constant 0 : i32
        %dma_wait3A_206 = tpu.memref_slice %arg8[%dma_wait3A_203, %dma_wait3A_204, %dma_wait3A_205] : memref<4x80x128xf32, #tpu.memory_space<vmem>> -> memref<1x80x128xf32, #tpu.memory_space<vmem>>
        %dma_wait3A_207 = tpu.memref_squeeze %dma_wait3A_206 : memref<1x80x128xf32, #tpu.memory_space<vmem>> -> memref<80x128xf32, #tpu.memory_space<vmem>>
        %dma_wait3A_208 = arith.constant 0 : i32
        %dma_wait3A_209 = tpu.memref_slice %arg6[%dma_wait3A_202, %dma_wait3A_208] : memref<4x80xi32, #tpu.memory_space<vmem>> -> memref<1x80xi32, #tpu.memory_space<vmem>>
        %dma_wait3A_210 = tpu.memref_squeeze %dma_wait3A_209 : memref<1x80xi32, #tpu.memory_space<vmem>> -> memref<80xi32, #tpu.memory_space<vmem>>
        %dma_wait3A_211 = arith.constant 0 : i32
        %dma_wait3A_212 = tpu.memref_slice %arg2[%dma_wait3A_211, %multiple_of3A] : memref<10000x256xf32, #tpu.memory_space<hbm>> -> memref<10000x128xf32, #tpu.memory_space<hbm>>
        tpu.wait_indirect_dma semaphore(%arg21 : memref<!tpu.dma_semaphore, #tpu.memory_space<semaphore_mem>>) src(%dma_wait3A_212 : memref<10000x128xf32, #tpu.memory_space<hbm>>) dst(%dma_wait3A_207 : memref<80x128xf32, #tpu.memory_space<vmem>>)
        %add3A_213 = arith.constant 4 : i32
        %add3A_214 = arith.addi %add3A_196, %add3A_213 : i32
        %lt3A_215 = arith.constant 125 : i32
        %lt3A_216 = arith.cmpi slt, %add3A_214, %lt3A_215 : i32
        %convert_element_type3A_217 = arith.extui %lt3A_216 : i1 to i32
        %cond3A_218 = arith.constant 0 : i32
        %cond3A_219 = arith.cmpi ne, %convert_element_type3A_217, %cond3A_218 : i32
        scf.if %cond3A_219 {
          %add3A_256 = arith.constant 4 : i32
          %add3A_257 = arith.addi %add3A_196, %add3A_256 : i32
          %mul3A_258 = arith.constant 80 : i32
          %mul3A_259 = arith.muli %add3A_257, %mul3A_258 : i32
          %add3A_260 = arith.addi %mul3A_0, %mul3A_259 : i32
          %multiple_of3A_261 = tpu.assume_multiple %add3A_260, 8 : i32
          %dma_start3A_262 = arith.constant 3 : i32
          %dma_start3A_263 = arith.constant 0 : i32
          %dma_start3A_264 = tpu.memref_slice %arg6[%dma_start3A_262, %dma_start3A_263] : memref<4x80xi32, #tpu.memory_space<vmem>> -> memref<1x80xi32, #tpu.memory_space<vmem>>
          %dma_start3A_265 = tpu.memref_squeeze %dma_start3A_264 : memref<1x80xi32, #tpu.memory_space<vmem>> -> memref<80xi32, #tpu.memory_space<vmem>>
          %dma_start3A_266 = tpu.memref_slice %arg3[%multiple_of3A_261] : memref<160000xi32, #tpu.memory_space<hbm>> -> memref<80xi32, #tpu.memory_space<hbm>>
          %dma_start3A_267 = arith.constant 0 : i32
          %dma_start3A_268 = tpu.memref_slice %arg6[%dma_start3A_262, %dma_start3A_267] : memref<4x80xi32, #tpu.memory_space<vmem>> -> memref<1x80xi32, #tpu.memory_space<vmem>>
          %dma_start3A_269 = tpu.memref_squeeze %dma_start3A_268 : memref<1x80xi32, #tpu.memory_space<vmem>> -> memref<80xi32, #tpu.memory_space<vmem>>
          %dma_start3A_270 = tpu.memref_slice %arg3[%multiple_of3A_261] : memref<160000xi32, #tpu.memory_space<hbm>> -> memref<80xi32, #tpu.memory_space<hbm>>
          tpu.enqueue_dma source(%dma_start3A_270 : memref<80xi32, #tpu.memory_space<hbm>>) target(%dma_start3A_269 : memref<80xi32, #tpu.memory_space<vmem>>) target_semaphore(%arg13 : memref<!tpu.dma_semaphore, #tpu.memory_space<semaphore_mem>>)
        } else {
        }
        %ge3A = arith.constant 2 : i32
        %ge3A_220 = arith.cmpi sge, %add3A_196, %ge3A : i32
        %convert_element_type3A_221 = arith.extui %ge3A_220 : i1 to i32
        %cond3A_222 = arith.constant 0 : i32
        %cond3A_223 = arith.cmpi ne, %convert_element_type3A_221, %cond3A_222 : i32
        scf.if %cond3A_223 {
          %sub3A_256 = arith.constant 2 : i32
          %sub3A_257 = arith.subi %add3A_196, %sub3A_256 : i32
          %dma_wait3A_258 = arith.constant 1 : i32
          %dma_wait3A_259 = arith.constant 1 : i32
          %dma_wait3A_260 = arith.constant 0 : i32
          %dma_wait3A_261 = arith.constant 0 : i32
          %dma_wait3A_262 = tpu.memref_slice %arg8[%dma_wait3A_258, %dma_wait3A_260, %dma_wait3A_261] : memref<4x80x128xf32, #tpu.memory_space<vmem>> -> memref<1x80x128xf32, #tpu.memory_space<vmem>>
          %dma_wait3A_263 = tpu.memref_squeeze %dma_wait3A_262 : memref<1x80x128xf32, #tpu.memory_space<vmem>> -> memref<80x128xf32, #tpu.memory_space<vmem>>
          %dma_wait3A_264 = arith.constant 0 : i32
          %dma_wait3A_265 = tpu.memref_slice %arg7[%dma_wait3A_259, %dma_wait3A_264] : memref<4x80xi32, #tpu.memory_space<vmem>> -> memref<1x80xi32, #tpu.memory_space<vmem>>
          %dma_wait3A_266 = tpu.memref_squeeze %dma_wait3A_265 : memref<1x80xi32, #tpu.memory_space<vmem>> -> memref<80xi32, #tpu.memory_space<vmem>>
          %dma_wait3A_267 = arith.constant 0 : i32
          %dma_wait3A_268 = arith.constant 0 : i32
          %dma_wait3A_269 = tpu.memref_slice %arg9[%dma_wait3A_267, %dma_wait3A_268] : memref<10000x128xf32, #tpu.memory_space<vmem_shared>> -> memref<10000x128xf32, #tpu.memory_space<vmem_shared>>
          tpu.wait_indirect_dma semaphore(%arg23 : memref<!tpu.dma_semaphore, #tpu.memory_space<semaphore_mem>>) src(%dma_wait3A_263 : memref<80x128xf32, #tpu.memory_space<vmem>>) dst(%dma_wait3A_269 : memref<10000x128xf32, #tpu.memory_space<vmem_shared>>)
        } else {
        }
        %add3A_224 = arith.constant 2 : i32
        %add3A_225 = arith.addi %add3A_196, %add3A_224 : i32
        %lt3A_226 = arith.constant 125 : i32
        %lt3A_227 = arith.cmpi slt, %add3A_225, %lt3A_226 : i32
        %convert_element_type3A_228 = arith.extui %lt3A_227 : i1 to i32
        %cond3A_229 = arith.constant 0 : i32
        %cond3A_230 = arith.cmpi ne, %convert_element_type3A_228, %cond3A_229 : i32
        scf.if %cond3A_230 {
          %add3A_256 = arith.constant 2 : i32
          %add3A_257 = arith.addi %add3A_196, %add3A_256 : i32
          %mul3A_258 = arith.constant 80 : i32
          %mul3A_259 = arith.muli %add3A_257, %mul3A_258 : i32
          %add3A_260 = arith.addi %mul3A_0, %mul3A_259 : i32
          %multiple_of3A_261 = tpu.assume_multiple %add3A_260, 8 : i32
          %dma_start3A_262 = arith.constant 1 : i32
          %dma_start3A_263 = arith.constant 0 : i32
          %dma_start3A_264 = tpu.memref_slice %arg7[%dma_start3A_262, %dma_start3A_263] : memref<4x80xi32, #tpu.memory_space<vmem>> -> memref<1x80xi32, #tpu.memory_space<vmem>>
          %dma_start3A_265 = tpu.memref_squeeze %dma_start3A_264 : memref<1x80xi32, #tpu.memory_space<vmem>> -> memref<80xi32, #tpu.memory_space<vmem>>
          %dma_start3A_266 = tpu.memref_slice %arg4[%multiple_of3A_261] : memref<160000xi32, #tpu.memory_space<hbm>> -> memref<80xi32, #tpu.memory_space<hbm>>
          %dma_start3A_267 = arith.constant 0 : i32
          %dma_start3A_268 = tpu.memref_slice %arg7[%dma_start3A_262, %dma_start3A_267] : memref<4x80xi32, #tpu.memory_space<vmem>> -> memref<1x80xi32, #tpu.memory_space<vmem>>
          %dma_start3A_269 = tpu.memref_squeeze %dma_start3A_268 : memref<1x80xi32, #tpu.memory_space<vmem>> -> memref<80xi32, #tpu.memory_space<vmem>>
          %dma_start3A_270 = tpu.memref_slice %arg4[%multiple_of3A_261] : memref<160000xi32, #tpu.memory_space<hbm>> -> memref<80xi32, #tpu.memory_space<hbm>>
          tpu.enqueue_dma source(%dma_start3A_270 : memref<80xi32, #tpu.memory_space<hbm>>) target(%dma_start3A_269 : memref<80xi32, #tpu.memory_space<vmem>>) target_semaphore(%arg15 : memref<!tpu.dma_semaphore, #tpu.memory_space<semaphore_mem>>)
          %add3A_271 = arith.constant 2 : i32
          %add3A_272 = arith.addi %add3A_196, %add3A_271 : i32
          %mul3A_273 = arith.constant 80 : i32
          %mul3A_274 = arith.muli %add3A_272, %mul3A_273 : i32
          %add3A_275 = arith.addi %mul3A_0, %mul3A_274 : i32
          %multiple_of3A_276 = tpu.assume_multiple %add3A_275, 8 : i32
          %dma_wait3A_277 = arith.constant 1 : i32
          %dma_wait3A_278 = arith.constant 0 : i32
          %dma_wait3A_279 = tpu.memref_slice %arg6[%dma_wait3A_277, %dma_wait3A_278] : memref<4x80xi32, #tpu.memory_space<vmem>> -> memref<1x80xi32, #tpu.memory_space<vmem>>
          %dma_wait3A_280 = tpu.memref_squeeze %dma_wait3A_279 : memref<1x80xi32, #tpu.memory_space<vmem>> -> memref<80xi32, #tpu.memory_space<vmem>>
          %dma_wait3A_281 = tpu.memref_slice %arg3[%multiple_of3A_276] : memref<160000xi32, #tpu.memory_space<hbm>> -> memref<80xi32, #tpu.memory_space<hbm>>
          %dma_wait3A_282 = arith.constant 0 : i32
          %dma_wait3A_283 = tpu.memref_slice %arg6[%dma_wait3A_277, %dma_wait3A_282] : memref<4x80xi32, #tpu.memory_space<vmem>> -> memref<1x80xi32, #tpu.memory_space<vmem>>
          %dma_wait3A_284 = tpu.memref_squeeze %dma_wait3A_283 : memref<1x80xi32, #tpu.memory_space<vmem>> -> memref<80xi32, #tpu.memory_space<vmem>>
          %dma_wait3A_285 = tpu.memref_slice %arg3[%multiple_of3A_276] : memref<160000xi32, #tpu.memory_space<hbm>> -> memref<80xi32, #tpu.memory_space<hbm>>
          tpu.wait_dma2 semaphore(%arg11 : memref<!tpu.dma_semaphore, #tpu.memory_space<semaphore_mem>>) src(%dma_wait3A_285 : memref<80xi32, #tpu.memory_space<hbm>>) dst(%dma_wait3A_284 : memref<80xi32, #tpu.memory_space<vmem>>)
          %add3A_286 = arith.constant 2 : i32
          %add3A_287 = arith.addi %add3A_196, %add3A_286 : i32
          %dma_start3A_288 = arith.constant 1 : i32
          %dma_start3A_289 = arith.constant 1 : i32
          %dma_start3A_290 = arith.constant 0 : i32
          %dma_start3A_291 = arith.constant 0 : i32
          %dma_start3A_292 = tpu.memref_slice %arg8[%dma_start3A_289, %dma_start3A_290, %dma_start3A_291] : memref<4x80x128xf32, #tpu.memory_space<vmem>> -> memref<1x80x128xf32, #tpu.memory_space<vmem>>
          %dma_start3A_293 = tpu.memref_squeeze %dma_start3A_292 : memref<1x80x128xf32, #tpu.memory_space<vmem>> -> memref<80x128xf32, #tpu.memory_space<vmem>>
          %dma_start3A_294 = arith.constant 0 : i32
          %dma_start3A_295 = tpu.memref_slice %arg6[%dma_start3A_288, %dma_start3A_294] : memref<4x80xi32, #tpu.memory_space<vmem>> -> memref<1x80xi32, #tpu.memory_space<vmem>>
          %dma_start3A_296 = tpu.memref_squeeze %dma_start3A_295 : memref<1x80xi32, #tpu.memory_space<vmem>> -> memref<80xi32, #tpu.memory_space<vmem>>
          %dma_start3A_297 = arith.constant 0 : i32
          %dma_start3A_298 = tpu.memref_slice %arg2[%dma_start3A_297, %multiple_of3A] : memref<10000x256xf32, #tpu.memory_space<hbm>> -> memref<10000x128xf32, #tpu.memory_space<hbm>>
          tpu.enqueue_indirect_dma source(%dma_start3A_298 : memref<10000x128xf32, #tpu.memory_space<hbm>>) target(%dma_start3A_293 : memref<80x128xf32, #tpu.memory_space<vmem>>) offsets(%dma_start3A_296 : memref<80xi32, #tpu.memory_space<vmem>>) semaphore(%arg19 : memref<!tpu.dma_semaphore, #tpu.memory_space<semaphore_mem>>)
        } else {
        }
        %mul3A_231 = arith.constant 80 : i32
        %mul3A_232 = arith.muli %add3A_196, %mul3A_231 : i32
        %add3A_233 = arith.addi %mul3A_0, %mul3A_232 : i32
        %multiple_of3A_234 = tpu.assume_multiple %add3A_233, 8 : i32
        %dma_wait3A_235 = arith.constant 3 : i32
        %dma_wait3A_236 = arith.constant 0 : i32
        %dma_wait3A_237 = tpu.memref_slice %arg7[%dma_wait3A_235, %dma_wait3A_236] : memref<4x80xi32, #tpu.memory_space<vmem>> -> memref<1x80xi32, #tpu.memory_space<vmem>>
        %dma_wait3A_238 = tpu.memref_squeeze %dma_wait3A_237 : memref<1x80xi32, #tpu.memory_space<vmem>> -> memref<80xi32, #tpu.memory_space<vmem>>
        %dma_wait3A_239 = tpu.memref_slice %arg4[%multiple_of3A_234] : memref<160000xi32, #tpu.memory_space<hbm>> -> memref<80xi32, #tpu.memory_space<hbm>>
        %dma_wait3A_240 = arith.constant 0 : i32
        %dma_wait3A_241 = tpu.memref_slice %arg7[%dma_wait3A_235, %dma_wait3A_240] : memref<4x80xi32, #tpu.memory_space<vmem>> -> memref<1x80xi32, #tpu.memory_space<vmem>>
        %dma_wait3A_242 = tpu.memref_squeeze %dma_wait3A_241 : memref<1x80xi32, #tpu.memory_space<vmem>> -> memref<80xi32, #tpu.memory_space<vmem>>
        %dma_wait3A_243 = tpu.memref_slice %arg4[%multiple_of3A_234] : memref<160000xi32, #tpu.memory_space<hbm>> -> memref<80xi32, #tpu.memory_space<hbm>>
        tpu.wait_dma2 semaphore(%arg17 : memref<!tpu.dma_semaphore, #tpu.memory_space<semaphore_mem>>) src(%dma_wait3A_243 : memref<80xi32, #tpu.memory_space<hbm>>) dst(%dma_wait3A_242 : memref<80xi32, #tpu.memory_space<vmem>>)
        %dma_start3A_244 = arith.constant 3 : i32
        %dma_start3A_245 = arith.constant 3 : i32
        %dma_start3A_246 = arith.constant 0 : i32
        %dma_start3A_247 = arith.constant 0 : i32
        %dma_start3A_248 = tpu.memref_slice %arg8[%dma_start3A_244, %dma_start3A_246, %dma_start3A_247] : memref<4x80x128xf32, #tpu.memory_space<vmem>> -> memref<1x80x128xf32, #tpu.memory_space<vmem>>
        %dma_start3A_249 = tpu.memref_squeeze %dma_start3A_248 : memref<1x80x128xf32, #tpu.memory_space<vmem>> -> memref<80x128xf32, #tpu.memory_space<vmem>>
        %dma_start3A_250 = arith.constant 0 : i32
        %dma_start3A_251 = tpu.memref_slice %arg7[%dma_start3A_245, %dma_start3A_250] : memref<4x80xi32, #tpu.memory_space<vmem>> -> memref<1x80xi32, #tpu.memory_space<vmem>>
        %dma_start3A_252 = tpu.memref_squeeze %dma_start3A_251 : memref<1x80xi32, #tpu.memory_space<vmem>> -> memref<80xi32, #tpu.memory_space<vmem>>
        %dma_start3A_253 = arith.constant 0 : i32
        %dma_start3A_254 = arith.constant 0 : i32
        %dma_start3A_255 = tpu.memref_slice %arg9[%dma_start3A_253, %dma_start3A_254] : memref<10000x128xf32, #tpu.memory_space<vmem_shared>> -> memref<10000x128xf32, #tpu.memory_space<vmem_shared>>
        tpu.enqueue_indirect_dma source(%dma_start3A_249 : memref<80x128xf32, #tpu.memory_space<vmem>>) target(%dma_start3A_255 : memref<10000x128xf32, #tpu.memory_space<vmem_shared>>) offsets(%dma_start3A_252 : memref<80xi32, #tpu.memory_space<vmem>>) semaphore(%arg25 : memref<!tpu.dma_semaphore, #tpu.memory_space<semaphore_mem>>) {add = true}
      } else {
      }
    }
    %scan3A_137 = arith.constant 32 : i32
    %dma_wait3A_138 = arith.constant 0 : i32
    %dma_wait3A_139 = arith.constant 0 : i32
    %dma_wait3A_140 = arith.constant 0 : i32
    %dma_wait3A_141 = arith.constant 0 : i32
    %dma_wait3A_142 = tpu.memref_slice %arg8[%dma_wait3A_138, %dma_wait3A_140, %dma_wait3A_141] : memref<4x80x128xf32, #tpu.memory_space<vmem>> -> memref<1x80x128xf32, #tpu.memory_space<vmem>>
    %dma_wait3A_143 = tpu.memref_squeeze %dma_wait3A_142 : memref<1x80x128xf32, #tpu.memory_space<vmem>> -> memref<80x128xf32, #tpu.memory_space<vmem>>
    %dma_wait3A_144 = arith.constant 0 : i32
    %dma_wait3A_145 = tpu.memref_slice %arg7[%dma_wait3A_139, %dma_wait3A_144] : memref<4x80xi32, #tpu.memory_space<vmem>> -> memref<1x80xi32, #tpu.memory_space<vmem>>
    %dma_wait3A_146 = tpu.memref_squeeze %dma_wait3A_145 : memref<1x80xi32, #tpu.memory_space<vmem>> -> memref<80xi32, #tpu.memory_space<vmem>>
    %dma_wait3A_147 = arith.constant 0 : i32
    %dma_wait3A_148 = arith.constant 0 : i32
    %dma_wait3A_149 = tpu.memref_slice %arg9[%dma_wait3A_147, %dma_wait3A_148] : memref<10000x128xf32, #tpu.memory_space<vmem_shared>> -> memref<10000x128xf32, #tpu.memory_space<vmem_shared>>
    tpu.wait_indirect_dma semaphore(%arg22 : memref<!tpu.dma_semaphore, #tpu.memory_space<semaphore_mem>>) src(%dma_wait3A_143 : memref<80x128xf32, #tpu.memory_space<vmem>>) dst(%dma_wait3A_149 : memref<10000x128xf32, #tpu.memory_space<vmem_shared>>)
    %dma_wait3A_150 = arith.constant 3 : i32
    %dma_wait3A_151 = arith.constant 3 : i32
    %dma_wait3A_152 = arith.constant 0 : i32
    %dma_wait3A_153 = arith.constant 0 : i32
    %dma_wait3A_154 = tpu.memref_slice %arg8[%dma_wait3A_150, %dma_wait3A_152, %dma_wait3A_153] : memref<4x80x128xf32, #tpu.memory_space<vmem>> -> memref<1x80x128xf32, #tpu.memory_space<vmem>>
    %dma_wait3A_155 = tpu.memref_squeeze %dma_wait3A_154 : memref<1x80x128xf32, #tpu.memory_space<vmem>> -> memref<80x128xf32, #tpu.memory_space<vmem>>
    %dma_wait3A_156 = arith.constant 0 : i32
    %dma_wait3A_157 = tpu.memref_slice %arg7[%dma_wait3A_151, %dma_wait3A_156] : memref<4x80xi32, #tpu.memory_space<vmem>> -> memref<1x80xi32, #tpu.memory_space<vmem>>
    %dma_wait3A_158 = tpu.memref_squeeze %dma_wait3A_157 : memref<1x80xi32, #tpu.memory_space<vmem>> -> memref<80xi32, #tpu.memory_space<vmem>>
    %dma_wait3A_159 = arith.constant 0 : i32
    %dma_wait3A_160 = arith.constant 0 : i32
    %dma_wait3A_161 = tpu.memref_slice %arg9[%dma_wait3A_159, %dma_wait3A_160] : memref<10000x128xf32, #tpu.memory_space<vmem_shared>> -> memref<10000x128xf32, #tpu.memory_space<vmem_shared>>
    tpu.wait_indirect_dma semaphore(%arg25 : memref<!tpu.dma_semaphore, #tpu.memory_space<semaphore_mem>>) src(%dma_wait3A_155 : memref<80x128xf32, #tpu.memory_space<vmem>>) dst(%dma_wait3A_161 : memref<10000x128xf32, #tpu.memory_space<vmem_shared>>)
    %barrier3A_162 = arith.constant 0 : index
    tpu.barrier barrier_id(%barrier3A_162)
    %lt3A = arith.constant 15 : i32
    %lt3A_163 = arith.cmpi slt, %arg1, %lt3A : i32
    %convert_element_type3A = arith.extui %lt3A_163 : i1 to i32
    %cond3A = arith.constant 0 : i32
    %cond3A_164 = arith.cmpi ne, %convert_element_type3A, %cond3A : i32
    scf.if %cond3A_164 {
      %mul3A_169 = arith.constant 624 : i32
      %mul3A_170 = arith.muli %arg1, %mul3A_169 : i32
      %multiple_of3A_171 = tpu.assume_multiple %mul3A_170, 8 : i32
      "tpu.region"() ({
        %run_scoped3A_172 = tpu.sem_alloc : memref<!tpu.dma_semaphore, #tpu.memory_space<semaphore_mem>>
        %dma_start3A_173 = tpu.memref_slice %arg5[%multiple_of3A_171, %multiple_of3A] : memref<10000x256xf32, #tpu.memory_space<hbm>> -> memref<624x128xf32, #tpu.memory_space<hbm>>
        %dma_start3A_174 = arith.constant 0 : i32
        %dma_start3A_175 = tpu.memref_slice %arg9[%multiple_of3A_171, %dma_start3A_174] : memref<10000x128xf32, #tpu.memory_space<vmem_shared>> -> memref<624x128xf32, #tpu.memory_space<vmem_shared>>
        tpu.enqueue_dma source(%dma_start3A_175 : memref<624x128xf32, #tpu.memory_space<vmem_shared>>) target(%dma_start3A_173 : memref<624x128xf32, #tpu.memory_space<hbm>>) target_semaphore(%run_scoped3A_172 : memref<!tpu.dma_semaphore, #tpu.memory_space<semaphore_mem>>)
        %dma_wait3A_176 = tpu.memref_slice %arg5[%multiple_of3A_171, %multiple_of3A] : memref<10000x256xf32, #tpu.memory_space<hbm>> -> memref<624x128xf32, #tpu.memory_space<hbm>>
        %dma_wait3A_177 = arith.constant 0 : i32
        %dma_wait3A_178 = tpu.memref_slice %arg9[%multiple_of3A_171, %dma_wait3A_177] : memref<10000x128xf32, #tpu.memory_space<vmem_shared>> -> memref<624x128xf32, #tpu.memory_space<vmem_shared>>
        tpu.wait_dma2 semaphore(%run_scoped3A_172 : memref<!tpu.dma_semaphore, #tpu.memory_space<semaphore_mem>>) src(%dma_wait3A_178 : memref<624x128xf32, #tpu.memory_space<vmem_shared>>) dst(%dma_wait3A_176 : memref<624x128xf32, #tpu.memory_space<hbm>>)
        tpu.yield
      }) : () -> ()
    } else {
    }
    %eq3A = arith.constant 15 : i32
    %eq3A_165 = arith.cmpi eq, %arg1, %eq3A : i32
    %convert_element_type3A_166 = arith.extui %eq3A_165 : i1 to i32
    %cond3A_167 = arith.constant 0 : i32
    %cond3A_168 = arith.cmpi ne, %convert_element_type3A_166, %cond3A_167 : i32
    scf.if %cond3A_168 {
      "tpu.region"() ({
        %run_scoped3A_169 = tpu.sem_alloc : memref<!tpu.dma_semaphore, #tpu.memory_space<semaphore_mem>>
        %dma_start3A_170 = arith.constant 9360 : i32
        %dma_start3A_171 = tpu.memref_slice %arg5[%dma_start3A_170, %multiple_of3A] : memref<10000x256xf32, #tpu.memory_space<hbm>> -> memref<640x128xf32, #tpu.memory_space<hbm>>
        %dma_start3A_172 = arith.constant 9360 : i32
        %dma_start3A_173 = arith.constant 0 : i32
        %dma_start3A_174 = tpu.memref_slice %arg9[%dma_start3A_172, %dma_start3A_173] : memref<10000x128xf32, #tpu.memory_space<vmem_shared>> -> memref<640x128xf32, #tpu.memory_space<vmem_shared>>
        tpu.enqueue_dma source(%dma_start3A_174 : memref<640x128xf32, #tpu.memory_space<vmem_shared>>) target(%dma_start3A_171 : memref<640x128xf32, #tpu.memory_space<hbm>>) target_semaphore(%run_scoped3A_169 : memref<!tpu.dma_semaphore, #tpu.memory_space<semaphore_mem>>)
        %dma_wait3A_175 = arith.constant 9360 : i32
        %dma_wait3A_176 = tpu.memref_slice %arg5[%dma_wait3A_175, %multiple_of3A] : memref<10000x256xf32, #tpu.memory_space<hbm>> -> memref<640x128xf32, #tpu.memory_space<hbm>>
        %dma_wait3A_177 = arith.constant 9360 : i32
        %dma_wait3A_178 = arith.constant 0 : i32
        %dma_wait3A_179 = tpu.memref_slice %arg9[%dma_wait3A_177, %dma_wait3A_178] : memref<10000x128xf32, #tpu.memory_space<vmem_shared>> -> memref<640x128xf32, #tpu.memory_space<vmem_shared>>
        tpu.wait_dma2 semaphore(%run_scoped3A_169 : memref<!tpu.dma_semaphore, #tpu.memory_space<semaphore_mem>>) src(%dma_wait3A_179 : memref<640x128xf32, #tpu.memory_space<vmem_shared>>) dst(%dma_wait3A_176 : memref<640x128xf32, #tpu.memory_space<hbm>>)
        tpu.yield
      }) : () -> ()
    } else {
    }
    return
  }
}

</mosaic_0001>

<sc_bundles>
// kernel: kernel.3.cloned.1.call-start
scs
__scs_entry_jumppad:
0x0: {  	(pc) =	sbr.rel $0x88, $3  }
0x1: {  	(tag) =	ssettag $0x0;
	lr =	simm.s32 $0x1  }
0x2: {  	[smem:$0x3F9F] =	sst lr;
	_ =	strace $0xD0000000  }
0x3: {  	_ = 	snop  }
0x4: {  	_ = 	snop  }
0x5: {  	_ = 	snop  }
0x6: {  	_ = 	snop  }
0x7: {  	_ = 	snop  }
__scs_overlays_trampoline_lowered:
0x8: {  	[smem:$0x3FAE] =	sst s0  }
0x9: {  	[smem:$0x3FAF] =	sst s1  }
0xa: {  	[smem:$0x3FB0] =	sst s2  }
0xb: {  	[smem:$0x3FB1] =	sst s3  }
0xc: {  	[smem:$0x3FB2] =	sst s4  }
0xd: {  	[smem:$0x3FB3] =	sst s5  }
0xe: {  	[smem:$0x3FB4] =	sst s6  }
0xf: {  	[smem:$0x3FB5] =	sst s7  }
0x10: {  	[smem:$0x3FB6] =	sst s8  }
0x11: {  	[smem:$0x3FB7] =	sst s9;
	s0 =	simm.s32 @!p0 $0x0  }
0x12: {  	s1 =	sld [smem:$0x3F9D];
	s0 =	simm.s32 @p0 $0x1  }
0x13: {  	[smem:$0x3FB8] =	sst s0;
	s0 =	simm.s32 @!p1 $0x0  }
0x14: {  	s2 =	sld [smem:$0x3F9C];
	s0 =	simm.s32 @p1 $0x1  }
0x15: {  	[smem:$0x3FB9] =	sst s0;
	s0 =	simm.s32 @!p2 $0x0  }
0x16: {  	s3 =	sld [smem:$0x3FDB];
	s0 =	simm.s32 @p2 $0x1  }
0x17: {  	s4 =	simm.s32 $0x1BF5;
	[smem:$0x3FBB] =	sst s0  }
0x18: {  	s0 =	sld [smem:$0x3F9E];
	_ =	swait.ge [sflag:s4], $0x0  }
0x19: {  	s7 =	sld [smem:$0x3F9F]  }
0x1a: {  	s8 =	sadd.s32 $0xFFFFE003, lr  }
0x1b: {  	s9 =	sadd.s32 $0xFFFFFEF7, lr;
	s5 =	simm.s32 $0xFFFFFFFF;
	p2 =	slt.u32 s8, $0xFFFFF086  }
0x1c: {  	p1 =	slt.u32 s9, $0xF7A;
	s5 =	simm.s32 @!p2 $0x0  }
0x1d: {  	s5 =	simm.s32 @p1 $0x1;
	p0 =	seq.s32 s7, s2  }
0x1e: {  	s7 =	smul.u32 @!p0 $0xF7A, s2;
	p2 =	seq.s32 @!p0 s5, $0x0  }
0x1f: {  	s9 =	smul.u32 $0xF7A, s1;
	s8 =	simm.s32 @!p0 $0x1BF5;
	p2 =	por !p2, p0  }
0x20: {  	[sflag:s8] =	ssyncset.s32 @!p0 $0xFFFFF086;
	s6 =	sadd.s32 @!p0 s3, s7;
	s7 =	simm.s32 @!p0 $0x108  }
0x21: {  	s3 =	sadd.s32 s3, s9;
	s6 =	sadd.s32 @!p0 $0x88, s6;
	s7 =	simm.s32 @p2 $0x1082  }
0x22: {  	[simem:s7], [sflag:s8] =	dma.local @!p0 [hbm:s6], $0xF7A  }
0x23: {  	s9 =	sor.u32 $0xD0000000, s2;
	s6 =	simm.s32 $0x108;
	_ =	swait.ge @!p0 [sflag:s8], $0x0  }
0x24: {  	s3 =	sadd.s32 $0x88, s3;
	s6 =	simm.s32 @!p1 $0x1082;
	[sflag:s4] =	ssyncset.s32 $0xFFFFF086  }
0x25: {  	[simem:s6], [sflag:s4] =	dma.local [hbm:s3], $0xF7A  }
0x26: {  	[smem:$0x3F9F] =	sst s1;
	(tag) =	ssettag s2;
	_ =	strace s9  }
0x27: {  	s1 =	sld [smem:$0x3FAF]  }
0x28: {  	s2 =	sld [smem:$0x3FB0]  }
0x29: {  	s4 =	sld [smem:$0x3FB2]  }
0x2a: {  	p0 =	seq.s32 s5, $0x0;
	s5 =	sld [smem:$0x3FB3]  }
0x2b: {  	s6 =	sld [smem:$0x3FB4]  }
0x2c: {  	s7 =	sld [smem:$0x3FB5]  }
0x2d: {  	s3 =	simm.s32 $0x108;
	s8 =	sld [smem:$0x3FB6]  }
0x2e: {  	s3 =	simm.s32 @!p0 $0x1082;
	s9 =	sld [smem:$0x3FB7]  }
0x2f: {  	lr =	sadd.s32 s0, s3;
	s0 =	sld [smem:$0x3FAE]  }
0x30: {  	s3 =	sld [smem:$0x3FB1]  }
0x31: {  	[smem:$0x3FBA] =	sst s10  }
0x32: {  	s10 =	sld [smem:$0x3FB8];
	_ =	sdelay $0x3  }
0x33: {  	p0 =	seq.s32 s10, $0x1;
	s10 =	sld [smem:$0x3FBA];
	_ =	sdelay $0x3  }
0x34: {  	[smem:$0x3FBA] =	sst s10  }
0x35: {  	s10 =	sld [smem:$0x3FB9];
	_ =	sdelay $0x3  }
0x36: {  	p1 =	seq.s32 s10, $0x1;
	s10 =	sld [smem:$0x3FBA];
	_ =	sdelay $0x3  }
0x37: {  	[smem:$0x3FBA] =	sst s10  }
0x38: {  	s10 =	sld [smem:$0x3FBB]  }
0x39: {  	_ = 	snop;
	(pc) =	sbr.ind lr, $3  }
0x3a: {  	_ = 	snop  }
0x3b: {  	_ = 	snop  }
0x3c: {  	p2 =	seq.s32 s10, $0x1;
	s10 =	sld [smem:$0x3FBA]  }
0x3d: {  	_ =	shalt  }
0x3e: {  	_ =	shalt  }
0x3f: {  	_ =	shalt  }
0x40: {  	_ =	shalt  }
0x41: {  	_ =	shalt  }
0x42: {  	_ =	shalt  }
0x43: {  	_ =	shalt  }
0x44: {  	_ =	shalt  }
0x45: {  	_ =	shalt  }
0x46: {  	_ =	shalt  }
0x47: {  	_ =	shalt  }
0x48: {  	_ =	shalt  }
0x49: {  	_ =	shalt  }
0x4a: {  	_ =	shalt  }
0x4b: {  	_ =	shalt  }
0x4c: {  	_ =	shalt  }
0x4d: {  	_ =	shalt  }
0x4e: {  	_ =	shalt  }
0x4f: {  	_ =	shalt  }
0x50: {  	_ =	shalt  }
0x51: {  	_ =	shalt  }
0x52: {  	_ =	shalt  }
0x53: {  	_ =	shalt  }
0x54: {  	_ =	shalt  }
0x55: {  	_ =	shalt  }
0x56: {  	_ =	shalt  }
0x57: {  	_ =	shalt  }
0x58: {  	_ =	shalt  }
0x59: {  	_ =	shalt  }
0x5a: {  	_ =	shalt  }
0x5b: {  	_ =	shalt  }
0x5c: {  	_ =	shalt  }
0x5d: {  	_ =	shalt  }
0x5e: {  	_ =	shalt  }
0x5f: {  	_ =	shalt  }
0x60: {  	_ =	shalt  }
0x61: {  	_ =	shalt  }
0x62: {  	_ =	shalt  }
0x63: {  	_ =	shalt  }
0x64: {  	_ =	shalt  }
0x65: {  	_ =	shalt  }
0x66: {  	_ =	shalt  }
0x67: {  	_ =	shalt  }
0x68: {  	_ =	shalt  }
0x69: {  	_ =	shalt  }
0x6a: {  	_ =	shalt  }
0x6b: {  	_ =	shalt  }
0x6c: {  	_ =	shalt  }
0x6d: {  	_ =	shalt  }
0x6e: {  	_ =	shalt  }
0x6f: {  	_ =	shalt  }
0x70: {  	_ =	shalt  }
0x71: {  	_ =	shalt  }
0x72: {  	_ =	shalt  }
0x73: {  	_ =	shalt  }
0x74: {  	_ =	shalt  }
0x75: {  	_ =	shalt  }
0x76: {  	_ =	shalt  }
0x77: {  	_ =	shalt  }
0x78: {  	_ =	shalt  }
0x79: {  	_ =	shalt  }
0x7a: {  	_ =	shalt  }
0x7b: {  	_ =	shalt  }
0x7c: {  	_ =	shalt  }
0x7d: {  	_ =	shalt  }
0x7e: {  	_ =	shalt  }
0x7f: {  	_ =	shalt  }
0x80: {  	_ =	shalt  }
0x81: {  	_ =	shalt  }
0x82: {  	_ =	shalt  }
0x83: {  	_ =	shalt  }
0x84: {  	_ =	shalt  }
0x85: {  	_ =	shalt  }
0x86: {  	_ =	shalt  }
0x87: {  	_ =	shalt  }
.Lfunc_end0:
.L_simem_size_0:
called_computation_lowered:
.L_overlay_start_0:
0x88: {  	s2 =	sld [smem:$0x3FD9]  }
0x89: {  	s3 =	sld [smem:$0x3FFE];
	_ =	sdelay $0x1  }
0x8a: {  	s1 =	srdreg.scid  }
0x8b: {  	s0 =	sand.u32 $0x1, s1  }
0x8c: {  	s17 =	sshll.u32 s0, $0xA;
	s2 =	sadd.s32 s3, s2  }
0x8d: {  	s2 =	sadd.s32 s2, s17  }
0x8e: {  	[smem:$0x3FC6] =	sst s2  }
0x8f: {  	_ = 	snop  }
0x90: {  	s2 =	sld [smem:$0x3FC9]  }
0x91: {  	s18 =	sld [smem:$0x3FD0];
	(tm) =	ssettm $0x1  }
0x92: {  	s4 =	sld [smem:$0x3FFB];
	_ =	sdelay $0x3  }
0x93: {  	_ =	strace s4  }
0x94: {  	s4 =	sld [smem:$0x3FFC];
	_ =	sdelay $0x3  }
0x95: {  	_ =	strace s4  }
0x96: {  	s4 =	sld [smem:$0x3FFD];
	_ =	sdelay $0x3  }
0x97: {  	_ =	strace s4  }
0x98: {  	_ =	strace $0x8FFFFFFF  }
0x99: {  	s19 =	sld [smem:$0x3FDB];
	_ =	sdelay $0x1  }
0x9a: {  	s5 =	simm.s32 $_scs_section_size  }
0x9b: {  	s6 =	simm.s32 $_size__tile_overlayer_lowered;
	s7 =	simm.s32 $_tile_overlayer_lowered  }
0x9c: {  	s22 =	simm.s32 $0x1BFF;
	s21 =	sshll.u32 s7, $0x1;
	s4 =	sadd.s32 s5, s19  }
0x9d: {  	s8 =	simm.s32 $0x0;
	s20 =	sshll.u32 s6, $0x1;
	s6 =	sadd.s32 s21, s4  }
0x9e: {  	[timem:s8], [sflag:s22] =	dma.local [hbm:s6], s20  }
0x9f: {  	_ =	swait.ge [sflag:s22], s20  }
0xa0: {  	s5 =	ssub.s32 $0x0, s20;
	[sflag:s22] =	ssyncset.done $0x0  }
0xa1: {  	[sflag:s22] =	ssyncadd.s32 s5;
	_ =	sdelay $0x1  }
0xa2: {  	s23 =	simm.s32 $0x1B8B  }
0xa3: {  	_ =	swait.ge [sflag:s23], $0x1  }
0xa4: {  	[sflag:s23] =	ssyncset.done $0x0  }
0xa5: {  	s25 =	simm.s32 $0x1B8E;
	s24 =	sld [smem:$0x3FFE];
	[sflag:s23] =	ssyncadd.s32 $0xFFFFFFFF  }
0xa6: {  	s26 =	simm.s32 $execute0_lowered;
	[smem:$0x3FD2] =	sst s25  }
0xa7: {  	s6 =	sshll.u32 s26, $0x1;
	_ =	strace $0x80000046;
	[dreg:$0x1] =	wrdreg $0xFFFFFFFF  }
0xa8: {  	s28 =	simm.s32 $_size_execute0_lowered;
	s4 =	sadd.s32 s4, s6;
	[dreg:$0x0] =	wrdreg $0x0  }
0xa9: {  	s6 =	sshll.u32 s28, $0x1;
	[dreg:$0x2] =	wrdreg s4  }
0xaa: {  	[dreg:$0x3] =	wrdreg s6  }
0xab: {  	[dreg:$0x4] =	wrdreg $0xC0  }
0xac: {  	_ =	task [dreg:s8], $0x5FFFF  }
0xad: {  	[dreg:$0x1] =	wrdreg $0xFFFFFFFF  }
0xae: {  	[dreg:$0x0] =	wrdreg $0x60  }
0xaf: {  	[dreg:$0x2] =	wrdreg s2  }
0xb0: {  	[dreg:$0x3] =	wrdreg s24  }
0xb1: {  	[dreg:$0x4] =	wrdreg s18  }
0xb2: {  	[dreg:$0x5] =	wrdreg $0xA4000  }
0xb3: {  	[dreg:$0x6] =	wrdreg $0x9  }
0xb4: {  	_ =	task.clear_ibuf [dreg:s8], $0x7FFFF;
	_ =	strace $0x90000046  }
0xb5: {  	s29 =	simm.s32 $0x9;
	_ =	strace $0x80000048  }
0xb6: {  	_ =	swait.ge [sflag:s29], $0x1  }
0xb7: {  	[sflag:s29] =	ssyncadd.s32 $0xFFFFFFFF  }
0xb8: {  	_ =	strace $0x90000048  }
0xb9: {  	_ =	sfence  }
0xba: {  	s30 =	sld [smem:$0x0];
	_ =	sdelay $0x2  }
0xbb: {  	s31 =	sshll.u32 s1, $0xD;
	s1 =	sshrl.u32 s1, $0x2  }
0xbc: {  	s3 =	sand.u32 $0x4000, s31;
	s1 =	sadd.s32 s1, s30  }
0xbd: {  	s0 =	sor.u32 s3, s0;
	s1 =	sshll.u32 s1, $0x11  }
0xbe: {  	s0 =	sor.u32 s1, s0  }
0xbf: {  	s0 =	sadd.s32 $0x8F2B, s0  }
0xc0: {  	[sflag:s0] =	ssyncadd.remote.s32 $0x1  }
0xc1: {  	_ =	sfence.sel $0xFFFF  }
0xc2: {  	[dreg:$0x0] =	wrdreg $0xFFFFFFFF;
	(pc) =	sbr.abs _section_cstart, $3  }
0xc3: {  	[dreg:$0x1] =	wrdreg $0xFFFFFFFF  }
0xc4: {  	_ =	task.clear_ibuf [dreg:s8], $0x2FFFF;
	_ =	strace $0x9FFFFFFF  }
0xc5: {  	(tm) =	ssettm $0x7FFFFFFF  }
tec
execute0_lowered:
.L_overlay_start_1:
0x0: {  	(tag) =	ssettag $0x1  }
0x1: {  	s0 =	rddreg [dreg:$0x0]  }
0x2: {  	s11 =	rddreg [dreg:$0x1]  }
0x3: {  	s1 =	rddreg [dreg:$0x2]  }
0x4: {  	s3 =	rddreg [dreg:$0x3];
	s12 =	stileid.u32  }
0x5: {  	s4 =	simm.s32 $0x0;
	s2 =	srdreg.scid;
	s5 =	smul.u32 $0x4E200, s12  }
0x6: {  	s31 =	simm.s32 $0x400;
	s30 =	simm.s32 $0x9;
	s9 =	smul.u32 $0x2710, s12  }
0x7: {  	s28 =	simm.s32 $0x4;
	[smem:$0x7FF] =	sst s4;
	s16 =	smul.u32 $0x27000, s12  }
0x8: {  	s2 =	sand.u32 $0x1, s2;
	s7 =	sadd.s32 $0x5000, s11;
	s18 =	smul.u32 $0x4E000, s12  }
0x9: {  	s20 =	smul.u32 $0x4E2, s12;
	p0 =	seq.s32 s12, $0xF;
	_ =	strace $0x80000047  }
0xa: {  	s6 =	ssub.s32 $0x2, s2;
	s17 =	sshll.u32 s2, $0xA;
	s2 =	sshll.u32 s2, $0x7  }
0xb: {  	s8 =	sshrl.u32 s6, $0x1;
	s5 =	sshrl.u32 s5, $0x2;
	s29 =	sshrl.u32 s9, $0x3  }
0xc: {  	[dreg:$0x5] =	wrdreg s9;
	s9 =	sadd.s32 $0xF0, s9;
	s19 =	sshrl.u32 s18, $0x2  }
0xd: {  	s18 =	simm.s32 $0xB;
	s10 =	sadd.s32 s7, s29;
	[dreg:$0x8] =	wrdreg s9  }
0xe: {  	s6 =	ssub.s32 s6, s8;
	s9 =	sshrl.u32 s9, $0x3;
	[dreg:$0x9] =	wrdreg s10  }
0xf: {  	s13 =	sadd.s32 s5, s3;
	s5 =	sadd.s32 s11, s29;
	[dreg:$0xb] =	wrdreg s9  }
0x10: {  	s15 =	sadd.s32 $0xA, s29;
	s14 =	sadd.s32 $0x11800, s13;
	[dreg:$0xe] =	wrdreg s5  }
0x11: {  	s10 =	sadd.s32 $0x14, s10;
	s9 =	sadd.s32 s7, s9;
	[dreg:$0x6] =	wrdreg s13  }
0x12: {  	s8 =	sadd.s32 s11, s15;
	s5 =	sor.u32 s17, s16;
	[dreg:$0x7] =	wrdreg s14  }
0x13: {  	s16 =	sadd.s32 s0, s2;
	s0 =	sadd.s32 s19, s3;
	[dreg:$0xc] =	wrdreg s10  }
0x14: {  	s21 =	smax.u32 s6, $0x1;
	s22 =	sadd.s32 $0x2800, s13;
	[dreg:$0xd] =	wrdreg s9  }
0x15: {  	s23 =	sadd.s32 $0x5000, s13;
	s24 =	sadd.s32 $0x7800, s13;
	[dreg:$0xf] =	wrdreg s8  }
0x16: {  	s25 =	sadd.s32 $0xA000, s13;
	s26 =	sadd.s32 $0xC800, s13;
	[dreg:$0x12] =	wrdreg s21  }
0x17: {  	s29 =	sadd.s32 $0xF000, s13;
	s13 =	simm.s32 $0x1;
	[dreg:$0x13] =	wrdreg s22  }
0x18: {  	s6 =	simm.s32 $0x3;
	s17 =	simm.s32 $0xC;
	[dreg:$0x14] =	wrdreg s23  }
0x19: {  	s19 =	simm.s32 $0x7;
	s14 =	sadd.s32 s7, s15;
	[dreg:$0x17] =	wrdreg s24  }
0x1a: {  	s5 =	sshrl.u32 s5, $0x3;
	s22 =	sadd.s32 s20, s7;
	[dreg:$0x18] =	wrdreg s25  }
0x1b: {  	s23 =	sadd.s32 s20, s11;
	s0 =	sshrl.u32 @!p0 s0, $0x3;
	[dreg:$0x19] =	wrdreg s26  }
0x1c: {  	[dreg:$0x1a] =	wrdreg s29;
	s10 =	simm.s32 $0x200;
	s21 =	simm.s32 $0x5  }
0x1d: {  	v0 =	vimm.f32 $0.0e+00;
	v1 =	vimm.s32 $0x7;
	s24 =	simm.s32 $0x50;
	s25 =	simm.s32 $0xA;
	s26 =	simm.s32 $0x380  }
0x1e: {  	v2 =	vimm.s32 $0x1;
	v3 =	vimm.s32 $0x0;
	v4 =	vlaneseq.u32;
	s7 =	simm.s32 $0x7C00;
	s15 =	simm.s32 $0xD;
	s20 =	simm.s32 $0x10  }
.Ltmp0:
0x1f: {  	vm0 =	vmmov $0x1;
	v5 =	vimm.s32 $0x2;
	v6 =	vimm.s32 $0x3;
	s8 =	simm.s32 $0x6;
	[dreg:$0xa] =	wrdreg s14;
	(pc) =	sbr.rel .LBB2_1-.Ltmp0, $4  }
0x20: {  	v7 =	vimm.s32 $0x4;
	v8 =	vimm.s32 $0x5;
	v9 =	vimm.s32 $0x6;
	s5 =	sadd.s32 s1, s5;
	s1 =	sadd.s32 s2, s1;
	[dreg:$0x16] =	wrdreg s0  }
0x21: {  	v10 =	vimm.s32 $0x8;
	v11 =	vimm.s32 $0x9;
	v12 =	vimm.s32 $0xA;
	s2 =	sadd.s32 $0x124800, s3;
	[dreg:$0x10] =	wrdreg s5;
	s1 =	sadd.s32 $0x49200, s1  }
0x22: {  	v13 =	vimm.s32 $0xB;
	v14 =	vimm.s32 $0xC;
	v15 =	vimm.s32 $0xD;
	s14 =	simm.s32 $0xE;
	[dreg:$0x11] =	wrdreg s1;
	s1 =	sshrl.u32 @p0 s2, $0x3  }
0x23: {  	v16 =	vimm.s32 $0xE;
	v17 =	vimm.s32 $0xF;
	v4 =	vmul.u32 $0x8, v4;
	s0 =	simm.s32 $0x8;
	s5 =	simm.s32 $0x0;
	[dreg:$0x15] =	wrdreg s1  }
.LBB2_22:
0x24: {  	_ =	swait.ge [sflag:s15], $0x2800  }
0x25: {  	[sflag:s15] =	ssyncset.done $0x0  }
0x26: {  	[sflag:s15] =	ssyncadd.s32 $0xFFFFD800  }
0x27: {  	_ =	swait.ge [sflag:s20], $0x2800  }
0x28: {  	[sflag:s20] =	ssyncset.done $0x0  }
0x29: {  	[sflag:s20] =	ssyncadd.s32 $0xFFFFD800  }
0x2a: {  	[bflag:$0x0] =	sbarrier.arrive $0xFFFF  }
0x2b: {  	s1 =	simm.s32 @p0 $0x8;
	s2 =	simm.s32 @p0 $0x100;
	s11 =	rddreg [dreg:$0x11]  }
0x2c: {  	s5 =	simm.s32 @p0 $0x80;
	s9 =	simm.s32 @p0 $0x1FD1;
	s12 =	rddreg [dreg:$0x15]  }
0x2d: {  	[hbm:s11@s2], [sflag:s9] =	dma.strided @p0 [spmem:s12@s5], $0x2800, s1, $0x10   }
0x2e: {  	s1 =	simm.s32 @p0 $0x11  }
0x2f: {  	s2 =	stileid.u32;
	_ =	swait.ge @p0 [sflag:s1], $0x2800  }
0x30: {  	s5 =	simm.s32 @!p0 $0x100;
	s9 =	simm.s32 @!p0 $0x80;
	s11 =	rddreg [dreg:$0x10]  }
0x31: {  	s2 =	sshll.u32 @!p0 s2, $0x6;
	[sflag:s1] =	ssyncset.done @p0 $0x0;
	s12 =	rddreg [dreg:$0x16]  }
0x32: {  	[sflag:s1] =	ssyncadd.s32 @p0 $0xFFFFD800;
	s1 =	sor.u32 @!p0 $0x1C11, s2;
	s2 =	simm.s32 @!p0 $0x8  }
0x33: {  	[hbm:s11@s5], [sflag:s1] =	dma.strided @!p0 [spmem:s12@s9], $0x2700, s2, $0x10   }
0x34: {  	s1 =	simm.s32 @!p0 $0x11  }
0x35: {  	_ =	swait.ge @!p0 [sflag:s1], $0x2700  }
0x36: {  	s12 =	rddreg [dreg:$0x1b]  }
0x37: {  	s29 =	rddreg [dreg:$0x12];
	s5 =	sadd.s32 $0x1, s12  }
0x38: {  	p1 =	sne.s32 s5, s29  }
.Ltmp1:
0x39: {  	_ = 	snop;
	(pc) =	sbr.rel @!p1 .LBB2_23-.Ltmp1, $3  }
0x3a: {  	_ =	sdelay $0x1  }
0x3b: {  	[sflag:s1] =	ssyncset.done @!p0 $0x0  }
0x3c: {  	[sflag:s1] =	ssyncadd.s32 @!p0 $0xFFFFD900  }
.LBB2_1:
0x3d: {  	[dreg:$0x1b] =	wrdreg s5;
	s1 =	simm.s32 $0x70;
	s5 =	simm.s32 $0x3C0  }
.LBB2_2:
0x3e: {  	p1 =	sne.s32 s5, $0x9FC0;
	[tilespmem:s1+$0x400] =	vst v0  }
0x3f: {  	[tilespmem:s1+$0x390] =	vst v0  }
0x40: {  	[tilespmem:s1+$0x3A0] =	vst v0  }
.Ltmp2:
0x41: {  	[tilespmem:s1+$0x3B0] =	vst v0;
	(pc) =	sbr.rel @p1 .LBB2_2-.Ltmp2, $4  }
0x42: {  	[tilespmem:s1+$0x3C0] =	vst v0  }
0x43: {  	[tilespmem:s1+$0x3D0] =	vst v0  }
0x44: {  	[tilespmem:s1+$0x3E0] =	vst v0  }
0x45: {  	[tilespmem:s1+$0x3F0] =	vst v0;
	s1 =	sshra.s32 s5, $0x2;
	s5 =	sadd.s32 $0x200, s5  }
0x46: {  	[tilespmem:s1+$0x400] =	vst v0  }
0x47: {  	[tilespmem:s1+$0x390] =	vst v0  }
0x48: {  	[tilespmem:s1+$0x3A0] =	vst v0  }
0x49: {  	[tilespmem:s1+$0x3B0] =	vst v0  }
0x4a: {  	[tilespmem:s1+$0x3C0] =	vst v0  }
0x4b: {  	[tilespmem:s1+$0x3D0] =	vst v0  }
0x4c: {  	[tilespmem:s1+$0x3E0] =	vst v0  }
0x4d: {  	[tilespmem:s1+$0x3F0] =	vst v0;
	s5 =	rddreg [dreg:$0x6];
	s2 =	simm.s32 $0x11  }
0x4e: {  	[spmem:s5] =	stream.linear.scatter [tilespmem:s31], [sflag:$0x11], $0x2800, $0x38;
	[tilespmem:$0x1DC80] =	vst v63  }
0x4f: {  	_ =	swait.ge [sflag:s2], $0x2800  }
0x50: {  	[sflag:s2] =	ssyncset.done $0x0  }
0x51: {  	s9 =	rddreg [dreg:$0x13];
	[sflag:s2] =	ssyncadd.s32 $0xFFFFD800  }
0x52: {  	[spmem:s9] =	stream.linear.scatter [tilespmem:s31], [sflag:$0x11], $0x2800, $0x38;
	[tilespmem:$0x1DC80] =	vst v63  }
0x53: {  	_ =	swait.ge [sflag:s2], $0x2800  }
0x54: {  	[sflag:s2] =	ssyncset.done $0x0  }
0x55: {  	s11 =	rddreg [dreg:$0x14];
	[sflag:s2] =	ssyncadd.s32 $0xFFFFD800  }
0x56: {  	[spmem:s11] =	stream.linear.scatter [tilespmem:s31], [sflag:$0x11], $0x2800, $0x38;
	[tilespmem:$0x1DC80] =	vst v63  }
0x57: {  	_ =	swait.ge [sflag:s2], $0x2800  }
0x58: {  	[sflag:s2] =	ssyncset.done $0x0  }
0x59: {  	s12 =	rddreg [dreg:$0x17];
	[sflag:s2] =	ssyncadd.s32 $0xFFFFD800  }
0x5a: {  	[spmem:s12] =	stream.linear.scatter [tilespmem:s31], [sflag:$0x11], $0x2800, $0x38;
	[tilespmem:$0x1DC80] =	vst v63  }
0x5b: {  	_ =	swait.ge [sflag:s2], $0x2800  }
0x5c: {  	[sflag:s2] =	ssyncset.done $0x0  }
0x5d: {  	s5 =	rddreg [dreg:$0x18];
	[sflag:s2] =	ssyncadd.s32 $0xFFFFD800  }
0x5e: {  	[spmem:s5] =	stream.linear.scatter [tilespmem:s31], [sflag:$0x11], $0x2800, $0x38;
	[tilespmem:$0x1DC80] =	vst v63  }
0x5f: {  	_ =	swait.ge [sflag:s2], $0x2800  }
0x60: {  	[sflag:s2] =	ssyncset.done $0x0  }
0x61: {  	s9 =	rddreg [dreg:$0x19];
	[sflag:s2] =	ssyncadd.s32 $0xFFFFD800  }
0x62: {  	[spmem:s9] =	stream.linear.scatter [tilespmem:s31], [sflag:$0x11], $0x2800, $0x38;
	[tilespmem:$0x1DC80] =	vst v63  }
0x63: {  	_ =	swait.ge [sflag:s2], $0x2800  }
0x64: {  	[sflag:s2] =	ssyncset.done $0x0  }
0x65: {  	s11 =	rddreg [dreg:$0x1a];
	[sflag:s2] =	ssyncadd.s32 $0xFFFFD800  }
0x66: {  	[spmem:s11] =	stream.linear.scatter [tilespmem:s31], [sflag:$0x11], $0x2800, $0x38;
	[tilespmem:$0x1DC80] =	vst v63  }
0x67: {  	_ =	swait.ge [sflag:s2], $0x2800  }
0x68: {  	[sflag:s2] =	ssyncset.done $0x0  }
0x69: {  	s12 =	rddreg [dreg:$0x7];
	[sflag:s2] =	ssyncadd.s32 $0xFFFFD800  }
0x6a: {  	[spmem:s12] =	stream.linear.scatter [tilespmem:s31], [sflag:$0x11], $0x2080, $0x38;
	[tilespmem:$0x1DC80] =	vst v63  }
0x6b: {  	_ =	swait.ge [sflag:s2], $0x2080  }
0x6c: {  	[sflag:s2] =	ssyncset.done $0x0  }
0x6d: {  	[sflag:s2] =	ssyncadd.s32 $0xFFFFDF80  }
0x6e: {  	[bflag:$0x0] =	sbarrier.arrive $0xFFFF  }
0x6f: {  	s29 =	simm.s32 $0x0;
	s2 =	rddreg [dreg:$0x9]  }
0x70: {  	[tilespmem:s29], [sflag:$0x1] =	stream.linear.gather [hbm4b:s2+s29], $0x50, $0x38;
	[tilespmem:$0x1DC80] =	vst v63  }
0x71: {  	s9 =	simm.s32 $0x80;
	s5 =	rddreg [dreg:$0xa]  }
0x72: {  	[tilespmem:s9], [sflag:$0x2] =	stream.linear.gather [hbm4b:s5+s29], $0x50, $0x38;
	[tilespmem:$0x1DC80] =	vst v63  }
0x73: {  	s12 =	simm.s32 $0x100;
	s11 =	rddreg [dreg:$0xc]  }
0x74: {  	[tilespmem:s12], [sflag:$0x3] =	stream.linear.gather [hbm4b:s11+s29], $0x50, $0x38;
	[tilespmem:$0x1DC80] =	vst v63  }
0x75: {  	s2 =	rddreg [dreg:$0xd];
	s5 =	simm.s32 $0x180  }
0x76: {  	[tilespmem:s5], [sflag:$0x4] =	stream.linear.gather [hbm4b:s2+s29], $0x50, $0x38;
	[tilespmem:$0x1DC80] =	vst v63  }
0x77: {  	s9 =	rddreg [dreg:$0xe]  }
0x78: {  	[tilespmem:s10], [sflag:$0x5] =	stream.linear.gather [hbm4b:s9+s29], $0x50, $0x38;
	[tilespmem:$0x1DC80] =	vst v63  }
0x79: {  	s11 =	rddreg [dreg:$0xf];
	s12 =	simm.s32 $0x280  }
0x7a: {  	[tilespmem:s12], [sflag:$0x6] =	stream.linear.gather [hbm4b:s11+s29], $0x50, $0x38;
	[tilespmem:$0x1DC80] =	vst v63  }
0x7b: {  	_ =	swait.ge [sflag:s13], $0x50  }
0x7c: {  	[sflag:s13] =	ssyncset.done $0x0  }
0x7d: {  	[sflag:s13] =	ssyncadd.s32 $0xFFFFFFB0  }
0x7e: {  	v18 =	vld [tilespmem:$0x0];
	_ =	sdelay $0x4  }
0x7f: {  	v19 =	vshll.u32 v18, $0x1  }
0x80: {  	v18 =	vand.u32 $0x7, v18;
	v19 =	vand.u32 $0xFFFFFFF0, v19  }
0x81: {  	v18 =	vor.u32 v18, v19  }
0x82: {  	v19 =	vperm.xlane v18, v3;
	_ =	sdelay $0x1  }
0x83: {  	v20 =	vperm.xlane v18, v2;
	v19 =	vadd.s32 v4, v19;
	_ =	sdelay $0x1  }
0x84: {  	v21 =	vperm.xlane v18, v5;
	v20 =	vadd.s32 v4, v20;
	_ =	sdelay $0x1  }
0x85: {  	v22 =	vperm.xlane v18, v6;
	v21 =	vadd.s32 v4, v21  }
0x86: {  	[tilespmem:s31], [sflag:$0x9] =	stream.indirect_vreg.gather [hbm4b:s16+s29], $0x80, v19, vm0, $0xb8;
	[tilespmem:$0x1DC80] =	vst v63  }
0x87: {  	s5 =	simm.s32 $0x480;
	v47 =	vperm.xlane v18, v7;
	v19 =	vadd.s32 v4, v22  }
0x88: {  	[tilespmem:s5], [sflag:$0x9] =	stream.indirect_vreg.gather [hbm4b:s16+s29], $0x80, v20, vm0, $0xb8;
	[tilespmem:$0x1DC80] =	vst v63  }
0x89: {  	s9 =	simm.s32 $0x500;
	v49 =	vperm.xlane v18, v8;
	v48 =	vadd.s32 v4, v47  }
0x8a: {  	[tilespmem:s9], [sflag:$0x9] =	stream.indirect_vreg.gather [hbm4b:s16+s29], $0x80, v21, vm0, $0xb8;
	[tilespmem:$0x1DC80] =	vst v63  }
0x8b: {  	s11 =	simm.s32 $0x580;
	v51 =	vperm.xlane v18, v9;
	v50 =	vadd.s32 v4, v49  }
0x8c: {  	[tilespmem:s11], [sflag:$0x9] =	stream.indirect_vreg.gather [hbm4b:s16+s29], $0x80, v19, vm0, $0xb8;
	[tilespmem:$0x1DC80] =	vst v63  }
0x8d: {  	s12 =	simm.s32 $0x600;
	v52 =	vperm.xlane v18, v1;
	v19 =	vadd.s32 v4, v51  }
0x8e: {  	[tilespmem:s12], [sflag:$0x9] =	stream.indirect_vreg.gather [hbm4b:s16+s29], $0x80, v48, vm0, $0xb8;
	[tilespmem:$0x1DC80] =	vst v63  }
0x8f: {  	s2 =	simm.s32 $0x680;
	v54 =	vperm.xlane v18, v10;
	v53 =	vadd.s32 v4, v52  }
0x90: {  	[tilespmem:s2], [sflag:$0x9] =	stream.indirect_vreg.gather [hbm4b:s16+s29], $0x80, v50, vm0, $0xb8;
	[tilespmem:$0x1DC80] =	vst v63  }
0x91: {  	v56 =	vperm.xlane v18, v11;
	v55 =	vadd.s32 v4, v54;
	s5 =	simm.s32 $0x700  }
0x92: {  	[tilespmem:s5], [sflag:$0x9] =	stream.indirect_vreg.gather [hbm4b:s16+s29], $0x80, v19, vm0, $0xb8;
	[tilespmem:$0x1DC80] =	vst v63  }
0x93: {  	v57 =	vperm.xlane v18, v12;
	s9 =	simm.s32 $0x780;
	v19 =	vadd.s32 v4, v56  }
0x94: {  	[tilespmem:s9], [sflag:$0x9] =	stream.indirect_vreg.gather [hbm4b:s16+s29], $0x80, v53, vm0, $0xb8;
	[tilespmem:$0x1DC80] =	vst v63  }
0x95: {  	v59 =	vperm.xlane v18, v13;
	v58 =	vadd.s32 v4, v57;
	s11 =	simm.s32 $0x800  }
0x96: {  	[tilespmem:s11], [sflag:$0x9] =	stream.indirect_vreg.gather [hbm4b:s16+s29], $0x80, v55, vm0, $0xb8;
	[tilespmem:$0x1DC80] =	vst v63  }
0x97: {  	v61 =	vperm.xlane v18, v14;
	v60 =	vadd.s32 v4, v59;
	s12 =	simm.s32 $0x880  }
0x98: {  	[tilespmem:s12], [sflag:$0x9] =	stream.indirect_vreg.gather [hbm4b:s16+s29], $0x80, v19, vm0, $0xb8;
	[tilespmem:$0x1DC80] =	vst v63  }
0x99: {  	v62 =	vperm.xlane v18, v15;
	s2 =	simm.s32 $0x900;
	v19 =	vadd.s32 v4, v61  }
0x9a: {  	[tilespmem:s2], [sflag:$0x9] =	stream.indirect_vreg.gather [hbm4b:s16+s29], $0x80, v58, vm0, $0xb8;
	[tilespmem:$0x1DC80] =	vst v63  }
0x9b: {  	v24 =	vperm.xlane v18, v16;
	v63 =	vadd.s32 v4, v62;
	s5 =	simm.s32 $0x980  }
0x9c: {  	[tilespmem:s5], [sflag:$0x9] =	stream.indirect_vreg.gather [hbm4b:s16+s29], $0x80, v60, vm0, $0xb8;
	[tilespmem:$0x1DC80] =	vst v63  }
0x9d: {  	v18 =	vperm.xlane v18, v17;
	v25 =	vadd.s32 v4, v24;
	s9 =	simm.s32 $0xA00  }
0x9e: {  	[tilespmem:s9], [sflag:$0x9] =	stream.indirect_vreg.gather [hbm4b:s16+s29], $0x80, v19, vm0, $0xb8;
	[tilespmem:$0x1DC80] =	vst v63  }
0x9f: {  	v18 =	vadd.s32 v4, v18;
	s11 =	simm.s32 $0xA80  }
0xa0: {  	[tilespmem:s11], [sflag:$0x9] =	stream.indirect_vreg.gather [hbm4b:s16+s29], $0x80, v63, vm0, $0xb8;
	[tilespmem:$0x1DC80] =	vst v63  }
0xa1: {  	s12 =	simm.s32 $0xB00  }
0xa2: {  	[tilespmem:s12], [sflag:$0x9] =	stream.indirect_vreg.gather [hbm4b:s16+s29], $0x80, v25, vm0, $0xb8;
	[tilespmem:$0x1DC80] =	vst v63  }
0xa3: {  	s2 =	simm.s32 $0xB80  }
0xa4: {  	[tilespmem:s2], [sflag:$0x9] =	stream.indirect_vreg.gather [hbm4b:s16+s29], $0x80, v18, vm0, $0xb8;
	[tilespmem:$0x1DC80] =	vst v63  }
0xa5: {  	v18 =	vld [tilespmem:$0x10];
	_ =	sdelay $0x4  }
0xa6: {  	v19 =	vshll.u32 v18, $0x1  }
0xa7: {  	v18 =	vand.u32 $0x7, v18;
	v19 =	vand.u32 $0xFFFFFFF0, v19  }
0xa8: {  	v18 =	vor.u32 v18, v19  }
0xa9: {  	v19 =	vperm.xlane v18, v3;
	_ =	sdelay $0x1  }
0xaa: {  	v26 =	vperm.xlane v18, v2;
	v19 =	vadd.s32 v4, v19;
	_ =	sdelay $0x1  }
0xab: {  	v27 =	vperm.xlane v18, v5;
	v20 =	vadd.s32 v4, v26;
	_ =	sdelay $0x1  }
0xac: {  	s5 =	simm.s32 $0xC00;
	v28 =	vperm.xlane v18, v6;
	v21 =	vadd.s32 v4, v27  }
0xad: {  	[tilespmem:s5], [sflag:$0x9] =	stream.indirect_vreg.gather [hbm4b:s16+s29], $0x80, v19, vm0, $0xb8;
	[tilespmem:$0x1DC80] =	vst v63  }
0xae: {  	s9 =	simm.s32 $0xC80;
	v29 =	vperm.xlane v18, v7;
	v19 =	vadd.s32 v4, v28  }
0xaf: {  	[tilespmem:s9], [sflag:$0x9] =	stream.indirect_vreg.gather [hbm4b:s16+s29], $0x80, v20, vm0, $0xb8;
	[tilespmem:$0x1DC80] =	vst v63  }
0xb0: {  	s11 =	simm.s32 $0xD00;
	v31 =	vperm.xlane v18, v8;
	v30 =	vadd.s32 v4, v29  }
0xb1: {  	[tilespmem:s11], [sflag:$0x9] =	stream.indirect_vreg.gather [hbm4b:s16+s29], $0x80, v21, vm0, $0xb8;
	[tilespmem:$0x1DC80] =	vst v63  }
0xb2: {  	s12 =	simm.s32 $0xD80;
	v33 =	vperm.xlane v18, v9;
	v32 =	vadd.s32 v4, v31  }
0xb3: {  	[tilespmem:s12], [sflag:$0x9] =	stream.indirect_vreg.gather [hbm4b:s16+s29], $0x80, v19, vm0, $0xb8;
	[tilespmem:$0x1DC80] =	vst v63  }
0xb4: {  	s2 =	simm.s32 $0xE00;
	v34 =	vperm.xlane v18, v1;
	v19 =	vadd.s32 v4, v33  }
0xb5: {  	[tilespmem:s2], [sflag:$0x9] =	stream.indirect_vreg.gather [hbm4b:s16+s29], $0x80, v30, vm0, $0xb8;
	[tilespmem:$0x1DC80] =	vst v63  }
0xb6: {  	v36 =	vperm.xlane v18, v10;
	v35 =	vadd.s32 v4, v34;
	s5 =	simm.s32 $0xE80  }
0xb7: {  	[tilespmem:s5], [sflag:$0x9] =	stream.indirect_vreg.gather [hbm4b:s16+s29], $0x80, v32, vm0, $0xb8;
	[tilespmem:$0x1DC80] =	vst v63  }
0xb8: {  	v38 =	vperm.xlane v18, v11;
	v37 =	vadd.s32 v4, v36;
	s9 =	simm.s32 $0xF00  }
0xb9: {  	[tilespmem:s9], [sflag:$0x9] =	stream.indirect_vreg.gather [hbm4b:s16+s29], $0x80, v19, vm0, $0xb8;
	[tilespmem:$0x1DC80] =	vst v63  }
0xba: {  	v39 =	vperm.xlane v18, v12;
	s11 =	simm.s32 $0xF80;
	v19 =	vadd.s32 v4, v38  }
0xbb: {  	[tilespmem:s11], [sflag:$0x9] =	stream.indirect_vreg.gather [hbm4b:s16+s29], $0x80, v35, vm0, $0xb8;
	[tilespmem:$0x1DC80] =	vst v63  }
0xbc: {  	v41 =	vperm.xlane v18, v13;
	v40 =	vadd.s32 v4, v39;
	s12 =	simm.s32 $0x1000  }
0xbd: {  	[tilespmem:s12], [sflag:$0x9] =	stream.indirect_vreg.gather [hbm4b:s16+s29], $0x80, v37, vm0, $0xb8;
	[tilespmem:$0x1DC80] =	vst v63  }
0xbe: {  	v43 =	vperm.xlane v18, v14;
	v42 =	vadd.s32 v4, v41;
	s2 =	simm.s32 $0x1080  }
0xbf: {  	[tilespmem:s2], [sflag:$0x9] =	stream.indirect_vreg.gather [hbm4b:s16+s29], $0x80, v19, vm0, $0xb8;
	[tilespmem:$0x1DC80] =	vst v63  }
0xc0: {  	v44 =	vperm.xlane v18, v15;
	s5 =	simm.s32 $0x1100;
	v19 =	vadd.s32 v4, v43  }
0xc1: {  	[tilespmem:s5], [sflag:$0x9] =	stream.indirect_vreg.gather [hbm4b:s16+s29], $0x80, v40, vm0, $0xb8;
	[tilespmem:$0x1DC80] =	vst v63  }
0xc2: {  	v46 =	vperm.xlane v18, v16;
	v45 =	vadd.s32 v4, v44;
	s9 =	simm.s32 $0x1180  }
0xc3: {  	[tilespmem:s9], [sflag:$0x9] =	stream.indirect_vreg.gather [hbm4b:s16+s29], $0x80, v42, vm0, $0xb8;
	[tilespmem:$0x1DC80] =	vst v63  }
0xc4: {  	v18 =	vperm.xlane v18, v17;
	v47 =	vadd.s32 v4, v46;
	s11 =	simm.s32 $0x1200  }
0xc5: {  	[tilespmem:s11], [sflag:$0x9] =	stream.indirect_vreg.gather [hbm4b:s16+s29], $0x80, v19, vm0, $0xb8;
	[tilespmem:$0x1DC80] =	vst v63  }
0xc6: {  	v18 =	vadd.s32 v4, v18;
	s12 =	simm.s32 $0x1280  }
0xc7: {  	[tilespmem:s12], [sflag:$0x9] =	stream.indirect_vreg.gather [hbm4b:s16+s29], $0x80, v45, vm0, $0xb8;
	[tilespmem:$0x1DC80] =	vst v63  }
0xc8: {  	s2 =	simm.s32 $0x1300  }
0xc9: {  	[tilespmem:s2], [sflag:$0x9] =	stream.indirect_vreg.gather [hbm4b:s16+s29], $0x80, v47, vm0, $0xb8;
	[tilespmem:$0x1DC80] =	vst v63  }
0xca: {  	s5 =	simm.s32 $0x1380  }
0xcb: {  	[tilespmem:s5], [sflag:$0x9] =	stream.indirect_vreg.gather [hbm4b:s16+s29], $0x80, v18, vm0, $0xb8;
	[tilespmem:$0x1DC80] =	vst v63  }
0xcc: {  	v18 =	vld [tilespmem:$0x20];
	_ =	sdelay $0x4  }
0xcd: {  	v19 =	vshll.u32 v18, $0x1  }
0xce: {  	v18 =	vand.u32 $0x7, v18;
	v19 =	vand.u32 $0xFFFFFFF0, v19  }
0xcf: {  	v18 =	vor.u32 v18, v19  }
0xd0: {  	v19 =	vperm.xlane v18, v3;
	_ =	sdelay $0x1  }
0xd1: {  	v48 =	vperm.xlane v18, v2;
	v19 =	vadd.s32 v4, v19;
	_ =	sdelay $0x1  }
0xd2: {  	v49 =	vperm.xlane v18, v5;
	v20 =	vadd.s32 v4, v48;
	_ =	sdelay $0x1  }
0xd3: {  	s9 =	simm.s32 $0x1400;
	v50 =	vperm.xlane v18, v6;
	v21 =	vadd.s32 v4, v49  }
0xd4: {  	[tilespmem:s9], [sflag:$0x9] =	stream.indirect_vreg.gather [hbm4b:s16+s29], $0x80, v19, vm0, $0xb8;
	[tilespmem:$0x1DC80] =	vst v63  }
0xd5: {  	s11 =	simm.s32 $0x1480;
	v51 =	vperm.xlane v18, v7;
	v19 =	vadd.s32 v4, v50  }
0xd6: {  	[tilespmem:s11], [sflag:$0x9] =	stream.indirect_vreg.gather [hbm4b:s16+s29], $0x80, v20, vm0, $0xb8;
	[tilespmem:$0x1DC80] =	vst v63  }
0xd7: {  	s12 =	simm.s32 $0x1500;
	v53 =	vperm.xlane v18, v8;
	v52 =	vadd.s32 v4, v51  }
0xd8: {  	[tilespmem:s12], [sflag:$0x9] =	stream.indirect_vreg.gather [hbm4b:s16+s29], $0x80, v21, vm0, $0xb8;
	[tilespmem:$0x1DC80] =	vst v63  }
0xd9: {  	s2 =	simm.s32 $0x1580;
	v55 =	vperm.xlane v18, v9;
	v54 =	vadd.s32 v4, v53  }
0xda: {  	[tilespmem:s2], [sflag:$0x9] =	stream.indirect_vreg.gather [hbm4b:s16+s29], $0x80, v19, vm0, $0xb8;
	[tilespmem:$0x1DC80] =	vst v63  }
0xdb: {  	s5 =	simm.s32 $0x1600;
	v56 =	vperm.xlane v18, v1;
	v19 =	vadd.s32 v4, v55  }
0xdc: {  	[tilespmem:s5], [sflag:$0x9] =	stream.indirect_vreg.gather [hbm4b:s16+s29], $0x80, v52, vm0, $0xb8;
	[tilespmem:$0x1DC80] =	vst v63  }
0xdd: {  	v58 =	vperm.xlane v18, v10;
	v57 =	vadd.s32 v4, v56;
	s9 =	simm.s32 $0x1680  }
0xde: {  	[tilespmem:s9], [sflag:$0x9] =	stream.indirect_vreg.gather [hbm4b:s16+s29], $0x80, v54, vm0, $0xb8;
	[tilespmem:$0x1DC80] =	vst v63  }
0xdf: {  	v60 =	vperm.xlane v18, v11;
	v59 =	vadd.s32 v4, v58;
	s11 =	simm.s32 $0x1700  }
0xe0: {  	[tilespmem:s11], [sflag:$0x9] =	stream.indirect_vreg.gather [hbm4b:s16+s29], $0x80, v19, vm0, $0xb8;
	[tilespmem:$0x1DC80] =	vst v63  }
0xe1: {  	v61 =	vperm.xlane v18, v12;
	s12 =	simm.s32 $0x1780;
	v19 =	vadd.s32 v4, v60  }
0xe2: {  	[tilespmem:s12], [sflag:$0x9] =	stream.indirect_vreg.gather [hbm4b:s16+s29], $0x80, v57, vm0, $0xb8;
	[tilespmem:$0x1DC80] =	vst v63  }
0xe3: {  	v63 =	vperm.xlane v18, v13;
	v62 =	vadd.s32 v4, v61;
	s2 =	simm.s32 $0x1800  }
0xe4: {  	[tilespmem:s2], [sflag:$0x9] =	stream.indirect_vreg.gather [hbm4b:s16+s29], $0x80, v59, vm0, $0xb8;
	[tilespmem:$0x1DC80] =	vst v63  }
0xe5: {  	v25 =	vperm.xlane v18, v14;
	v24 =	vadd.s32 v4, v63;
	s5 =	simm.s32 $0x1880  }
0xe6: {  	[tilespmem:s5], [sflag:$0x9] =	stream.indirect_vreg.gather [hbm4b:s16+s29], $0x80, v19, vm0, $0xb8;
	[tilespmem:$0x1DC80] =	vst v63  }
0xe7: {  	v26 =	vperm.xlane v18, v15;
	s9 =	simm.s32 $0x1900;
	v19 =	vadd.s32 v4, v25  }
0xe8: {  	[tilespmem:s9], [sflag:$0x9] =	stream.indirect_vreg.gather [hbm4b:s16+s29], $0x80, v62, vm0, $0xb8;
	[tilespmem:$0x1DC80] =	vst v63  }
0xe9: {  	v28 =	vperm.xlane v18, v16;
	v27 =	vadd.s32 v4, v26;
	s11 =	simm.s32 $0x1980  }
0xea: {  	[tilespmem:s11], [sflag:$0x9] =	stream.indirect_vreg.gather [hbm4b:s16+s29], $0x80, v24, vm0, $0xb8;
	[tilespmem:$0x1DC80] =	vst v63  }
0xeb: {  	v18 =	vperm.xlane v18, v17;
	v29 =	vadd.s32 v4, v28;
	s12 =	simm.s32 $0x1A00  }
0xec: {  	[tilespmem:s12], [sflag:$0x9] =	stream.indirect_vreg.gather [hbm4b:s16+s29], $0x80, v19, vm0, $0xb8;
	[tilespmem:$0x1DC80] =	vst v63  }
0xed: {  	v18 =	vadd.s32 v4, v18;
	s2 =	simm.s32 $0x1A80  }
0xee: {  	[tilespmem:s2], [sflag:$0x9] =	stream.indirect_vreg.gather [hbm4b:s16+s29], $0x80, v27, vm0, $0xb8;
	[tilespmem:$0x1DC80] =	vst v63  }
0xef: {  	s5 =	simm.s32 $0x1B00  }
0xf0: {  	[tilespmem:s5], [sflag:$0x9] =	stream.indirect_vreg.gather [hbm4b:s16+s29], $0x80, v29, vm0, $0xb8;
	[tilespmem:$0x1DC80] =	vst v63  }
0xf1: {  	s9 =	simm.s32 $0x1B80  }
0xf2: {  	[tilespmem:s9], [sflag:$0x9] =	stream.indirect_vreg.gather [hbm4b:s16+s29], $0x80, v18, vm0, $0xb8;
	[tilespmem:$0x1DC80] =	vst v63  }
0xf3: {  	v18 =	vld [tilespmem:$0x30];
	_ =	sdelay $0x4  }
0xf4: {  	v19 =	vshll.u32 v18, $0x1  }
0xf5: {  	v18 =	vand.u32 $0x7, v18;
	v19 =	vand.u32 $0xFFFFFFF0, v19  }
0xf6: {  	v18 =	vor.u32 v18, v19  }
0xf7: {  	v19 =	vperm.xlane v18, v3;
	_ =	sdelay $0x1  }
0xf8: {  	v30 =	vperm.xlane v18, v2;
	v19 =	vadd.s32 v4, v19;
	_ =	sdelay $0x1  }
0xf9: {  	v31 =	vperm.xlane v18, v5;
	v20 =	vadd.s32 v4, v30;
	_ =	sdelay $0x1  }
0xfa: {  	s11 =	simm.s32 $0x1C00;
	v32 =	vperm.xlane v18, v6;
	v21 =	vadd.s32 v4, v31  }
0xfb: {  	[tilespmem:s11], [sflag:$0x9] =	stream.indirect_vreg.gather [hbm4b:s16+s29], $0x80, v19, vm0, $0xb8;
	[tilespmem:$0x1DC80] =	vst v63  }
0xfc: {  	s12 =	simm.s32 $0x1C80;
	v33 =	vperm.xlane v18, v7;
	v19 =	vadd.s32 v4, v32  }
0xfd: {  	[tilespmem:s12], [sflag:$0x9] =	stream.indirect_vreg.gather [hbm4b:s16+s29], $0x80, v20, vm0, $0xb8;
	[tilespmem:$0x1DC80] =	vst v63  }
0xfe: {  	s2 =	simm.s32 $0x1D00;
	v35 =	vperm.xlane v18, v8;
	v34 =	vadd.s32 v4, v33  }
0xff: {  	[tilespmem:s2], [sflag:$0x9] =	stream.indirect_vreg.gather [hbm4b:s16+s29], $0x80, v21, vm0, $0xb8;
	[tilespmem:$0x1DC80] =	vst v63  }
0x100: {  	s5 =	simm.s32 $0x1D80;
	v37 =	vperm.xlane v18, v9;
	v36 =	vadd.s32 v4, v35  }
0x101: {  	[tilespmem:s5], [sflag:$0x9] =	stream.indirect_vreg.gather [hbm4b:s16+s29], $0x80, v19, vm0, $0xb8;
	[tilespmem:$0x1DC80] =	vst v63  }
0x102: {  	s9 =	simm.s32 $0x1E00;
	v38 =	vperm.xlane v18, v1;
	v19 =	vadd.s32 v4, v37  }
0x103: {  	[tilespmem:s9], [sflag:$0x9] =	stream.indirect_vreg.gather [hbm4b:s16+s29], $0x80, v34, vm0, $0xb8;
	[tilespmem:$0x1DC80] =	vst v63  }
0x104: {  	v40 =	vperm.xlane v18, v10;
	v39 =	vadd.s32 v4, v38;
	s11 =	simm.s32 $0x1E80  }
0x105: {  	[tilespmem:s11], [sflag:$0x9] =	stream.indirect_vreg.gather [hbm4b:s16+s29], $0x80, v36, vm0, $0xb8;
	[tilespmem:$0x1DC80] =	vst v63  }
0x106: {  	v42 =	vperm.xlane v18, v11;
	v41 =	vadd.s32 v4, v40;
	s12 =	simm.s32 $0x1F00  }
0x107: {  	[tilespmem:s12], [sflag:$0x9] =	stream.indirect_vreg.gather [hbm4b:s16+s29], $0x80, v19, vm0, $0xb8;
	[tilespmem:$0x1DC80] =	vst v63  }
0x108: {  	v43 =	vperm.xlane v18, v12;
	s2 =	simm.s32 $0x1F80;
	v19 =	vadd.s32 v4, v42  }
0x109: {  	[tilespmem:s2], [sflag:$0x9] =	stream.indirect_vreg.gather [hbm4b:s16+s29], $0x80, v39, vm0, $0xb8;
	[tilespmem:$0x1DC80] =	vst v63  }
0x10a: {  	v45 =	vperm.xlane v18, v13;
	v44 =	vadd.s32 v4, v43;
	s5 =	simm.s32 $0x2000  }
0x10b: {  	[tilespmem:s5], [sflag:$0x9] =	stream.indirect_vreg.gather [hbm4b:s16+s29], $0x80, v41, vm0, $0xb8;
	[tilespmem:$0x1DC80] =	vst v63  }
0x10c: {  	v47 =	vperm.xlane v18, v14;
	v46 =	vadd.s32 v4, v45;
	s9 =	simm.s32 $0x2080  }
0x10d: {  	[tilespmem:s9], [sflag:$0x9] =	stream.indirect_vreg.gather [hbm4b:s16+s29], $0x80, v19, vm0, $0xb8;
	[tilespmem:$0x1DC80] =	vst v63  }
0x10e: {  	v48 =	vperm.xlane v18, v15;
	s11 =	simm.s32 $0x2100;
	v19 =	vadd.s32 v4, v47  }
0x10f: {  	[tilespmem:s11], [sflag:$0x9] =	stream.indirect_vreg.gather [hbm4b:s16+s29], $0x80, v44, vm0, $0xb8;
	[tilespmem:$0x1DC80] =	vst v63  }
0x110: {  	v50 =	vperm.xlane v18, v16;
	v49 =	vadd.s32 v4, v48;
	s12 =	simm.s32 $0x2180  }
0x111: {  	[tilespmem:s12], [sflag:$0x9] =	stream.indirect_vreg.gather [hbm4b:s16+s29], $0x80, v46, vm0, $0xb8;
	[tilespmem:$0x1DC80] =	vst v63  }
0x112: {  	v18 =	vperm.xlane v18, v17;
	v51 =	vadd.s32 v4, v50;
	s2 =	simm.s32 $0x2200  }
0x113: {  	[tilespmem:s2], [sflag:$0x9] =	stream.indirect_vreg.gather [hbm4b:s16+s29], $0x80, v19, vm0, $0xb8;
	[tilespmem:$0x1DC80] =	vst v63  }
0x114: {  	v18 =	vadd.s32 v4, v18;
	s5 =	simm.s32 $0x2280  }
0x115: {  	[tilespmem:s5], [sflag:$0x9] =	stream.indirect_vreg.gather [hbm4b:s16+s29], $0x80, v49, vm0, $0xb8;
	[tilespmem:$0x1DC80] =	vst v63  }
0x116: {  	s9 =	simm.s32 $0x2300  }
0x117: {  	[tilespmem:s9], [sflag:$0x9] =	stream.indirect_vreg.gather [hbm4b:s16+s29], $0x80, v51, vm0, $0xb8;
	[tilespmem:$0x1DC80] =	vst v63  }
0x118: {  	s11 =	simm.s32 $0x2380  }
0x119: {  	[tilespmem:s11], [sflag:$0x9] =	stream.indirect_vreg.gather [hbm4b:s16+s29], $0x80, v18, vm0, $0xb8;
	[tilespmem:$0x1DC80] =	vst v63  }
0x11a: {  	v18 =	vld [tilespmem:$0x40];
	_ =	sdelay $0x4  }
0x11b: {  	v19 =	vshll.u32 v18, $0x1  }
0x11c: {  	v18 =	vand.u32 $0x7, v18;
	v19 =	vand.u32 $0xFFFFFFF0, v19  }
0x11d: {  	v18 =	vor.u32 v18, v19  }
0x11e: {  	v19 =	vperm.xlane v18, v3;
	_ =	sdelay $0x1  }
0x11f: {  	v52 =	vperm.xlane v18, v2;
	v19 =	vadd.s32 v4, v19;
	_ =	sdelay $0x1  }
0x120: {  	v53 =	vperm.xlane v18, v5;
	v20 =	vadd.s32 v4, v52;
	_ =	sdelay $0x1  }
0x121: {  	s12 =	simm.s32 $0x2400;
	v54 =	vperm.xlane v18, v6;
	v21 =	vadd.s32 v4, v53  }
0x122: {  	[tilespmem:s12], [sflag:$0x9] =	stream.indirect_vreg.gather [hbm4b:s16+s29], $0x80, v19, vm0, $0xb8;
	[tilespmem:$0x1DC80] =	vst v63  }
0x123: {  	s2 =	simm.s32 $0x2480;
	v55 =	vperm.xlane v18, v7;
	v19 =	vadd.s32 v4, v54  }
0x124: {  	[tilespmem:s2], [sflag:$0x9] =	stream.indirect_vreg.gather [hbm4b:s16+s29], $0x80, v20, vm0, $0xb8;
	[tilespmem:$0x1DC80] =	vst v63  }
0x125: {  	s5 =	simm.s32 $0x2500;
	v57 =	vperm.xlane v18, v8;
	v56 =	vadd.s32 v4, v55  }
0x126: {  	[tilespmem:s5], [sflag:$0x9] =	stream.indirect_vreg.gather [hbm4b:s16+s29], $0x80, v21, vm0, $0xb8;
	[tilespmem:$0x1DC80] =	vst v63  }
0x127: {  	s9 =	simm.s32 $0x2580;
	v59 =	vperm.xlane v18, v9;
	v58 =	vadd.s32 v4, v57  }
0x128: {  	[tilespmem:s9], [sflag:$0x9] =	stream.indirect_vreg.gather [hbm4b:s16+s29], $0x80, v19, vm0, $0xb8;
	[tilespmem:$0x1DC80] =	vst v63  }
0x129: {  	s11 =	simm.s32 $0x2600;
	v60 =	vperm.xlane v18, v1;
	v19 =	vadd.s32 v4, v59  }
0x12a: {  	[tilespmem:s11], [sflag:$0x9] =	stream.indirect_vreg.gather [hbm4b:s16+s29], $0x80, v56, vm0, $0xb8;
	[tilespmem:$0x1DC80] =	vst v63  }
0x12b: {  	v62 =	vperm.xlane v18, v10;
	v61 =	vadd.s32 v4, v60;
	s12 =	simm.s32 $0x2680  }
0x12c: {  	[tilespmem:s12], [sflag:$0x9] =	stream.indirect_vreg.gather [hbm4b:s16+s29], $0x80, v58, vm0, $0xb8;
	[tilespmem:$0x1DC80] =	vst v63  }
0x12d: {  	v24 =	vperm.xlane v18, v11;
	v63 =	vadd.s32 v4, v62;
	s2 =	simm.s32 $0x2700  }
0x12e: {  	[tilespmem:s2], [sflag:$0x9] =	stream.indirect_vreg.gather [hbm4b:s16+s29], $0x80, v19, vm0, $0xb8;
	[tilespmem:$0x1DC80] =	vst v63  }
0x12f: {  	v25 =	vperm.xlane v18, v12;
	s5 =	simm.s32 $0x2780;
	v19 =	vadd.s32 v4, v24  }
0x130: {  	[tilespmem:s5], [sflag:$0x9] =	stream.indirect_vreg.gather [hbm4b:s16+s29], $0x80, v61, vm0, $0xb8;
	[tilespmem:$0x1DC80] =	vst v63  }
0x131: {  	v27 =	vperm.xlane v18, v13;
	v26 =	vadd.s32 v4, v25;
	s9 =	simm.s32 $0x2800  }
0x132: {  	[tilespmem:s9], [sflag:$0x9] =	stream.indirect_vreg.gather [hbm4b:s16+s29], $0x80, v63, vm0, $0xb8;
	[tilespmem:$0x1DC80] =	vst v63  }
0x133: {  	v29 =	vperm.xlane v18, v14;
	v28 =	vadd.s32 v4, v27;
	s11 =	simm.s32 $0x2880  }
0x134: {  	[tilespmem:s11], [sflag:$0x9] =	stream.indirect_vreg.gather [hbm4b:s16+s29], $0x80, v19, vm0, $0xb8;
	[tilespmem:$0x1DC80] =	vst v63  }
0x135: {  	v30 =	vperm.xlane v18, v15;
	s12 =	simm.s32 $0x2900;
	v19 =	vadd.s32 v4, v29  }
0x136: {  	[tilespmem:s12], [sflag:$0x9] =	stream.indirect_vreg.gather [hbm4b:s16+s29], $0x80, v26, vm0, $0xb8;
	[tilespmem:$0x1DC80] =	vst v63  }
0x137: {  	v32 =	vperm.xlane v18, v16;
	v31 =	vadd.s32 v4, v30;
	s2 =	simm.s32 $0x2980  }
0x138: {  	[tilespmem:s2], [sflag:$0x9] =	stream.indirect_vreg.gather [hbm4b:s16+s29], $0x80, v28, vm0, $0xb8;
	[tilespmem:$0x1DC80] =	vst v63  }
0x139: {  	v18 =	vperm.xlane v18, v17;
	v33 =	vadd.s32 v4, v32;
	s5 =	simm.s32 $0x2A00  }
0x13a: {  	[tilespmem:s5], [sflag:$0x9] =	stream.indirect_vreg.gather [hbm4b:s16+s29], $0x80, v19, vm0, $0xb8;
	[tilespmem:$0x1DC80] =	vst v63  }
0x13b: {  	v18 =	vadd.s32 v4, v18;
	s9 =	simm.s32 $0x2A80  }
0x13c: {  	[tilespmem:s9], [sflag:$0x9] =	stream.indirect_vreg.gather [hbm4b:s16+s29], $0x80, v31, vm0, $0xb8;
	[tilespmem:$0x1DC80] =	vst v63  }
0x13d: {  	s11 =	simm.s32 $0x2B00  }
0x13e: {  	[tilespmem:s11], [sflag:$0x9] =	stream.indirect_vreg.gather [hbm4b:s16+s29], $0x80, v33, vm0, $0xb8;
	[tilespmem:$0x1DC80] =	vst v63  }
0x13f: {  	s12 =	simm.s32 $0x2B80  }
0x140: {  	[tilespmem:s12], [sflag:$0x9] =	stream.indirect_vreg.gather [hbm4b:s16+s29], $0x80, v18, vm0, $0xb8;
	[tilespmem:$0x1DC80] =	vst v63  }
0x141: {  	s12 =	simm.s32 $0x2  }
0x142: {  	_ =	swait.ge [sflag:s12], $0x50  }
0x143: {  	[sflag:s12] =	ssyncset.done $0x0  }
0x144: {  	[sflag:s12] =	ssyncadd.s32 $0xFFFFFFB0  }
0x145: {  	v18 =	vld [tilespmem:$0x80];
	_ =	sdelay $0x4  }
0x146: {  	v19 =	vshll.u32 v18, $0x1  }
0x147: {  	v18 =	vand.u32 $0x7, v18;
	v19 =	vand.u32 $0xFFFFFFF0, v19  }
0x148: {  	v18 =	vor.u32 v18, v19  }
0x149: {  	v19 =	vperm.xlane v18, v3;
	_ =	sdelay $0x1  }
0x14a: {  	v34 =	vperm.xlane v18, v2;
	v19 =	vadd.s32 v4, v19;
	_ =	sdelay $0x1  }
0x14b: {  	v35 =	vperm.xlane v18, v5;
	v20 =	vadd.s32 v4, v34;
	_ =	sdelay $0x1  }
0x14c: {  	s2 =	simm.s32 $0x2C00;
	v36 =	vperm.xlane v18, v6;
	v21 =	vadd.s32 v4, v35  }
0x14d: {  	[tilespmem:s2], [sflag:$0xA] =	stream.indirect_vreg.gather [hbm4b:s16+s29], $0x80, v19, vm0, $0xb8;
	[tilespmem:$0x1DC80] =	vst v63  }
0x14e: {  	s5 =	simm.s32 $0x2C80;
	v37 =	vperm.xlane v18, v7;
	v19 =	vadd.s32 v4, v36  }
0x14f: {  	[tilespmem:s5], [sflag:$0xA] =	stream.indirect_vreg.gather [hbm4b:s16+s29], $0x80, v20, vm0, $0xb8;
	[tilespmem:$0x1DC80] =	vst v63  }
0x150: {  	s9 =	simm.s32 $0x2D00;
	v39 =	vperm.xlane v18, v8;
	v38 =	vadd.s32 v4, v37  }
0x151: {  	[tilespmem:s9], [sflag:$0xA] =	stream.indirect_vreg.gather [hbm4b:s16+s29], $0x80, v21, vm0, $0xb8;
	[tilespmem:$0x1DC80] =	vst v63  }
0x152: {  	s11 =	simm.s32 $0x2D80;
	v41 =	vperm.xlane v18, v9;
	v40 =	vadd.s32 v4, v39  }
0x153: {  	[tilespmem:s11], [sflag:$0xA] =	stream.indirect_vreg.gather [hbm4b:s16+s29], $0x80, v19, vm0, $0xb8;
	[tilespmem:$0x1DC80] =	vst v63  }
0x154: {  	v42 =	vperm.xlane v18, v1;
	s2 =	simm.s32 $0x2E00;
	v19 =	vadd.s32 v4, v41  }
0x155: {  	[tilespmem:s2], [sflag:$0xA] =	stream.indirect_vreg.gather [hbm4b:s16+s29], $0x80, v38, vm0, $0xb8;
	[tilespmem:$0x1DC80] =	vst v63  }
0x156: {  	v44 =	vperm.xlane v18, v10;
	v43 =	vadd.s32 v4, v42;
	s5 =	simm.s32 $0x2E80  }
0x157: {  	[tilespmem:s5], [sflag:$0xA] =	stream.indirect_vreg.gather [hbm4b:s16+s29], $0x80, v40, vm0, $0xb8;
	[tilespmem:$0x1DC80] =	vst v63  }
0x158: {  	v46 =	vperm.xlane v18, v11;
	v45 =	vadd.s32 v4, v44;
	s9 =	simm.s32 $0x2F00  }
0x159: {  	[tilespmem:s9], [sflag:$0xA] =	stream.indirect_vreg.gather [hbm4b:s16+s29], $0x80, v19, vm0, $0xb8;
	[tilespmem:$0x1DC80] =	vst v63  }
0x15a: {  	v47 =	vperm.xlane v18, v12;
	s11 =	simm.s32 $0x2F80;
	v19 =	vadd.s32 v4, v46  }
0x15b: {  	[tilespmem:s11], [sflag:$0xA] =	stream.indirect_vreg.gather [hbm4b:s16+s29], $0x80, v43, vm0, $0xb8;
	[tilespmem:$0x1DC80] =	vst v63  }
0x15c: {  	v49 =	vperm.xlane v18, v13;
	v48 =	vadd.s32 v4, v47;
	s2 =	simm.s32 $0x3000  }
0x15d: {  	[tilespmem:s2], [sflag:$0xA] =	stream.indirect_vreg.gather [hbm4b:s16+s29], $0x80, v45, vm0, $0xb8;
	[tilespmem:$0x1DC80] =	vst v63  }
0x15e: {  	v51 =	vperm.xlane v18, v14;
	v50 =	vadd.s32 v4, v49;
	s5 =	simm.s32 $0x3080  }
0x15f: {  	[tilespmem:s5], [sflag:$0xA] =	stream.indirect_vreg.gather [hbm4b:s16+s29], $0x80, v19, vm0, $0xb8;
	[tilespmem:$0x1DC80] =	vst v63  }
0x160: {  	v52 =	vperm.xlane v18, v15;
	s9 =	simm.s32 $0x3100;
	v19 =	vadd.s32 v4, v51  }
0x161: {  	[tilespmem:s9], [sflag:$0xA] =	stream.indirect_vreg.gather [hbm4b:s16+s29], $0x80, v48, vm0, $0xb8;
	[tilespmem:$0x1DC80] =	vst v63  }
0x162: {  	v54 =	vperm.xlane v18, v16;
	v53 =	vadd.s32 v4, v52;
	s11 =	simm.s32 $0x3180  }
0x163: {  	[tilespmem:s11], [sflag:$0xA] =	stream.indirect_vreg.gather [hbm4b:s16+s29], $0x80, v50, vm0, $0xb8;
	[tilespmem:$0x1DC80] =	vst v63  }
0x164: {  	v18 =	vperm.xlane v18, v17;
	v55 =	vadd.s32 v4, v54;
	s2 =	simm.s32 $0x3200  }
0x165: {  	[tilespmem:s2], [sflag:$0xA] =	stream.indirect_vreg.gather [hbm4b:s16+s29], $0x80, v19, vm0, $0xb8;
	[tilespmem:$0x1DC80] =	vst v63  }
0x166: {  	v18 =	vadd.s32 v4, v18;
	s5 =	simm.s32 $0x3280  }
0x167: {  	[tilespmem:s5], [sflag:$0xA] =	stream.indirect_vreg.gather [hbm4b:s16+s29], $0x80, v53, vm0, $0xb8;
	[tilespmem:$0x1DC80] =	vst v63  }
0x168: {  	s9 =	simm.s32 $0x3300  }
0x169: {  	[tilespmem:s9], [sflag:$0xA] =	stream.indirect_vreg.gather [hbm4b:s16+s29], $0x80, v55, vm0, $0xb8;
	[tilespmem:$0x1DC80] =	vst v63  }
0x16a: {  	s11 =	simm.s32 $0x3380  }
0x16b: {  	[tilespmem:s11], [sflag:$0xA] =	stream.indirect_vreg.gather [hbm4b:s16+s29], $0x80, v18, vm0, $0xb8;
	[tilespmem:$0x1DC80] =	vst v63  }
0x16c: {  	v18 =	vld [tilespmem:$0x90];
	_ =	sdelay $0x4  }
0x16d: {  	v19 =	vshll.u32 v18, $0x1  }
0x16e: {  	v18 =	vand.u32 $0x7, v18;
	v19 =	vand.u32 $0xFFFFFFF0, v19  }
0x16f: {  	v18 =	vor.u32 v18, v19  }
0x170: {  	v19 =	vperm.xlane v18, v3;
	_ =	sdelay $0x1  }
0x171: {  	v56 =	vperm.xlane v18, v2;
	v19 =	vadd.s32 v4, v19;
	_ =	sdelay $0x1  }
0x172: {  	v57 =	vperm.xlane v18, v5;
	v20 =	vadd.s32 v4, v56;
	_ =	sdelay $0x1  }
0x173: {  	s2 =	simm.s32 $0x3400;
	v58 =	vperm.xlane v18, v6;
	v21 =	vadd.s32 v4, v57  }
0x174: {  	[tilespmem:s2], [sflag:$0xA] =	stream.indirect_vreg.gather [hbm4b:s16+s29], $0x80, v19, vm0, $0xb8;
	[tilespmem:$0x1DC80] =	vst v63  }
0x175: {  	s5 =	simm.s32 $0x3480;
	v59 =	vperm.xlane v18, v7;
	v19 =	vadd.s32 v4, v58  }
0x176: {  	[tilespmem:s5], [sflag:$0xA] =	stream.indirect_vreg.gather [hbm4b:s16+s29], $0x80, v20, vm0, $0xb8;
	[tilespmem:$0x1DC80] =	vst v63  }
0x177: {  	s9 =	simm.s32 $0x3500;
	v61 =	vperm.xlane v18, v8;
	v60 =	vadd.s32 v4, v59  }
0x178: {  	[tilespmem:s9], [sflag:$0xA] =	stream.indirect_vreg.gather [hbm4b:s16+s29], $0x80, v21, vm0, $0xb8;
	[tilespmem:$0x1DC80] =	vst v63  }
0x179: {  	s11 =	simm.s32 $0x3580;
	v63 =	vperm.xlane v18, v9;
	v62 =	vadd.s32 v4, v61  }
0x17a: {  	[tilespmem:s11], [sflag:$0xA] =	stream.indirect_vreg.gather [hbm4b:s16+s29], $0x80, v19, vm0, $0xb8;
	[tilespmem:$0x1DC80] =	vst v63  }
0x17b: {  	v24 =	vperm.xlane v18, v1;
	s2 =	simm.s32 $0x3600;
	v19 =	vadd.s32 v4, v63  }
0x17c: {  	[tilespmem:s2], [sflag:$0xA] =	stream.indirect_vreg.gather [hbm4b:s16+s29], $0x80, v60, vm0, $0xb8;
	[tilespmem:$0x1DC80] =	vst v63  }
0x17d: {  	v26 =	vperm.xlane v18, v10;
	v25 =	vadd.s32 v4, v24;
	s5 =	simm.s32 $0x3680  }
0x17e: {  	[tilespmem:s5], [sflag:$0xA] =	stream.indirect_vreg.gather [hbm4b:s16+s29], $0x80, v62, vm0, $0xb8;
	[tilespmem:$0x1DC80] =	vst v63  }
0x17f: {  	v28 =	vperm.xlane v18, v11;
	v27 =	vadd.s32 v4, v26;
	s9 =	simm.s32 $0x3700  }
0x180: {  	[tilespmem:s9], [sflag:$0xA] =	stream.indirect_vreg.gather [hbm4b:s16+s29], $0x80, v19, vm0, $0xb8;
	[tilespmem:$0x1DC80] =	vst v63  }
0x181: {  	v29 =	vperm.xlane v18, v12;
	s11 =	simm.s32 $0x3780;
	v19 =	vadd.s32 v4, v28  }
0x182: {  	[tilespmem:s11], [sflag:$0xA] =	stream.indirect_vreg.gather [hbm4b:s16+s29], $0x80, v25, vm0, $0xb8;
	[tilespmem:$0x1DC80] =	vst v63  }
0x183: {  	v31 =	vperm.xlane v18, v13;
	v30 =	vadd.s32 v4, v29;
	s2 =	simm.s32 $0x3800  }
0x184: {  	[tilespmem:s2], [sflag:$0xA] =	stream.indirect_vreg.gather [hbm4b:s16+s29], $0x80, v27, vm0, $0xb8;
	[tilespmem:$0x1DC80] =	vst v63  }
0x185: {  	v33 =	vperm.xlane v18, v14;
	v32 =	vadd.s32 v4, v31;
	s5 =	simm.s32 $0x3880  }
0x186: {  	[tilespmem:s5], [sflag:$0xA] =	stream.indirect_vreg.gather [hbm4b:s16+s29], $0x80, v19, vm0, $0xb8;
	[tilespmem:$0x1DC80] =	vst v63  }
0x187: {  	v34 =	vperm.xlane v18, v15;
	s9 =	simm.s32 $0x3900;
	v19 =	vadd.s32 v4, v33  }
0x188: {  	[tilespmem:s9], [sflag:$0xA] =	stream.indirect_vreg.gather [hbm4b:s16+s29], $0x80, v30, vm0, $0xb8;
	[tilespmem:$0x1DC80] =	vst v63  }
0x189: {  	v36 =	vperm.xlane v18, v16;
	v35 =	vadd.s32 v4, v34;
	s11 =	simm.s32 $0x3980  }
0x18a: {  	[tilespmem:s11], [sflag:$0xA] =	stream.indirect_vreg.gather [hbm4b:s16+s29], $0x80, v32, vm0, $0xb8;
	[tilespmem:$0x1DC80] =	vst v63  }
0x18b: {  	v18 =	vperm.xlane v18, v17;
	v37 =	vadd.s32 v4, v36;
	s2 =	simm.s32 $0x3A00  }
0x18c: {  	[tilespmem:s2], [sflag:$0xA] =	stream.indirect_vreg.gather [hbm4b:s16+s29], $0x80, v19, vm0, $0xb8;
	[tilespmem:$0x1DC80] =	vst v63  }
0x18d: {  	v18 =	vadd.s32 v4, v18;
	s5 =	simm.s32 $0x3A80  }
0x18e: {  	[tilespmem:s5], [sflag:$0xA] =	stream.indirect_vreg.gather [hbm4b:s16+s29], $0x80, v35, vm0, $0xb8;
	[tilespmem:$0x1DC80] =	vst v63  }
0x18f: {  	s9 =	simm.s32 $0x3B00  }
0x190: {  	[tilespmem:s9], [sflag:$0xA] =	stream.indirect_vreg.gather [hbm4b:s16+s29], $0x80, v37, vm0, $0xb8;
	[tilespmem:$0x1DC80] =	vst v63  }
0x191: {  	s11 =	simm.s32 $0x3B80  }
0x192: {  	[tilespmem:s11], [sflag:$0xA] =	stream.indirect_vreg.gather [hbm4b:s16+s29], $0x80, v18, vm0, $0xb8;
	[tilespmem:$0x1DC80] =	vst v63  }
0x193: {  	v18 =	vld [tilespmem:$0xA0];
	_ =	sdelay $0x4  }
0x194: {  	v19 =	vshll.u32 v18, $0x1  }
0x195: {  	v18 =	vand.u32 $0x7, v18;
	v19 =	vand.u32 $0xFFFFFFF0, v19  }
0x196: {  	v18 =	vor.u32 v18, v19  }
0x197: {  	v19 =	vperm.xlane v18, v3;
	_ =	sdelay $0x1  }
0x198: {  	v38 =	vperm.xlane v18, v2;
	v19 =	vadd.s32 v4, v19;
	_ =	sdelay $0x1  }
0x199: {  	v39 =	vperm.xlane v18, v5;
	v20 =	vadd.s32 v4, v38;
	_ =	sdelay $0x1  }
0x19a: {  	s2 =	simm.s32 $0x3C00;
	v40 =	vperm.xlane v18, v6;
	v21 =	vadd.s32 v4, v39  }
0x19b: {  	[tilespmem:s2], [sflag:$0xA] =	stream.indirect_vreg.gather [hbm4b:s16+s29], $0x80, v19, vm0, $0xb8;
	[tilespmem:$0x1DC80] =	vst v63  }
0x19c: {  	s5 =	simm.s32 $0x3C80;
	v41 =	vperm.xlane v18, v7;
	v19 =	vadd.s32 v4, v40  }
0x19d: {  	[tilespmem:s5], [sflag:$0xA] =	stream.indirect_vreg.gather [hbm4b:s16+s29], $0x80, v20, vm0, $0xb8;
	[tilespmem:$0x1DC80] =	vst v63  }
0x19e: {  	s9 =	simm.s32 $0x3D00;
	v43 =	vperm.xlane v18, v8;
	v42 =	vadd.s32 v4, v41  }
0x19f: {  	[tilespmem:s9], [sflag:$0xA] =	stream.indirect_vreg.gather [hbm4b:s16+s29], $0x80, v21, vm0, $0xb8;
	[tilespmem:$0x1DC80] =	vst v63  }
0x1a0: {  	s11 =	simm.s32 $0x3D80;
	v45 =	vperm.xlane v18, v9;
	v44 =	vadd.s32 v4, v43  }
0x1a1: {  	[tilespmem:s11], [sflag:$0xA] =	stream.indirect_vreg.gather [hbm4b:s16+s29], $0x80, v19, vm0, $0xb8;
	[tilespmem:$0x1DC80] =	vst v63  }
0x1a2: {  	v46 =	vperm.xlane v18, v1;
	s2 =	simm.s32 $0x3E00;
	v19 =	vadd.s32 v4, v45  }
0x1a3: {  	[tilespmem:s2], [sflag:$0xA] =	stream.indirect_vreg.gather [hbm4b:s16+s29], $0x80, v42, vm0, $0xb8;
	[tilespmem:$0x1DC80] =	vst v63  }
0x1a4: {  	v48 =	vperm.xlane v18, v10;
	v47 =	vadd.s32 v4, v46;
	s5 =	simm.s32 $0x3E80  }
0x1a5: {  	[tilespmem:s5], [sflag:$0xA] =	stream.indirect_vreg.gather [hbm4b:s16+s29], $0x80, v44, vm0, $0xb8;
	[tilespmem:$0x1DC80] =	vst v63  }
0x1a6: {  	v50 =	vperm.xlane v18, v11;
	v49 =	vadd.s32 v4, v48;
	s9 =	simm.s32 $0x3F00  }
0x1a7: {  	[tilespmem:s9], [sflag:$0xA] =	stream.indirect_vreg.gather [hbm4b:s16+s29], $0x80, v19, vm0, $0xb8;
	[tilespmem:$0x1DC80] =	vst v63  }
0x1a8: {  	v51 =	vperm.xlane v18, v12;
	s11 =	simm.s32 $0x3F80;
	v19 =	vadd.s32 v4, v50  }
0x1a9: {  	[tilespmem:s11], [sflag:$0xA] =	stream.indirect_vreg.gather [hbm4b:s16+s29], $0x80, v47, vm0, $0xb8;
	[tilespmem:$0x1DC80] =	vst v63  }
0x1aa: {  	v53 =	vperm.xlane v18, v13;
	v52 =	vadd.s32 v4, v51;
	s2 =	simm.s32 $0x4000  }
0x1ab: {  	[tilespmem:s2], [sflag:$0xA] =	stream.indirect_vreg.gather [hbm4b:s16+s29], $0x80, v49, vm0, $0xb8;
	[tilespmem:$0x1DC80] =	vst v63  }
0x1ac: {  	v55 =	vperm.xlane v18, v14;
	v54 =	vadd.s32 v4, v53;
	s5 =	simm.s32 $0x4080  }
0x1ad: {  	[tilespmem:s5], [sflag:$0xA] =	stream.indirect_vreg.gather [hbm4b:s16+s29], $0x80, v19, vm0, $0xb8;
	[tilespmem:$0x1DC80] =	vst v63  }
0x1ae: {  	v56 =	vperm.xlane v18, v15;
	s9 =	simm.s32 $0x4100;
	v19 =	vadd.s32 v4, v55  }
0x1af: {  	[tilespmem:s9], [sflag:$0xA] =	stream.indirect_vreg.gather [hbm4b:s16+s29], $0x80, v52, vm0, $0xb8;
	[tilespmem:$0x1DC80] =	vst v63  }
0x1b0: {  	v58 =	vperm.xlane v18, v16;
	v57 =	vadd.s32 v4, v56;
	s11 =	simm.s32 $0x4180  }
0x1b1: {  	[tilespmem:s11], [sflag:$0xA] =	stream.indirect_vreg.gather [hbm4b:s16+s29], $0x80, v54, vm0, $0xb8;
	[tilespmem:$0x1DC80] =	vst v63  }
0x1b2: {  	v18 =	vperm.xlane v18, v17;
	v59 =	vadd.s32 v4, v58;
	s2 =	simm.s32 $0x4200  }
0x1b3: {  	[tilespmem:s2], [sflag:$0xA] =	stream.indirect_vreg.gather [hbm4b:s16+s29], $0x80, v19, vm0, $0xb8;
	[tilespmem:$0x1DC80] =	vst v63  }
0x1b4: {  	v18 =	vadd.s32 v4, v18;
	s5 =	simm.s32 $0x4280  }
0x1b5: {  	[tilespmem:s5], [sflag:$0xA] =	stream.indirect_vreg.gather [hbm4b:s16+s29], $0x80, v57, vm0, $0xb8;
	[tilespmem:$0x1DC80] =	vst v63  }
0x1b6: {  	s9 =	simm.s32 $0x4300  }
0x1b7: {  	[tilespmem:s9], [sflag:$0xA] =	stream.indirect_vreg.gather [hbm4b:s16+s29], $0x80, v59, vm0, $0xb8;
	[tilespmem:$0x1DC80] =	vst v63  }
0x1b8: {  	s11 =	simm.s32 $0x4380  }
0x1b9: {  	[tilespmem:s11], [sflag:$0xA] =	stream.indirect_vreg.gather [hbm4b:s16+s29], $0x80, v18, vm0, $0xb8;
	[tilespmem:$0x1DC80] =	vst v63  }
0x1ba: {  	v18 =	vld [tilespmem:$0xB0];
	_ =	sdelay $0x4  }
0x1bb: {  	v19 =	vshll.u32 v18, $0x1  }
0x1bc: {  	v18 =	vand.u32 $0x7, v18;
	v19 =	vand.u32 $0xFFFFFFF0, v19  }
0x1bd: {  	v18 =	vor.u32 v18, v19  }
0x1be: {  	v19 =	vperm.xlane v18, v3;
	_ =	sdelay $0x1  }
0x1bf: {  	v60 =	vperm.xlane v18, v2;
	v19 =	vadd.s32 v4, v19;
	_ =	sdelay $0x1  }
0x1c0: {  	v61 =	vperm.xlane v18, v5;
	v20 =	vadd.s32 v4, v60;
	_ =	sdelay $0x1  }
0x1c1: {  	s2 =	simm.s32 $0x4400;
	v62 =	vperm.xlane v18, v6;
	v21 =	vadd.s32 v4, v61  }
0x1c2: {  	[tilespmem:s2], [sflag:$0xA] =	stream.indirect_vreg.gather [hbm4b:s16+s29], $0x80, v19, vm0, $0xb8;
	[tilespmem:$0x1DC80] =	vst v63  }
0x1c3: {  	s5 =	simm.s32 $0x4480;
	v63 =	vperm.xlane v18, v7;
	v19 =	vadd.s32 v4, v62  }
0x1c4: {  	[tilespmem:s5], [sflag:$0xA] =	stream.indirect_vreg.gather [hbm4b:s16+s29], $0x80, v20, vm0, $0xb8;
	[tilespmem:$0x1DC80] =	vst v63  }
0x1c5: {  	s9 =	simm.s32 $0x4500;
	v25 =	vperm.xlane v18, v8;
	v24 =	vadd.s32 v4, v63  }
0x1c6: {  	[tilespmem:s9], [sflag:$0xA] =	stream.indirect_vreg.gather [hbm4b:s16+s29], $0x80, v21, vm0, $0xb8;
	[tilespmem:$0x1DC80] =	vst v63  }
0x1c7: {  	s11 =	simm.s32 $0x4580;
	v27 =	vperm.xlane v18, v9;
	v26 =	vadd.s32 v4, v25  }
0x1c8: {  	[tilespmem:s11], [sflag:$0xA] =	stream.indirect_vreg.gather [hbm4b:s16+s29], $0x80, v19, vm0, $0xb8;
	[tilespmem:$0x1DC80] =	vst v63  }
0x1c9: {  	v28 =	vperm.xlane v18, v1;
	s2 =	simm.s32 $0x4600;
	v19 =	vadd.s32 v4, v27  }
0x1ca: {  	[tilespmem:s2], [sflag:$0xA] =	stream.indirect_vreg.gather [hbm4b:s16+s29], $0x80, v24, vm0, $0xb8;
	[tilespmem:$0x1DC80] =	vst v63  }
0x1cb: {  	v30 =	vperm.xlane v18, v10;
	v29 =	vadd.s32 v4, v28;
	s5 =	simm.s32 $0x4680  }
0x1cc: {  	[tilespmem:s5], [sflag:$0xA] =	stream.indirect_vreg.gather [hbm4b:s16+s29], $0x80, v26, vm0, $0xb8;
	[tilespmem:$0x1DC80] =	vst v63  }
0x1cd: {  	v32 =	vperm.xlane v18, v11;
	v31 =	vadd.s32 v4, v30;
	s9 =	simm.s32 $0x4700  }
0x1ce: {  	[tilespmem:s9], [sflag:$0xA] =	stream.indirect_vreg.gather [hbm4b:s16+s29], $0x80, v19, vm0, $0xb8;
	[tilespmem:$0x1DC80] =	vst v63  }
0x1cf: {  	v33 =	vperm.xlane v18, v12;
	s11 =	simm.s32 $0x4780;
	v19 =	vadd.s32 v4, v32  }
0x1d0: {  	[tilespmem:s11], [sflag:$0xA] =	stream.indirect_vreg.gather [hbm4b:s16+s29], $0x80, v29, vm0, $0xb8;
	[tilespmem:$0x1DC80] =	vst v63  }
0x1d1: {  	v35 =	vperm.xlane v18, v13;
	v34 =	vadd.s32 v4, v33;
	s2 =	simm.s32 $0x4800  }
0x1d2: {  	[tilespmem:s2], [sflag:$0xA] =	stream.indirect_vreg.gather [hbm4b:s16+s29], $0x80, v31, vm0, $0xb8;
	[tilespmem:$0x1DC80] =	vst v63  }
0x1d3: {  	v37 =	vperm.xlane v18, v14;
	v36 =	vadd.s32 v4, v35;
	s5 =	simm.s32 $0x4880  }
0x1d4: {  	[tilespmem:s5], [sflag:$0xA] =	stream.indirect_vreg.gather [hbm4b:s16+s29], $0x80, v19, vm0, $0xb8;
	[tilespmem:$0x1DC80] =	vst v63  }
0x1d5: {  	v38 =	vperm.xlane v18, v15;
	s9 =	simm.s32 $0x4900;
	v19 =	vadd.s32 v4, v37  }
0x1d6: {  	[tilespmem:s9], [sflag:$0xA] =	stream.indirect_vreg.gather [hbm4b:s16+s29], $0x80, v34, vm0, $0xb8;
	[tilespmem:$0x1DC80] =	vst v63  }
0x1d7: {  	v40 =	vperm.xlane v18, v16;
	v39 =	vadd.s32 v4, v38;
	s11 =	simm.s32 $0x4980  }
0x1d8: {  	[tilespmem:s11], [sflag:$0xA] =	stream.indirect_vreg.gather [hbm4b:s16+s29], $0x80, v36, vm0, $0xb8;
	[tilespmem:$0x1DC80] =	vst v63  }
0x1d9: {  	v18 =	vperm.xlane v18, v17;
	v41 =	vadd.s32 v4, v40;
	s2 =	simm.s32 $0x4A00  }
0x1da: {  	[tilespmem:s2], [sflag:$0xA] =	stream.indirect_vreg.gather [hbm4b:s16+s29], $0x80, v19, vm0, $0xb8;
	[tilespmem:$0x1DC80] =	vst v63  }
0x1db: {  	v18 =	vadd.s32 v4, v18;
	s5 =	simm.s32 $0x4A80  }
0x1dc: {  	[tilespmem:s5], [sflag:$0xA] =	stream.indirect_vreg.gather [hbm4b:s16+s29], $0x80, v39, vm0, $0xb8;
	[tilespmem:$0x1DC80] =	vst v63  }
0x1dd: {  	s9 =	simm.s32 $0x4B00  }
0x1de: {  	[tilespmem:s9], [sflag:$0xA] =	stream.indirect_vreg.gather [hbm4b:s16+s29], $0x80, v41, vm0, $0xb8;
	[tilespmem:$0x1DC80] =	vst v63  }
0x1df: {  	s11 =	simm.s32 $0x4B80  }
0x1e0: {  	[tilespmem:s11], [sflag:$0xA] =	stream.indirect_vreg.gather [hbm4b:s16+s29], $0x80, v18, vm0, $0xb8;
	[tilespmem:$0x1DC80] =	vst v63  }
0x1e1: {  	v18 =	vld [tilespmem:$0xC0];
	_ =	sdelay $0x4  }
0x1e2: {  	v19 =	vshll.u32 v18, $0x1  }
0x1e3: {  	v18 =	vand.u32 $0x7, v18;
	v19 =	vand.u32 $0xFFFFFFF0, v19  }
0x1e4: {  	v18 =	vor.u32 v18, v19  }
0x1e5: {  	v19 =	vperm.xlane v18, v3;
	_ =	sdelay $0x1  }
0x1e6: {  	v42 =	vperm.xlane v18, v2;
	v19 =	vadd.s32 v4, v19;
	_ =	sdelay $0x1  }
0x1e7: {  	v43 =	vperm.xlane v18, v5;
	v20 =	vadd.s32 v4, v42;
	_ =	sdelay $0x1  }
0x1e8: {  	s2 =	simm.s32 $0x4C00;
	v44 =	vperm.xlane v18, v6;
	v21 =	vadd.s32 v4, v43  }
0x1e9: {  	[tilespmem:s2], [sflag:$0xA] =	stream.indirect_vreg.gather [hbm4b:s16+s29], $0x80, v19, vm0, $0xb8;
	[tilespmem:$0x1DC80] =	vst v63  }
0x1ea: {  	s5 =	simm.s32 $0x4C80;
	v45 =	vperm.xlane v18, v7;
	v19 =	vadd.s32 v4, v44  }
0x1eb: {  	[tilespmem:s5], [sflag:$0xA] =	stream.indirect_vreg.gather [hbm4b:s16+s29], $0x80, v20, vm0, $0xb8;
	[tilespmem:$0x1DC80] =	vst v63  }
0x1ec: {  	s9 =	simm.s32 $0x4D00;
	v47 =	vperm.xlane v18, v8;
	v46 =	vadd.s32 v4, v45  }
0x1ed: {  	[tilespmem:s9], [sflag:$0xA] =	stream.indirect_vreg.gather [hbm4b:s16+s29], $0x80, v21, vm0, $0xb8;
	[tilespmem:$0x1DC80] =	vst v63  }
0x1ee: {  	s11 =	simm.s32 $0x4D80;
	v49 =	vperm.xlane v18, v9;
	v48 =	vadd.s32 v4, v47  }
0x1ef: {  	[tilespmem:s11], [sflag:$0xA] =	stream.indirect_vreg.gather [hbm4b:s16+s29], $0x80, v19, vm0, $0xb8;
	[tilespmem:$0x1DC80] =	vst v63  }
0x1f0: {  	v50 =	vperm.xlane v18, v1;
	s2 =	simm.s32 $0x4E00;
	v19 =	vadd.s32 v4, v49  }
0x1f1: {  	[tilespmem:s2], [sflag:$0xA] =	stream.indirect_vreg.gather [hbm4b:s16+s29], $0x80, v46, vm0, $0xb8;
	[tilespmem:$0x1DC80] =	vst v63  }
0x1f2: {  	v52 =	vperm.xlane v18, v10;
	v51 =	vadd.s32 v4, v50;
	s5 =	simm.s32 $0x4E80  }
0x1f3: {  	[tilespmem:s5], [sflag:$0xA] =	stream.indirect_vreg.gather [hbm4b:s16+s29], $0x80, v48, vm0, $0xb8;
	[tilespmem:$0x1DC80] =	vst v63  }
0x1f4: {  	v54 =	vperm.xlane v18, v11;
	v53 =	vadd.s32 v4, v52;
	s9 =	simm.s32 $0x4F00  }
0x1f5: {  	[tilespmem:s9], [sflag:$0xA] =	stream.indirect_vreg.gather [hbm4b:s16+s29], $0x80, v19, vm0, $0xb8;
	[tilespmem:$0x1DC80] =	vst v63  }
0x1f6: {  	v55 =	vperm.xlane v18, v12;
	s11 =	simm.s32 $0x4F80;
	v19 =	vadd.s32 v4, v54  }
0x1f7: {  	[tilespmem:s11], [sflag:$0xA] =	stream.indirect_vreg.gather [hbm4b:s16+s29], $0x80, v51, vm0, $0xb8;
	[tilespmem:$0x1DC80] =	vst v63  }
0x1f8: {  	v57 =	vperm.xlane v18, v13;
	v56 =	vadd.s32 v4, v55;
	s2 =	simm.s32 $0x5000  }
0x1f9: {  	[tilespmem:s2], [sflag:$0xA] =	stream.indirect_vreg.gather [hbm4b:s16+s29], $0x80, v53, vm0, $0xb8;
	[tilespmem:$0x1DC80] =	vst v63  }
0x1fa: {  	v59 =	vperm.xlane v18, v14;
	v58 =	vadd.s32 v4, v57;
	s5 =	simm.s32 $0x5080  }
0x1fb: {  	[tilespmem:s5], [sflag:$0xA] =	stream.indirect_vreg.gather [hbm4b:s16+s29], $0x80, v19, vm0, $0xb8;
	[tilespmem:$0x1DC80] =	vst v63  }
0x1fc: {  	v60 =	vperm.xlane v18, v15;
	s9 =	simm.s32 $0x5100;
	v19 =	vadd.s32 v4, v59  }
0x1fd: {  	[tilespmem:s9], [sflag:$0xA] =	stream.indirect_vreg.gather [hbm4b:s16+s29], $0x80, v56, vm0, $0xb8;
	[tilespmem:$0x1DC80] =	vst v63  }
0x1fe: {  	v61 =	vadd.s32 v4, v60;
	s11 =	simm.s32 $0x5180  }
0x1ff: {  	v62 =	vperm.xlane v18, v16;
	[tilespmem:s11], [sflag:$0xA] =	stream.indirect_vreg.gather [hbm4b:s16+s29], $0x80, v58, vm0, $0xb8;
	[tilespmem:$0x1DC80] =	vst v63  }
0x200: {  	s2 =	simm.s32 $0x5200  }
0x201: {  	v18 =	vperm.xlane v18, v17;
	v63 =	vadd.s32 v4, v62;
	[tilespmem:s2], [sflag:$0xA] =	stream.indirect_vreg.gather [hbm4b:s16+s29], $0x80, v19, vm0, $0xb8;
	[tilespmem:$0x1DC80] =	vst v63  }
0x202: {  	s5 =	simm.s32 $0x5280  }
0x203: {  	v18 =	vadd.s32 v4, v18;
	[tilespmem:s5], [sflag:$0xA] =	stream.indirect_vreg.gather [hbm4b:s16+s29], $0x80, v61, vm0, $0xb8;
	[tilespmem:$0x1DC80] =	vst v63  }
.Ltmp3:
0x204: {  	_ = 	snop;
	(pc) =	sbr.rel .LBB2_4-.Ltmp3, $4  }
0x205: {  	s9 =	simm.s32 $0x5300  }
0x206: {  	[tilespmem:s9], [sflag:$0xA] =	stream.indirect_vreg.gather [hbm4b:s16+s29], $0x80, v63, vm0, $0xb8;
	[tilespmem:$0x1DC80] =	vst v63  }
0x207: {  	s1 =	simm.s32 $0x0;
	s11 =	simm.s32 $0x5380;
	s5 =	simm.s32 $0x0  }
0x208: {  	[tilespmem:s11], [sflag:$0xA] =	stream.indirect_vreg.gather [hbm4b:s16+s29], $0x80, v18, vm0, $0xb8;
	[tilespmem:$0x1DC80] =	vst v63  }
.LBB2_19:
0x209: {  	s2 =	sadd.s32 s1, s22  }
0x20a: {  	s9 =	simm.s32 $0x180;
	s2 =	sadd.s32 $0x46, s2  }
0x20b: {  	[tilespmem:s9], [sflag:$0x4] =	stream.linear.gather [hbm4b:s2+s4], $0x50, $0x38;
	[tilespmem:$0x1DC80] =	vst v63  }
0x20c: {  	_ =	swait.ge [sflag:s14], $0x2800  }
0x20d: {  	s9 =	sadd.s32 s1, s23;
	[sflag:s14] =	ssyncset.done $0x0  }
0x20e: {  	s11 =	simm.s32 $0x280;
	s2 =	sadd.s32 $0x32, s9;
	[sflag:s14] =	ssyncadd.s32 $0xFFFFD800  }
0x20f: {  	[tilespmem:s11], [sflag:$0x6] =	stream.linear.gather [hbm4b:s2+s4], $0x50, $0x38;
	[tilespmem:$0x1DC80] =	vst v63  }
0x210: {  	s11 =	simm.s32 $0x2  }
0x211: {  	_ =	swait.ge [sflag:s11], $0x50  }
0x212: {  	[sflag:s11] =	ssyncset.done $0x0  }
0x213: {  	[sflag:s11] =	ssyncadd.s32 $0xFFFFFFB0  }
0x214: {  	v18 =	vld [tilespmem:$0x80];
	_ =	sdelay $0x4  }
0x215: {  	v19 =	vshll.u32 v18, $0x1  }
0x216: {  	v18 =	vand.u32 $0x7, v18;
	v19 =	vand.u32 $0xFFFFFFF0, v19  }
0x217: {  	v18 =	vor.u32 v18, v19  }
0x218: {  	v19 =	vperm.xlane v18, v3;
	_ =	sdelay $0x1  }
0x219: {  	v20 =	vperm.xlane v18, v2;
	v19 =	vadd.s32 v4, v19;
	_ =	sdelay $0x1  }
0x21a: {  	v21 =	vperm.xlane v18, v5;
	v20 =	vadd.s32 v4, v20;
	_ =	sdelay $0x1  }
0x21b: {  	s9 =	simm.s32 $0x2C00;
	v22 =	vperm.xlane v18, v6;
	v21 =	vadd.s32 v4, v21  }
0x21c: {  	[tilespmem:s9], [sflag:$0xA] =	stream.indirect_vreg.gather [hbm4b:s16+s4], $0x80, v19, vm0, $0xb8;
	[tilespmem:$0x1DC80] =	vst v63  }
0x21d: {  	s11 =	simm.s32 $0x2C80;
	v37 =	vperm.xlane v18, v7;
	v19 =	vadd.s32 v4, v22  }
0x21e: {  	[tilespmem:s11], [sflag:$0xA] =	stream.indirect_vreg.gather [hbm4b:s16+s4], $0x80, v20, vm0, $0xb8;
	[tilespmem:$0x1DC80] =	vst v63  }
0x21f: {  	v39 =	vperm.xlane v18, v8;
	v38 =	vadd.s32 v4, v37;
	s9 =	simm.s32 $0x2D00  }
0x220: {  	[tilespmem:s9], [sflag:$0xA] =	stream.indirect_vreg.gather [hbm4b:s16+s4], $0x80, v21, vm0, $0xb8;
	[tilespmem:$0x1DC80] =	vst v63  }
0x221: {  	v41 =	vperm.xlane v18, v9;
	v40 =	vadd.s32 v4, v39;
	s11 =	simm.s32 $0x2D80  }
0x222: {  	[tilespmem:s11], [sflag:$0xA] =	stream.indirect_vreg.gather [hbm4b:s16+s4], $0x80, v19, vm0, $0xb8;
	[tilespmem:$0x1DC80] =	vst v63  }
0x223: {  	v42 =	vperm.xlane v18, v1;
	s9 =	simm.s32 $0x2E00;
	v19 =	vadd.s32 v4, v41  }
0x224: {  	[tilespmem:s9], [sflag:$0xA] =	stream.indirect_vreg.gather [hbm4b:s16+s4], $0x80, v38, vm0, $0xb8;
	[tilespmem:$0x1DC80] =	vst v63  }
0x225: {  	v44 =	vperm.xlane v18, v10;
	v43 =	vadd.s32 v4, v42;
	s11 =	simm.s32 $0x2E80  }
0x226: {  	[tilespmem:s11], [sflag:$0xA] =	stream.indirect_vreg.gather [hbm4b:s16+s4], $0x80, v40, vm0, $0xb8;
	[tilespmem:$0x1DC80] =	vst v63  }
0x227: {  	v46 =	vperm.xlane v18, v11;
	v45 =	vadd.s32 v4, v44;
	s9 =	simm.s32 $0x2F00  }
0x228: {  	[tilespmem:s9], [sflag:$0xA] =	stream.indirect_vreg.gather [hbm4b:s16+s4], $0x80, v19, vm0, $0xb8;
	[tilespmem:$0x1DC80] =	vst v63  }
0x229: {  	v47 =	vperm.xlane v18, v12;
	s11 =	simm.s32 $0x2F80;
	v19 =	vadd.s32 v4, v46  }
0x22a: {  	[tilespmem:s11], [sflag:$0xA] =	stream.indirect_vreg.gather [hbm4b:s16+s4], $0x80, v43, vm0, $0xb8;
	[tilespmem:$0x1DC80] =	vst v63  }
0x22b: {  	v49 =	vperm.xlane v18, v13;
	v48 =	vadd.s32 v4, v47;
	s9 =	simm.s32 $0x3000  }
0x22c: {  	[tilespmem:s9], [sflag:$0xA] =	stream.indirect_vreg.gather [hbm4b:s16+s4], $0x80, v45, vm0, $0xb8;
	[tilespmem:$0x1DC80] =	vst v63  }
0x22d: {  	v51 =	vperm.xlane v18, v14;
	v50 =	vadd.s32 v4, v49;
	s11 =	simm.s32 $0x3080  }
0x22e: {  	[tilespmem:s11], [sflag:$0xA] =	stream.indirect_vreg.gather [hbm4b:s16+s4], $0x80, v19, vm0, $0xb8;
	[tilespmem:$0x1DC80] =	vst v63  }
0x22f: {  	v52 =	vperm.xlane v18, v15;
	s9 =	simm.s32 $0x3100;
	v19 =	vadd.s32 v4, v51  }
0x230: {  	[tilespmem:s9], [sflag:$0xA] =	stream.indirect_vreg.gather [hbm4b:s16+s4], $0x80, v48, vm0, $0xb8;
	[tilespmem:$0x1DC80] =	vst v63  }
0x231: {  	v54 =	vperm.xlane v18, v16;
	v53 =	vadd.s32 v4, v52;
	s11 =	simm.s32 $0x3180  }
0x232: {  	[tilespmem:s11], [sflag:$0xA] =	stream.indirect_vreg.gather [hbm4b:s16+s4], $0x80, v50, vm0, $0xb8;
	[tilespmem:$0x1DC80] =	vst v63  }
0x233: {  	v18 =	vperm.xlane v18, v17;
	v55 =	vadd.s32 v4, v54;
	s9 =	simm.s32 $0x3200  }
0x234: {  	[tilespmem:s9], [sflag:$0xA] =	stream.indirect_vreg.gather [hbm4b:s16+s4], $0x80, v19, vm0, $0xb8;
	[tilespmem:$0x1DC80] =	vst v63  }
0x235: {  	v18 =	vadd.s32 v4, v18;
	s11 =	simm.s32 $0x3280  }
0x236: {  	[tilespmem:s11], [sflag:$0xA] =	stream.indirect_vreg.gather [hbm4b:s16+s4], $0x80, v53, vm0, $0xb8;
	[tilespmem:$0x1DC80] =	vst v63  }
0x237: {  	s9 =	simm.s32 $0x3300  }
0x238: {  	[tilespmem:s9], [sflag:$0xA] =	stream.indirect_vreg.gather [hbm4b:s16+s4], $0x80, v55, vm0, $0xb8;
	[tilespmem:$0x1DC80] =	vst v63  }
0x239: {  	s11 =	simm.s32 $0x3380  }
0x23a: {  	[tilespmem:s11], [sflag:$0xA] =	stream.indirect_vreg.gather [hbm4b:s16+s4], $0x80, v18, vm0, $0xb8;
	[tilespmem:$0x1DC80] =	vst v63  }
0x23b: {  	v18 =	vld [tilespmem:$0x90];
	_ =	sdelay $0x4  }
0x23c: {  	v19 =	vshll.u32 v18, $0x1  }
0x23d: {  	v18 =	vand.u32 $0x7, v18;
	v19 =	vand.u32 $0xFFFFFFF0, v19  }
0x23e: {  	v18 =	vor.u32 v18, v19  }
0x23f: {  	v19 =	vperm.xlane v18, v3;
	_ =	sdelay $0x1  }
0x240: {  	v56 =	vperm.xlane v18, v2;
	v19 =	vadd.s32 v4, v19;
	_ =	sdelay $0x1  }
0x241: {  	v57 =	vperm.xlane v18, v5;
	v20 =	vadd.s32 v4, v56;
	_ =	sdelay $0x1  }
0x242: {  	s9 =	simm.s32 $0x3400;
	v58 =	vperm.xlane v18, v6;
	v21 =	vadd.s32 v4, v57  }
0x243: {  	[tilespmem:s9], [sflag:$0xA] =	stream.indirect_vreg.gather [hbm4b:s16+s4], $0x80, v19, vm0, $0xb8;
	[tilespmem:$0x1DC80] =	vst v63  }
0x244: {  	s11 =	simm.s32 $0x3480;
	v59 =	vperm.xlane v18, v7;
	v19 =	vadd.s32 v4, v58  }
0x245: {  	[tilespmem:s11], [sflag:$0xA] =	stream.indirect_vreg.gather [hbm4b:s16+s4], $0x80, v20, vm0, $0xb8;
	[tilespmem:$0x1DC80] =	vst v63  }
0x246: {  	v61 =	vperm.xlane v18, v8;
	v60 =	vadd.s32 v4, v59;
	s9 =	simm.s32 $0x3500  }
0x247: {  	[tilespmem:s9], [sflag:$0xA] =	stream.indirect_vreg.gather [hbm4b:s16+s4], $0x80, v21, vm0, $0xb8;
	[tilespmem:$0x1DC80] =	vst v63  }
0x248: {  	v63 =	vperm.xlane v18, v9;
	v62 =	vadd.s32 v4, v61;
	s11 =	simm.s32 $0x3580  }
0x249: {  	[tilespmem:s11], [sflag:$0xA] =	stream.indirect_vreg.gather [hbm4b:s16+s4], $0x80, v19, vm0, $0xb8;
	[tilespmem:$0x1DC80] =	vst v63  }
0x24a: {  	v24 =	vperm.xlane v18, v1;
	s9 =	simm.s32 $0x3600;
	v19 =	vadd.s32 v4, v63  }
0x24b: {  	[tilespmem:s9], [sflag:$0xA] =	stream.indirect_vreg.gather [hbm4b:s16+s4], $0x80, v60, vm0, $0xb8;
	[tilespmem:$0x1DC80] =	vst v63  }
0x24c: {  	v26 =	vperm.xlane v18, v10;
	v25 =	vadd.s32 v4, v24;
	s11 =	simm.s32 $0x3680  }
0x24d: {  	[tilespmem:s11], [sflag:$0xA] =	stream.indirect_vreg.gather [hbm4b:s16+s4], $0x80, v62, vm0, $0xb8;
	[tilespmem:$0x1DC80] =	vst v63  }
0x24e: {  	v28 =	vperm.xlane v18, v11;
	v27 =	vadd.s32 v4, v26;
	s9 =	simm.s32 $0x3700  }
0x24f: {  	[tilespmem:s9], [sflag:$0xA] =	stream.indirect_vreg.gather [hbm4b:s16+s4], $0x80, v19, vm0, $0xb8;
	[tilespmem:$0x1DC80] =	vst v63  }
0x250: {  	v29 =	vperm.xlane v18, v12;
	s11 =	simm.s32 $0x3780;
	v19 =	vadd.s32 v4, v28  }
0x251: {  	[tilespmem:s11], [sflag:$0xA] =	stream.indirect_vreg.gather [hbm4b:s16+s4], $0x80, v25, vm0, $0xb8;
	[tilespmem:$0x1DC80] =	vst v63  }
0x252: {  	v31 =	vperm.xlane v18, v13;
	v30 =	vadd.s32 v4, v29;
	s9 =	simm.s32 $0x3800  }
0x253: {  	[tilespmem:s9], [sflag:$0xA] =	stream.indirect_vreg.gather [hbm4b:s16+s4], $0x80, v27, vm0, $0xb8;
	[tilespmem:$0x1DC80] =	vst v63  }
0x254: {  	v33 =	vperm.xlane v18, v14;
	v32 =	vadd.s32 v4, v31;
	s11 =	simm.s32 $0x3880  }
0x255: {  	[tilespmem:s11], [sflag:$0xA] =	stream.indirect_vreg.gather [hbm4b:s16+s4], $0x80, v19, vm0, $0xb8;
	[tilespmem:$0x1DC80] =	vst v63  }
0x256: {  	v34 =	vperm.xlane v18, v15;
	s9 =	simm.s32 $0x3900;
	v19 =	vadd.s32 v4, v33  }
0x257: {  	[tilespmem:s9], [sflag:$0xA] =	stream.indirect_vreg.gather [hbm4b:s16+s4], $0x80, v30, vm0, $0xb8;
	[tilespmem:$0x1DC80] =	vst v63  }
0x258: {  	v36 =	vperm.xlane v18, v16;
	v35 =	vadd.s32 v4, v34;
	s11 =	simm.s32 $0x3980  }
0x259: {  	[tilespmem:s11], [sflag:$0xA] =	stream.indirect_vreg.gather [hbm4b:s16+s4], $0x80, v32, vm0, $0xb8;
	[tilespmem:$0x1DC80] =	vst v63  }
0x25a: {  	v18 =	vperm.xlane v18, v17;
	v37 =	vadd.s32 v4, v36;
	s9 =	simm.s32 $0x3A00  }
0x25b: {  	[tilespmem:s9], [sflag:$0xA] =	stream.indirect_vreg.gather [hbm4b:s16+s4], $0x80, v19, vm0, $0xb8;
	[tilespmem:$0x1DC80] =	vst v63  }
0x25c: {  	v18 =	vadd.s32 v4, v18;
	s11 =	simm.s32 $0x3A80  }
0x25d: {  	[tilespmem:s11], [sflag:$0xA] =	stream.indirect_vreg.gather [hbm4b:s16+s4], $0x80, v35, vm0, $0xb8;
	[tilespmem:$0x1DC80] =	vst v63  }
0x25e: {  	s9 =	simm.s32 $0x3B00  }
0x25f: {  	[tilespmem:s9], [sflag:$0xA] =	stream.indirect_vreg.gather [hbm4b:s16+s4], $0x80, v37, vm0, $0xb8;
	[tilespmem:$0x1DC80] =	vst v63  }
0x260: {  	s11 =	simm.s32 $0x3B80  }
0x261: {  	[tilespmem:s11], [sflag:$0xA] =	stream.indirect_vreg.gather [hbm4b:s16+s4], $0x80, v18, vm0, $0xb8;
	[tilespmem:$0x1DC80] =	vst v63  }
0x262: {  	v18 =	vld [tilespmem:$0xA0];
	_ =	sdelay $0x4  }
0x263: {  	v19 =	vshll.u32 v18, $0x1  }
0x264: {  	v18 =	vand.u32 $0x7, v18;
	v19 =	vand.u32 $0xFFFFFFF0, v19  }
0x265: {  	v18 =	vor.u32 v18, v19  }
0x266: {  	v19 =	vperm.xlane v18, v3;
	_ =	sdelay $0x1  }
0x267: {  	v38 =	vperm.xlane v18, v2;
	v19 =	vadd.s32 v4, v19;
	_ =	sdelay $0x1  }
0x268: {  	v39 =	vperm.xlane v18, v5;
	v20 =	vadd.s32 v4, v38;
	_ =	sdelay $0x1  }
0x269: {  	s9 =	simm.s32 $0x3C00;
	v40 =	vperm.xlane v18, v6;
	v21 =	vadd.s32 v4, v39  }
0x26a: {  	[tilespmem:s9], [sflag:$0xA] =	stream.indirect_vreg.gather [hbm4b:s16+s4], $0x80, v19, vm0, $0xb8;
	[tilespmem:$0x1DC80] =	vst v63  }
0x26b: {  	s11 =	simm.s32 $0x3C80;
	v41 =	vperm.xlane v18, v7;
	v19 =	vadd.s32 v4, v40  }
0x26c: {  	[tilespmem:s11], [sflag:$0xA] =	stream.indirect_vreg.gather [hbm4b:s16+s4], $0x80, v20, vm0, $0xb8;
	[tilespmem:$0x1DC80] =	vst v63  }
0x26d: {  	v43 =	vperm.xlane v18, v8;
	v42 =	vadd.s32 v4, v41;
	s9 =	simm.s32 $0x3D00  }
0x26e: {  	[tilespmem:s9], [sflag:$0xA] =	stream.indirect_vreg.gather [hbm4b:s16+s4], $0x80, v21, vm0, $0xb8;
	[tilespmem:$0x1DC80] =	vst v63  }
0x26f: {  	v45 =	vperm.xlane v18, v9;
	v44 =	vadd.s32 v4, v43;
	s11 =	simm.s32 $0x3D80  }
0x270: {  	[tilespmem:s11], [sflag:$0xA] =	stream.indirect_vreg.gather [hbm4b:s16+s4], $0x80, v19, vm0, $0xb8;
	[tilespmem:$0x1DC80] =	vst v63  }
0x271: {  	v46 =	vperm.xlane v18, v1;
	s9 =	simm.s32 $0x3E00;
	v19 =	vadd.s32 v4, v45  }
0x272: {  	[tilespmem:s9], [sflag:$0xA] =	stream.indirect_vreg.gather [hbm4b:s16+s4], $0x80, v42, vm0, $0xb8;
	[tilespmem:$0x1DC80] =	vst v63  }
0x273: {  	v48 =	vperm.xlane v18, v10;
	v47 =	vadd.s32 v4, v46;
	s11 =	simm.s32 $0x3E80  }
0x274: {  	[tilespmem:s11], [sflag:$0xA] =	stream.indirect_vreg.gather [hbm4b:s16+s4], $0x80, v44, vm0, $0xb8;
	[tilespmem:$0x1DC80] =	vst v63  }
0x275: {  	v50 =	vperm.xlane v18, v11;
	v49 =	vadd.s32 v4, v48;
	s9 =	simm.s32 $0x3F00  }
0x276: {  	[tilespmem:s9], [sflag:$0xA] =	stream.indirect_vreg.gather [hbm4b:s16+s4], $0x80, v19, vm0, $0xb8;
	[tilespmem:$0x1DC80] =	vst v63  }
0x277: {  	v51 =	vperm.xlane v18, v12;
	s11 =	simm.s32 $0x3F80;
	v19 =	vadd.s32 v4, v50  }
0x278: {  	[tilespmem:s11], [sflag:$0xA] =	stream.indirect_vreg.gather [hbm4b:s16+s4], $0x80, v47, vm0, $0xb8;
	[tilespmem:$0x1DC80] =	vst v63  }
0x279: {  	v53 =	vperm.xlane v18, v13;
	v52 =	vadd.s32 v4, v51;
	s9 =	simm.s32 $0x4000  }
0x27a: {  	[tilespmem:s9], [sflag:$0xA] =	stream.indirect_vreg.gather [hbm4b:s16+s4], $0x80, v49, vm0, $0xb8;
	[tilespmem:$0x1DC80] =	vst v63  }
0x27b: {  	v55 =	vperm.xlane v18, v14;
	v54 =	vadd.s32 v4, v53;
	s11 =	simm.s32 $0x4080  }
0x27c: {  	[tilespmem:s11], [sflag:$0xA] =	stream.indirect_vreg.gather [hbm4b:s16+s4], $0x80, v19, vm0, $0xb8;
	[tilespmem:$0x1DC80] =	vst v63  }
0x27d: {  	v56 =	vperm.xlane v18, v15;
	s9 =	simm.s32 $0x4100;
	v19 =	vadd.s32 v4, v55  }
0x27e: {  	[tilespmem:s9], [sflag:$0xA] =	stream.indirect_vreg.gather [hbm4b:s16+s4], $0x80, v52, vm0, $0xb8;
	[tilespmem:$0x1DC80] =	vst v63  }
0x27f: {  	v58 =	vperm.xlane v18, v16;
	v57 =	vadd.s32 v4, v56;
	s11 =	simm.s32 $0x4180  }
0x280: {  	[tilespmem:s11], [sflag:$0xA] =	stream.indirect_vreg.gather [hbm4b:s16+s4], $0x80, v54, vm0, $0xb8;
	[tilespmem:$0x1DC80] =	vst v63  }
0x281: {  	v18 =	vperm.xlane v18, v17;
	v59 =	vadd.s32 v4, v58;
	s9 =	simm.s32 $0x4200  }
0x282: {  	[tilespmem:s9], [sflag:$0xA] =	stream.indirect_vreg.gather [hbm4b:s16+s4], $0x80, v19, vm0, $0xb8;
	[tilespmem:$0x1DC80] =	vst v63  }
0x283: {  	v18 =	vadd.s32 v4, v18;
	s11 =	simm.s32 $0x4280  }
0x284: {  	[tilespmem:s11], [sflag:$0xA] =	stream.indirect_vreg.gather [hbm4b:s16+s4], $0x80, v57, vm0, $0xb8;
	[tilespmem:$0x1DC80] =	vst v63  }
0x285: {  	s9 =	simm.s32 $0x4300  }
0x286: {  	[tilespmem:s9], [sflag:$0xA] =	stream.indirect_vreg.gather [hbm4b:s16+s4], $0x80, v59, vm0, $0xb8;
	[tilespmem:$0x1DC80] =	vst v63  }
0x287: {  	s11 =	simm.s32 $0x4380  }
0x288: {  	[tilespmem:s11], [sflag:$0xA] =	stream.indirect_vreg.gather [hbm4b:s16+s4], $0x80, v18, vm0, $0xb8;
	[tilespmem:$0x1DC80] =	vst v63  }
0x289: {  	v18 =	vld [tilespmem:$0xB0];
	_ =	sdelay $0x4  }
0x28a: {  	v19 =	vshll.u32 v18, $0x1  }
0x28b: {  	v18 =	vand.u32 $0x7, v18;
	v19 =	vand.u32 $0xFFFFFFF0, v19  }
0x28c: {  	v18 =	vor.u32 v18, v19  }
0x28d: {  	v19 =	vperm.xlane v18, v3;
	_ =	sdelay $0x1  }
0x28e: {  	v60 =	vperm.xlane v18, v2;
	v19 =	vadd.s32 v4, v19;
	_ =	sdelay $0x1  }
0x28f: {  	v61 =	vperm.xlane v18, v5;
	v20 =	vadd.s32 v4, v60;
	_ =	sdelay $0x1  }
0x290: {  	s9 =	simm.s32 $0x4400;
	v62 =	vperm.xlane v18, v6;
	v21 =	vadd.s32 v4, v61  }
0x291: {  	[tilespmem:s9], [sflag:$0xA] =	stream.indirect_vreg.gather [hbm4b:s16+s4], $0x80, v19, vm0, $0xb8;
	[tilespmem:$0x1DC80] =	vst v63  }
0x292: {  	s11 =	simm.s32 $0x4480;
	v63 =	vperm.xlane v18, v7;
	v19 =	vadd.s32 v4, v62  }
0x293: {  	[tilespmem:s11], [sflag:$0xA] =	stream.indirect_vreg.gather [hbm4b:s16+s4], $0x80, v20, vm0, $0xb8;
	[tilespmem:$0x1DC80] =	vst v63  }
0x294: {  	v25 =	vperm.xlane v18, v8;
	v24 =	vadd.s32 v4, v63;
	s9 =	simm.s32 $0x4500  }
0x295: {  	[tilespmem:s9], [sflag:$0xA] =	stream.indirect_vreg.gather [hbm4b:s16+s4], $0x80, v21, vm0, $0xb8;
	[tilespmem:$0x1DC80] =	vst v63  }
0x296: {  	v27 =	vperm.xlane v18, v9;
	v26 =	vadd.s32 v4, v25;
	s11 =	simm.s32 $0x4580  }
0x297: {  	[tilespmem:s11], [sflag:$0xA] =	stream.indirect_vreg.gather [hbm4b:s16+s4], $0x80, v19, vm0, $0xb8;
	[tilespmem:$0x1DC80] =	vst v63  }
0x298: {  	v28 =	vperm.xlane v18, v1;
	s9 =	simm.s32 $0x4600;
	v19 =	vadd.s32 v4, v27  }
0x299: {  	[tilespmem:s9], [sflag:$0xA] =	stream.indirect_vreg.gather [hbm4b:s16+s4], $0x80, v24, vm0, $0xb8;
	[tilespmem:$0x1DC80] =	vst v63  }
0x29a: {  	v30 =	vperm.xlane v18, v10;
	v29 =	vadd.s32 v4, v28;
	s11 =	simm.s32 $0x4680  }
0x29b: {  	[tilespmem:s11], [sflag:$0xA] =	stream.indirect_vreg.gather [hbm4b:s16+s4], $0x80, v26, vm0, $0xb8;
	[tilespmem:$0x1DC80] =	vst v63  }
0x29c: {  	v32 =	vperm.xlane v18, v11;
	v31 =	vadd.s32 v4, v30;
	s9 =	simm.s32 $0x4700  }
0x29d: {  	[tilespmem:s9], [sflag:$0xA] =	stream.indirect_vreg.gather [hbm4b:s16+s4], $0x80, v19, vm0, $0xb8;
	[tilespmem:$0x1DC80] =	vst v63  }
0x29e: {  	v33 =	vperm.xlane v18, v12;
	s11 =	simm.s32 $0x4780;
	v19 =	vadd.s32 v4, v32  }
0x29f: {  	[tilespmem:s11], [sflag:$0xA] =	stream.indirect_vreg.gather [hbm4b:s16+s4], $0x80, v29, vm0, $0xb8;
	[tilespmem:$0x1DC80] =	vst v63  }
0x2a0: {  	v35 =	vperm.xlane v18, v13;
	v34 =	vadd.s32 v4, v33;
	s9 =	simm.s32 $0x4800  }
0x2a1: {  	[tilespmem:s9], [sflag:$0xA] =	stream.indirect_vreg.gather [hbm4b:s16+s4], $0x80, v31, vm0, $0xb8;
	[tilespmem:$0x1DC80] =	vst v63  }
0x2a2: {  	v37 =	vperm.xlane v18, v14;
	v36 =	vadd.s32 v4, v35;
	s11 =	simm.s32 $0x4880  }
0x2a3: {  	[tilespmem:s11], [sflag:$0xA] =	stream.indirect_vreg.gather [hbm4b:s16+s4], $0x80, v19, vm0, $0xb8;
	[tilespmem:$0x1DC80] =	vst v63  }
0x2a4: {  	v38 =	vperm.xlane v18, v15;
	s9 =	simm.s32 $0x4900;
	v19 =	vadd.s32 v4, v37  }
0x2a5: {  	[tilespmem:s9], [sflag:$0xA] =	stream.indirect_vreg.gather [hbm4b:s16+s4], $0x80, v34, vm0, $0xb8;
	[tilespmem:$0x1DC80] =	vst v63  }
0x2a6: {  	v40 =	vperm.xlane v18, v16;
	v39 =	vadd.s32 v4, v38;
	s11 =	simm.s32 $0x4980  }
0x2a7: {  	[tilespmem:s11], [sflag:$0xA] =	stream.indirect_vreg.gather [hbm4b:s16+s4], $0x80, v36, vm0, $0xb8;
	[tilespmem:$0x1DC80] =	vst v63  }
0x2a8: {  	v18 =	vperm.xlane v18, v17;
	v41 =	vadd.s32 v4, v40;
	s9 =	simm.s32 $0x4A00  }
0x2a9: {  	[tilespmem:s9], [sflag:$0xA] =	stream.indirect_vreg.gather [hbm4b:s16+s4], $0x80, v19, vm0, $0xb8;
	[tilespmem:$0x1DC80] =	vst v63  }
0x2aa: {  	v18 =	vadd.s32 v4, v18;
	s11 =	simm.s32 $0x4A80  }
0x2ab: {  	[tilespmem:s11], [sflag:$0xA] =	stream.indirect_vreg.gather [hbm4b:s16+s4], $0x80, v39, vm0, $0xb8;
	[tilespmem:$0x1DC80] =	vst v63  }
0x2ac: {  	s9 =	simm.s32 $0x4B00  }
0x2ad: {  	[tilespmem:s9], [sflag:$0xA] =	stream.indirect_vreg.gather [hbm4b:s16+s4], $0x80, v41, vm0, $0xb8;
	[tilespmem:$0x1DC80] =	vst v63  }
0x2ae: {  	s11 =	simm.s32 $0x4B80  }
0x2af: {  	[tilespmem:s11], [sflag:$0xA] =	stream.indirect_vreg.gather [hbm4b:s16+s4], $0x80, v18, vm0, $0xb8;
	[tilespmem:$0x1DC80] =	vst v63  }
0x2b0: {  	v18 =	vld [tilespmem:$0xC0];
	_ =	sdelay $0x4  }
0x2b1: {  	v19 =	vshll.u32 v18, $0x1  }
0x2b2: {  	v18 =	vand.u32 $0x7, v18;
	v19 =	vand.u32 $0xFFFFFFF0, v19  }
0x2b3: {  	v18 =	vor.u32 v18, v19  }
0x2b4: {  	v19 =	vperm.xlane v18, v3;
	_ =	sdelay $0x1  }
0x2b5: {  	v42 =	vperm.xlane v18, v2;
	v19 =	vadd.s32 v4, v19;
	_ =	sdelay $0x1  }
0x2b6: {  	v43 =	vperm.xlane v18, v5;
	v20 =	vadd.s32 v4, v42;
	_ =	sdelay $0x1  }
0x2b7: {  	s9 =	simm.s32 $0x4C00;
	v44 =	vperm.xlane v18, v6;
	v21 =	vadd.s32 v4, v43  }
0x2b8: {  	[tilespmem:s9], [sflag:$0xA] =	stream.indirect_vreg.gather [hbm4b:s16+s4], $0x80, v19, vm0, $0xb8;
	[tilespmem:$0x1DC80] =	vst v63  }
0x2b9: {  	s11 =	simm.s32 $0x4C80;
	v45 =	vperm.xlane v18, v7;
	v19 =	vadd.s32 v4, v44  }
0x2ba: {  	[tilespmem:s11], [sflag:$0xA] =	stream.indirect_vreg.gather [hbm4b:s16+s4], $0x80, v20, vm0, $0xb8;
	[tilespmem:$0x1DC80] =	vst v63  }
0x2bb: {  	v47 =	vperm.xlane v18, v8;
	v46 =	vadd.s32 v4, v45;
	s9 =	simm.s32 $0x4D00  }
0x2bc: {  	[tilespmem:s9], [sflag:$0xA] =	stream.indirect_vreg.gather [hbm4b:s16+s4], $0x80, v21, vm0, $0xb8;
	[tilespmem:$0x1DC80] =	vst v63  }
0x2bd: {  	v49 =	vperm.xlane v18, v9;
	v48 =	vadd.s32 v4, v47;
	s11 =	simm.s32 $0x4D80  }
0x2be: {  	[tilespmem:s11], [sflag:$0xA] =	stream.indirect_vreg.gather [hbm4b:s16+s4], $0x80, v19, vm0, $0xb8;
	[tilespmem:$0x1DC80] =	vst v63  }
0x2bf: {  	v50 =	vperm.xlane v18, v1;
	s9 =	simm.s32 $0x4E00;
	v19 =	vadd.s32 v4, v49  }
0x2c0: {  	[tilespmem:s9], [sflag:$0xA] =	stream.indirect_vreg.gather [hbm4b:s16+s4], $0x80, v46, vm0, $0xb8;
	[tilespmem:$0x1DC80] =	vst v63  }
0x2c1: {  	v52 =	vperm.xlane v18, v10;
	v51 =	vadd.s32 v4, v50;
	s11 =	simm.s32 $0x4E80  }
0x2c2: {  	[tilespmem:s11], [sflag:$0xA] =	stream.indirect_vreg.gather [hbm4b:s16+s4], $0x80, v48, vm0, $0xb8;
	[tilespmem:$0x1DC80] =	vst v63  }
0x2c3: {  	v54 =	vperm.xlane v18, v11;
	v53 =	vadd.s32 v4, v52;
	s9 =	simm.s32 $0x4F00  }
0x2c4: {  	[tilespmem:s9], [sflag:$0xA] =	stream.indirect_vreg.gather [hbm4b:s16+s4], $0x80, v19, vm0, $0xb8;
	[tilespmem:$0x1DC80] =	vst v63  }
0x2c5: {  	v55 =	vperm.xlane v18, v12;
	s11 =	simm.s32 $0x4F80;
	v19 =	vadd.s32 v4, v54  }
0x2c6: {  	[tilespmem:s11], [sflag:$0xA] =	stream.indirect_vreg.gather [hbm4b:s16+s4], $0x80, v51, vm0, $0xb8;
	[tilespmem:$0x1DC80] =	vst v63  }
0x2c7: {  	v57 =	vperm.xlane v18, v13;
	v56 =	vadd.s32 v4, v55;
	s9 =	simm.s32 $0x5000  }
0x2c8: {  	[tilespmem:s9], [sflag:$0xA] =	stream.indirect_vreg.gather [hbm4b:s16+s4], $0x80, v53, vm0, $0xb8;
	[tilespmem:$0x1DC80] =	vst v63  }
0x2c9: {  	v59 =	vperm.xlane v18, v14;
	v58 =	vadd.s32 v4, v57;
	s11 =	simm.s32 $0x5080  }
0x2ca: {  	[tilespmem:s11], [sflag:$0xA] =	stream.indirect_vreg.gather [hbm4b:s16+s4], $0x80, v19, vm0, $0xb8;
	[tilespmem:$0x1DC80] =	vst v63  }
0x2cb: {  	v60 =	vperm.xlane v18, v15;
	s9 =	simm.s32 $0x5100;
	v19 =	vadd.s32 v4, v59  }
0x2cc: {  	[tilespmem:s9], [sflag:$0xA] =	stream.indirect_vreg.gather [hbm4b:s16+s4], $0x80, v56, vm0, $0xb8;
	[tilespmem:$0x1DC80] =	vst v63  }
0x2cd: {  	v62 =	vperm.xlane v18, v16;
	v61 =	vadd.s32 v4, v60;
	s11 =	simm.s32 $0x5180  }
0x2ce: {  	[tilespmem:s11], [sflag:$0xA] =	stream.indirect_vreg.gather [hbm4b:s16+s4], $0x80, v58, vm0, $0xb8;
	[tilespmem:$0x1DC80] =	vst v63  }
0x2cf: {  	v18 =	vperm.xlane v18, v17;
	v63 =	vadd.s32 v4, v62;
	s9 =	simm.s32 $0x5200  }
0x2d0: {  	[tilespmem:s9], [sflag:$0xA] =	stream.indirect_vreg.gather [hbm4b:s16+s4], $0x80, v19, vm0, $0xb8;
	[tilespmem:$0x1DC80] =	vst v63  }
0x2d1: {  	v18 =	vadd.s32 v4, v18;
	s11 =	simm.s32 $0x5280  }
0x2d2: {  	[tilespmem:s11], [sflag:$0xA] =	stream.indirect_vreg.gather [hbm4b:s16+s4], $0x80, v61, vm0, $0xb8;
	[tilespmem:$0x1DC80] =	vst v63  }
0x2d3: {  	s9 =	simm.s32 $0x5300  }
0x2d4: {  	[tilespmem:s9], [sflag:$0xA] =	stream.indirect_vreg.gather [hbm4b:s16+s4], $0x80, v63, vm0, $0xb8;
	[tilespmem:$0x1DC80] =	vst v63  }
0x2d5: {  	s11 =	simm.s32 $0x5380  }
0x2d6: {  	[tilespmem:s11], [sflag:$0xA] =	stream.indirect_vreg.gather [hbm4b:s16+s4], $0x80, v18, vm0, $0xb8;
	[tilespmem:$0x1DC80] =	vst v63  }
.LBB2_20:
0x2d7: {  	_ =	swait.ge [sflag:s0], $0x50  }
0x2d8: {  	[sflag:s0] =	ssyncset.done $0x0  }
0x2d9: {  	[sflag:s0] =	ssyncadd.s32 $0xFFFFFFB0  }
0x2da: {  	[spmem:s3] =	stream.indirect.scatter.add.f32 [tilespmem:s7], [sflag:$0x10], $0x80, s26, s24, $0xb8;
	[tilespmem:$0x1DC80] =	vst v63  }
.LBB2_21:
0x2db: {  	s1 =	sadd.s32 $0x28, s1  }
0x2dc: {  	p1 =	sne.s32 s1, $0x500  }
.Ltmp4:
0x2dd: {  	_ = 	snop;
	(pc) =	sbr.rel @!p1 .LBB2_22-.Ltmp4, $2  }
0x2de: {  	_ =	sdelay $0x2  }
0x2df: {  	s5 =	sadd.s32 $0x1, s5;
	s29 =	sadd.s32 $0x140, s29;
	s12 =	sadd.s32 $0x4, s12  }
.LBB2_4:
0x2e0: {  	_ =	swait.ge [sflag:s30], $0x2800  }
0x2e1: {  	p1 =	seq.s32 s1, $0x4D8;
	[sflag:s30] =	ssyncset.done $0x0  }
0x2e2: {  	s11 =	sadd.s32 @!p1 s1, s22;
	s9 =	simm.s32 @!p1 $0x0;
	p2 =	seq.s32 @!p1 s1, $0x0  }
0x2e3: {  	[sflag:s30] =	ssyncadd.s32 $0xFFFFD800;
	s11 =	sadd.s32 @!p1 $0x28, s11;
	p2 =	por p1, !p2  }
0x2e4: {  	[tilespmem:s9], [sflag:$0x1] =	stream.linear.gather @!p1 [hbm4b:s11+s9], $0x50, $0x38;
	[tilespmem:$0x1DC80] =	vst v63  }
0x2e5: {  	p3 =	sgt.u32 @p2 s12, $0x7C  }
0x2e6: {  	p4 =	por !p2, !p3  }
.Ltmp5:
0x2e7: {  	_ = 	snop;
	(pc) =	sbr.rel @!p4 .LBB2_6-.Ltmp5, $4  }
0x2e8: {  	s9 =	simm.s32 @p2 $0xF  }
0x2e9: {  	_ =	swait.ge @p2 [sflag:s9], $0x2800  }
0x2ea: {  	[sflag:s9] =	ssyncset.done @p2 $0x0  }
0x2eb: {  	p3 =	por @p2 $0x0, $0x0;
	[sflag:s9] =	ssyncadd.s32 @p2 $0xFFFFD800  }
0x2ec: {  	s9 =	smov.u32 s12  }
0x2ed: {  	s9 =	simm.s32 @!p2 $0x2  }
0x2ee: {  	s9 =	smul.u32 $0x50, s9  }
0x2ef: {  	s2 =	rddreg [dreg:$0x5]  }
0x2f0: {  	s9 =	sadd.s32 s2, s9  }
0x2f1: {  	s11 =	rddreg [dreg:$0x1];
	s9 =	sshrl.u32 s9, $0x3  }
0x2f2: {  	s9 =	sadd.s32 s11, s9;
	s11 =	simm.s32 $0x300  }
0x2f3: {  	[tilespmem:s11], [sflag:$0x7] =	stream.linear.gather [hbm4b:s9+s4], $0x50, $0x38;
	[tilespmem:$0x1DC80] =	vst v63  }
0x2f4: {  	_ =	swait.ge [sflag:s6], $0x50  }
0x2f5: {  	[sflag:s6] =	ssyncset.done $0x0  }
0x2f6: {  	[sflag:s6] =	ssyncadd.s32 $0xFFFFFFB0  }
0x2f7: {  	v18 =	vld [tilespmem:$0x100];
	_ =	sdelay $0x4  }
0x2f8: {  	v19 =	vshll.u32 v18, $0x1  }
0x2f9: {  	v18 =	vand.u32 $0x7, v18;
	v19 =	vand.u32 $0xFFFFFFF0, v19  }
0x2fa: {  	v18 =	vor.u32 v18, v19  }
0x2fb: {  	v19 =	vperm.xlane v18, v3;
	_ =	sdelay $0x1  }
0x2fc: {  	v20 =	vperm.xlane v18, v2;
	v19 =	vadd.s32 v4, v19;
	_ =	sdelay $0x1  }
0x2fd: {  	v21 =	vperm.xlane v18, v5;
	v20 =	vadd.s32 v4, v20;
	_ =	sdelay $0x1  }
0x2fe: {  	s9 =	simm.s32 $0x5400;
	v22 =	vperm.xlane v18, v6;
	v21 =	vadd.s32 v4, v21  }
0x2ff: {  	[tilespmem:s9], [sflag:$0xB] =	stream.indirect_vreg.gather [hbm4b:s16+s4], $0x80, v19, vm0, $0xb8;
	[tilespmem:$0x1DC80] =	vst v63  }
0x300: {  	s11 =	simm.s32 $0x5480;
	v37 =	vperm.xlane v18, v7;
	v19 =	vadd.s32 v4, v22  }
0x301: {  	[tilespmem:s11], [sflag:$0xB] =	stream.indirect_vreg.gather [hbm4b:s16+s4], $0x80, v20, vm0, $0xb8;
	[tilespmem:$0x1DC80] =	vst v63  }
0x302: {  	v39 =	vperm.xlane v18, v8;
	v38 =	vadd.s32 v4, v37;
	s9 =	simm.s32 $0x5500  }
0x303: {  	[tilespmem:s9], [sflag:$0xB] =	stream.indirect_vreg.gather [hbm4b:s16+s4], $0x80, v21, vm0, $0xb8;
	[tilespmem:$0x1DC80] =	vst v63  }
0x304: {  	v41 =	vperm.xlane v18, v9;
	v40 =	vadd.s32 v4, v39;
	s11 =	simm.s32 $0x5580  }
0x305: {  	[tilespmem:s11], [sflag:$0xB] =	stream.indirect_vreg.gather [hbm4b:s16+s4], $0x80, v19, vm0, $0xb8;
	[tilespmem:$0x1DC80] =	vst v63  }
0x306: {  	v42 =	vperm.xlane v18, v1;
	s9 =	simm.s32 $0x5600;
	v19 =	vadd.s32 v4, v41  }
0x307: {  	[tilespmem:s9], [sflag:$0xB] =	stream.indirect_vreg.gather [hbm4b:s16+s4], $0x80, v38, vm0, $0xb8;
	[tilespmem:$0x1DC80] =	vst v63  }
0x308: {  	v44 =	vperm.xlane v18, v10;
	v43 =	vadd.s32 v4, v42;
	s11 =	simm.s32 $0x5680  }
0x309: {  	[tilespmem:s11], [sflag:$0xB] =	stream.indirect_vreg.gather [hbm4b:s16+s4], $0x80, v40, vm0, $0xb8;
	[tilespmem:$0x1DC80] =	vst v63  }
0x30a: {  	v46 =	vperm.xlane v18, v11;
	v45 =	vadd.s32 v4, v44;
	s9 =	simm.s32 $0x5700  }
0x30b: {  	[tilespmem:s9], [sflag:$0xB] =	stream.indirect_vreg.gather [hbm4b:s16+s4], $0x80, v19, vm0, $0xb8;
	[tilespmem:$0x1DC80] =	vst v63  }
0x30c: {  	v47 =	vperm.xlane v18, v12;
	s11 =	simm.s32 $0x5780;
	v19 =	vadd.s32 v4, v46  }
0x30d: {  	[tilespmem:s11], [sflag:$0xB] =	stream.indirect_vreg.gather [hbm4b:s16+s4], $0x80, v43, vm0, $0xb8;
	[tilespmem:$0x1DC80] =	vst v63  }
0x30e: {  	v49 =	vperm.xlane v18, v13;
	v48 =	vadd.s32 v4, v47;
	s9 =	simm.s32 $0x5800  }
0x30f: {  	[tilespmem:s9], [sflag:$0xB] =	stream.indirect_vreg.gather [hbm4b:s16+s4], $0x80, v45, vm0, $0xb8;
	[tilespmem:$0x1DC80] =	vst v63  }
0x310: {  	v51 =	vperm.xlane v18, v14;
	v50 =	vadd.s32 v4, v49;
	s11 =	simm.s32 $0x5880  }
0x311: {  	[tilespmem:s11], [sflag:$0xB] =	stream.indirect_vreg.gather [hbm4b:s16+s4], $0x80, v19, vm0, $0xb8;
	[tilespmem:$0x1DC80] =	vst v63  }
0x312: {  	v52 =	vperm.xlane v18, v15;
	s9 =	simm.s32 $0x5900;
	v19 =	vadd.s32 v4, v51  }
0x313: {  	[tilespmem:s9], [sflag:$0xB] =	stream.indirect_vreg.gather [hbm4b:s16+s4], $0x80, v48, vm0, $0xb8;
	[tilespmem:$0x1DC80] =	vst v63  }
0x314: {  	v54 =	vperm.xlane v18, v16;
	v53 =	vadd.s32 v4, v52;
	s11 =	simm.s32 $0x5980  }
0x315: {  	[tilespmem:s11], [sflag:$0xB] =	stream.indirect_vreg.gather [hbm4b:s16+s4], $0x80, v50, vm0, $0xb8;
	[tilespmem:$0x1DC80] =	vst v63  }
0x316: {  	v18 =	vperm.xlane v18, v17;
	v55 =	vadd.s32 v4, v54;
	s9 =	simm.s32 $0x5A00  }
0x317: {  	[tilespmem:s9], [sflag:$0xB] =	stream.indirect_vreg.gather [hbm4b:s16+s4], $0x80, v19, vm0, $0xb8;
	[tilespmem:$0x1DC80] =	vst v63  }
0x318: {  	v18 =	vadd.s32 v4, v18;
	s11 =	simm.s32 $0x5A80  }
0x319: {  	[tilespmem:s11], [sflag:$0xB] =	stream.indirect_vreg.gather [hbm4b:s16+s4], $0x80, v53, vm0, $0xb8;
	[tilespmem:$0x1DC80] =	vst v63  }
0x31a: {  	s9 =	simm.s32 $0x5B00  }
0x31b: {  	[tilespmem:s9], [sflag:$0xB] =	stream.indirect_vreg.gather [hbm4b:s16+s4], $0x80, v55, vm0, $0xb8;
	[tilespmem:$0x1DC80] =	vst v63  }
0x31c: {  	s11 =	simm.s32 $0x5B80  }
0x31d: {  	[tilespmem:s11], [sflag:$0xB] =	stream.indirect_vreg.gather [hbm4b:s16+s4], $0x80, v18, vm0, $0xb8;
	[tilespmem:$0x1DC80] =	vst v63  }
0x31e: {  	v18 =	vld [tilespmem:$0x110];
	_ =	sdelay $0x4  }
0x31f: {  	v19 =	vshll.u32 v18, $0x1  }
0x320: {  	v18 =	vand.u32 $0x7, v18;
	v19 =	vand.u32 $0xFFFFFFF0, v19  }
0x321: {  	v18 =	vor.u32 v18, v19  }
0x322: {  	v19 =	vperm.xlane v18, v3;
	_ =	sdelay $0x1  }
0x323: {  	v56 =	vperm.xlane v18, v2;
	v19 =	vadd.s32 v4, v19;
	_ =	sdelay $0x1  }
0x324: {  	v57 =	vperm.xlane v18, v5;
	v20 =	vadd.s32 v4, v56;
	_ =	sdelay $0x1  }
0x325: {  	s9 =	simm.s32 $0x5C00;
	v58 =	vperm.xlane v18, v6;
	v21 =	vadd.s32 v4, v57  }
0x326: {  	[tilespmem:s9], [sflag:$0xB] =	stream.indirect_vreg.gather [hbm4b:s16+s4], $0x80, v19, vm0, $0xb8;
	[tilespmem:$0x1DC80] =	vst v63  }
0x327: {  	s11 =	simm.s32 $0x5C80;
	v59 =	vperm.xlane v18, v7;
	v19 =	vadd.s32 v4, v58  }
0x328: {  	[tilespmem:s11], [sflag:$0xB] =	stream.indirect_vreg.gather [hbm4b:s16+s4], $0x80, v20, vm0, $0xb8;
	[tilespmem:$0x1DC80] =	vst v63  }
0x329: {  	v61 =	vperm.xlane v18, v8;
	v60 =	vadd.s32 v4, v59;
	s9 =	simm.s32 $0x5D00  }
0x32a: {  	[tilespmem:s9], [sflag:$0xB] =	stream.indirect_vreg.gather [hbm4b:s16+s4], $0x80, v21, vm0, $0xb8;
	[tilespmem:$0x1DC80] =	vst v63  }
0x32b: {  	v63 =	vperm.xlane v18, v9;
	v62 =	vadd.s32 v4, v61;
	s11 =	simm.s32 $0x5D80  }
0x32c: {  	[tilespmem:s11], [sflag:$0xB] =	stream.indirect_vreg.gather [hbm4b:s16+s4], $0x80, v19, vm0, $0xb8;
	[tilespmem:$0x1DC80] =	vst v63  }
0x32d: {  	v24 =	vperm.xlane v18, v1;
	s9 =	simm.s32 $0x5E00;
	v19 =	vadd.s32 v4, v63  }
0x32e: {  	[tilespmem:s9], [sflag:$0xB] =	stream.indirect_vreg.gather [hbm4b:s16+s4], $0x80, v60, vm0, $0xb8;
	[tilespmem:$0x1DC80] =	vst v63  }
0x32f: {  	v26 =	vperm.xlane v18, v10;
	v25 =	vadd.s32 v4, v24;
	s11 =	simm.s32 $0x5E80  }
0x330: {  	[tilespmem:s11], [sflag:$0xB] =	stream.indirect_vreg.gather [hbm4b:s16+s4], $0x80, v62, vm0, $0xb8;
	[tilespmem:$0x1DC80] =	vst v63  }
0x331: {  	v28 =	vperm.xlane v18, v11;
	v27 =	vadd.s32 v4, v26;
	s9 =	simm.s32 $0x5F00  }
0x332: {  	[tilespmem:s9], [sflag:$0xB] =	stream.indirect_vreg.gather [hbm4b:s16+s4], $0x80, v19, vm0, $0xb8;
	[tilespmem:$0x1DC80] =	vst v63  }
0x333: {  	v29 =	vperm.xlane v18, v12;
	s11 =	simm.s32 $0x5F80;
	v19 =	vadd.s32 v4, v28  }
0x334: {  	[tilespmem:s11], [sflag:$0xB] =	stream.indirect_vreg.gather [hbm4b:s16+s4], $0x80, v25, vm0, $0xb8;
	[tilespmem:$0x1DC80] =	vst v63  }
0x335: {  	v31 =	vperm.xlane v18, v13;
	v30 =	vadd.s32 v4, v29;
	s9 =	simm.s32 $0x6000  }
0x336: {  	[tilespmem:s9], [sflag:$0xB] =	stream.indirect_vreg.gather [hbm4b:s16+s4], $0x80, v27, vm0, $0xb8;
	[tilespmem:$0x1DC80] =	vst v63  }
0x337: {  	v33 =	vperm.xlane v18, v14;
	v32 =	vadd.s32 v4, v31;
	s11 =	simm.s32 $0x6080  }
0x338: {  	[tilespmem:s11], [sflag:$0xB] =	stream.indirect_vreg.gather [hbm4b:s16+s4], $0x80, v19, vm0, $0xb8;
	[tilespmem:$0x1DC80] =	vst v63  }
0x339: {  	v34 =	vperm.xlane v18, v15;
	s9 =	simm.s32 $0x6100;
	v19 =	vadd.s32 v4, v33  }
0x33a: {  	[tilespmem:s9], [sflag:$0xB] =	stream.indirect_vreg.gather [hbm4b:s16+s4], $0x80, v30, vm0, $0xb8;
	[tilespmem:$0x1DC80] =	vst v63  }
0x33b: {  	v36 =	vperm.xlane v18, v16;
	v35 =	vadd.s32 v4, v34;
	s11 =	simm.s32 $0x6180  }
0x33c: {  	[tilespmem:s11], [sflag:$0xB] =	stream.indirect_vreg.gather [hbm4b:s16+s4], $0x80, v32, vm0, $0xb8;
	[tilespmem:$0x1DC80] =	vst v63  }
0x33d: {  	v18 =	vperm.xlane v18, v17;
	v37 =	vadd.s32 v4, v36;
	s9 =	simm.s32 $0x6200  }
0x33e: {  	[tilespmem:s9], [sflag:$0xB] =	stream.indirect_vreg.gather [hbm4b:s16+s4], $0x80, v19, vm0, $0xb8;
	[tilespmem:$0x1DC80] =	vst v63  }
0x33f: {  	v18 =	vadd.s32 v4, v18;
	s11 =	simm.s32 $0x6280  }
0x340: {  	[tilespmem:s11], [sflag:$0xB] =	stream.indirect_vreg.gather [hbm4b:s16+s4], $0x80, v35, vm0, $0xb8;
	[tilespmem:$0x1DC80] =	vst v63  }
0x341: {  	s9 =	simm.s32 $0x6300  }
0x342: {  	[tilespmem:s9], [sflag:$0xB] =	stream.indirect_vreg.gather [hbm4b:s16+s4], $0x80, v37, vm0, $0xb8;
	[tilespmem:$0x1DC80] =	vst v63  }
0x343: {  	s11 =	simm.s32 $0x6380  }
0x344: {  	[tilespmem:s11], [sflag:$0xB] =	stream.indirect_vreg.gather [hbm4b:s16+s4], $0x80, v18, vm0, $0xb8;
	[tilespmem:$0x1DC80] =	vst v63  }
0x345: {  	v18 =	vld [tilespmem:$0x120];
	_ =	sdelay $0x4  }
0x346: {  	v19 =	vshll.u32 v18, $0x1  }
0x347: {  	v18 =	vand.u32 $0x7, v18;
	v19 =	vand.u32 $0xFFFFFFF0, v19  }
0x348: {  	v18 =	vor.u32 v18, v19  }
0x349: {  	v19 =	vperm.xlane v18, v3;
	_ =	sdelay $0x1  }
0x34a: {  	v38 =	vperm.xlane v18, v2;
	v19 =	vadd.s32 v4, v19;
	_ =	sdelay $0x1  }
0x34b: {  	v39 =	vperm.xlane v18, v5;
	v20 =	vadd.s32 v4, v38;
	_ =	sdelay $0x1  }
0x34c: {  	s9 =	simm.s32 $0x6400;
	v40 =	vperm.xlane v18, v6;
	v21 =	vadd.s32 v4, v39  }
0x34d: {  	[tilespmem:s9], [sflag:$0xB] =	stream.indirect_vreg.gather [hbm4b:s16+s4], $0x80, v19, vm0, $0xb8;
	[tilespmem:$0x1DC80] =	vst v63  }
0x34e: {  	s11 =	simm.s32 $0x6480;
	v41 =	vperm.xlane v18, v7;
	v19 =	vadd.s32 v4, v40  }
0x34f: {  	[tilespmem:s11], [sflag:$0xB] =	stream.indirect_vreg.gather [hbm4b:s16+s4], $0x80, v20, vm0, $0xb8;
	[tilespmem:$0x1DC80] =	vst v63  }
0x350: {  	v43 =	vperm.xlane v18, v8;
	v42 =	vadd.s32 v4, v41;
	s9 =	simm.s32 $0x6500  }
0x351: {  	[tilespmem:s9], [sflag:$0xB] =	stream.indirect_vreg.gather [hbm4b:s16+s4], $0x80, v21, vm0, $0xb8;
	[tilespmem:$0x1DC80] =	vst v63  }
0x352: {  	v45 =	vperm.xlane v18, v9;
	v44 =	vadd.s32 v4, v43;
	s11 =	simm.s32 $0x6580  }
0x353: {  	[tilespmem:s11], [sflag:$0xB] =	stream.indirect_vreg.gather [hbm4b:s16+s4], $0x80, v19, vm0, $0xb8;
	[tilespmem:$0x1DC80] =	vst v63  }
0x354: {  	v46 =	vperm.xlane v18, v1;
	s9 =	simm.s32 $0x6600;
	v19 =	vadd.s32 v4, v45  }
0x355: {  	[tilespmem:s9], [sflag:$0xB] =	stream.indirect_vreg.gather [hbm4b:s16+s4], $0x80, v42, vm0, $0xb8;
	[tilespmem:$0x1DC80] =	vst v63  }
0x356: {  	v48 =	vperm.xlane v18, v10;
	v47 =	vadd.s32 v4, v46;
	s11 =	simm.s32 $0x6680  }
0x357: {  	[tilespmem:s11], [sflag:$0xB] =	stream.indirect_vreg.gather [hbm4b:s16+s4], $0x80, v44, vm0, $0xb8;
	[tilespmem:$0x1DC80] =	vst v63  }
0x358: {  	v50 =	vperm.xlane v18, v11;
	v49 =	vadd.s32 v4, v48;
	s9 =	simm.s32 $0x6700  }
0x359: {  	[tilespmem:s9], [sflag:$0xB] =	stream.indirect_vreg.gather [hbm4b:s16+s4], $0x80, v19, vm0, $0xb8;
	[tilespmem:$0x1DC80] =	vst v63  }
0x35a: {  	v51 =	vperm.xlane v18, v12;
	s11 =	simm.s32 $0x6780;
	v19 =	vadd.s32 v4, v50  }
0x35b: {  	[tilespmem:s11], [sflag:$0xB] =	stream.indirect_vreg.gather [hbm4b:s16+s4], $0x80, v47, vm0, $0xb8;
	[tilespmem:$0x1DC80] =	vst v63  }
0x35c: {  	v53 =	vperm.xlane v18, v13;
	v52 =	vadd.s32 v4, v51;
	s9 =	simm.s32 $0x6800  }
0x35d: {  	[tilespmem:s9], [sflag:$0xB] =	stream.indirect_vreg.gather [hbm4b:s16+s4], $0x80, v49, vm0, $0xb8;
	[tilespmem:$0x1DC80] =	vst v63  }
0x35e: {  	v55 =	vperm.xlane v18, v14;
	v54 =	vadd.s32 v4, v53;
	s11 =	simm.s32 $0x6880  }
0x35f: {  	[tilespmem:s11], [sflag:$0xB] =	stream.indirect_vreg.gather [hbm4b:s16+s4], $0x80, v19, vm0, $0xb8;
	[tilespmem:$0x1DC80] =	vst v63  }
0x360: {  	v56 =	vperm.xlane v18, v15;
	s9 =	simm.s32 $0x6900;
	v19 =	vadd.s32 v4, v55  }
0x361: {  	[tilespmem:s9], [sflag:$0xB] =	stream.indirect_vreg.gather [hbm4b:s16+s4], $0x80, v52, vm0, $0xb8;
	[tilespmem:$0x1DC80] =	vst v63  }
0x362: {  	v58 =	vperm.xlane v18, v16;
	v57 =	vadd.s32 v4, v56;
	s11 =	simm.s32 $0x6980  }
0x363: {  	[tilespmem:s11], [sflag:$0xB] =	stream.indirect_vreg.gather [hbm4b:s16+s4], $0x80, v54, vm0, $0xb8;
	[tilespmem:$0x1DC80] =	vst v63  }
0x364: {  	v18 =	vperm.xlane v18, v17;
	v59 =	vadd.s32 v4, v58;
	s9 =	simm.s32 $0x6A00  }
0x365: {  	[tilespmem:s9], [sflag:$0xB] =	stream.indirect_vreg.gather [hbm4b:s16+s4], $0x80, v19, vm0, $0xb8;
	[tilespmem:$0x1DC80] =	vst v63  }
0x366: {  	v18 =	vadd.s32 v4, v18;
	s11 =	simm.s32 $0x6A80  }
0x367: {  	[tilespmem:s11], [sflag:$0xB] =	stream.indirect_vreg.gather [hbm4b:s16+s4], $0x80, v57, vm0, $0xb8;
	[tilespmem:$0x1DC80] =	vst v63  }
0x368: {  	s9 =	simm.s32 $0x6B00  }
0x369: {  	[tilespmem:s9], [sflag:$0xB] =	stream.indirect_vreg.gather [hbm4b:s16+s4], $0x80, v59, vm0, $0xb8;
	[tilespmem:$0x1DC80] =	vst v63  }
0x36a: {  	s11 =	simm.s32 $0x6B80  }
0x36b: {  	[tilespmem:s11], [sflag:$0xB] =	stream.indirect_vreg.gather [hbm4b:s16+s4], $0x80, v18, vm0, $0xb8;
	[tilespmem:$0x1DC80] =	vst v63  }
0x36c: {  	v18 =	vld [tilespmem:$0x130];
	_ =	sdelay $0x4  }
0x36d: {  	v19 =	vshll.u32 v18, $0x1  }
0x36e: {  	v18 =	vand.u32 $0x7, v18;
	v19 =	vand.u32 $0xFFFFFFF0, v19  }
0x36f: {  	v18 =	vor.u32 v18, v19  }
0x370: {  	v19 =	vperm.xlane v18, v3;
	_ =	sdelay $0x1  }
0x371: {  	v60 =	vperm.xlane v18, v2;
	v19 =	vadd.s32 v4, v19;
	_ =	sdelay $0x1  }
0x372: {  	v61 =	vperm.xlane v18, v5;
	v20 =	vadd.s32 v4, v60;
	_ =	sdelay $0x1  }
0x373: {  	s9 =	simm.s32 $0x6C00;
	v62 =	vperm.xlane v18, v6;
	v21 =	vadd.s32 v4, v61  }
0x374: {  	[tilespmem:s9], [sflag:$0xB] =	stream.indirect_vreg.gather [hbm4b:s16+s4], $0x80, v19, vm0, $0xb8;
	[tilespmem:$0x1DC80] =	vst v63  }
0x375: {  	s11 =	simm.s32 $0x6C80;
	v63 =	vperm.xlane v18, v7;
	v19 =	vadd.s32 v4, v62  }
0x376: {  	[tilespmem:s11], [sflag:$0xB] =	stream.indirect_vreg.gather [hbm4b:s16+s4], $0x80, v20, vm0, $0xb8;
	[tilespmem:$0x1DC80] =	vst v63  }
0x377: {  	v25 =	vperm.xlane v18, v8;
	v24 =	vadd.s32 v4, v63;
	s9 =	simm.s32 $0x6D00  }
0x378: {  	[tilespmem:s9], [sflag:$0xB] =	stream.indirect_vreg.gather [hbm4b:s16+s4], $0x80, v21, vm0, $0xb8;
	[tilespmem:$0x1DC80] =	vst v63  }
0x379: {  	v27 =	vperm.xlane v18, v9;
	v26 =	vadd.s32 v4, v25;
	s11 =	simm.s32 $0x6D80  }
0x37a: {  	[tilespmem:s11], [sflag:$0xB] =	stream.indirect_vreg.gather [hbm4b:s16+s4], $0x80, v19, vm0, $0xb8;
	[tilespmem:$0x1DC80] =	vst v63  }
0x37b: {  	v28 =	vperm.xlane v18, v1;
	s9 =	simm.s32 $0x6E00;
	v19 =	vadd.s32 v4, v27  }
0x37c: {  	[tilespmem:s9], [sflag:$0xB] =	stream.indirect_vreg.gather [hbm4b:s16+s4], $0x80, v24, vm0, $0xb8;
	[tilespmem:$0x1DC80] =	vst v63  }
0x37d: {  	v30 =	vperm.xlane v18, v10;
	v29 =	vadd.s32 v4, v28;
	s11 =	simm.s32 $0x6E80  }
0x37e: {  	[tilespmem:s11], [sflag:$0xB] =	stream.indirect_vreg.gather [hbm4b:s16+s4], $0x80, v26, vm0, $0xb8;
	[tilespmem:$0x1DC80] =	vst v63  }
0x37f: {  	v32 =	vperm.xlane v18, v11;
	v31 =	vadd.s32 v4, v30;
	s9 =	simm.s32 $0x6F00  }
0x380: {  	[tilespmem:s9], [sflag:$0xB] =	stream.indirect_vreg.gather [hbm4b:s16+s4], $0x80, v19, vm0, $0xb8;
	[tilespmem:$0x1DC80] =	vst v63  }
0x381: {  	v33 =	vperm.xlane v18, v12;
	s11 =	simm.s32 $0x6F80;
	v19 =	vadd.s32 v4, v32  }
0x382: {  	[tilespmem:s11], [sflag:$0xB] =	stream.indirect_vreg.gather [hbm4b:s16+s4], $0x80, v29, vm0, $0xb8;
	[tilespmem:$0x1DC80] =	vst v63  }
0x383: {  	v35 =	vperm.xlane v18, v13;
	v34 =	vadd.s32 v4, v33;
	s9 =	simm.s32 $0x7000  }
0x384: {  	[tilespmem:s9], [sflag:$0xB] =	stream.indirect_vreg.gather [hbm4b:s16+s4], $0x80, v31, vm0, $0xb8;
	[tilespmem:$0x1DC80] =	vst v63  }
0x385: {  	v37 =	vperm.xlane v18, v14;
	v36 =	vadd.s32 v4, v35;
	s11 =	simm.s32 $0x7080  }
0x386: {  	[tilespmem:s11], [sflag:$0xB] =	stream.indirect_vreg.gather [hbm4b:s16+s4], $0x80, v19, vm0, $0xb8;
	[tilespmem:$0x1DC80] =	vst v63  }
0x387: {  	v38 =	vperm.xlane v18, v15;
	s9 =	simm.s32 $0x7100;
	v19 =	vadd.s32 v4, v37  }
0x388: {  	[tilespmem:s9], [sflag:$0xB] =	stream.indirect_vreg.gather [hbm4b:s16+s4], $0x80, v34, vm0, $0xb8;
	[tilespmem:$0x1DC80] =	vst v63  }
0x389: {  	v40 =	vperm.xlane v18, v16;
	v39 =	vadd.s32 v4, v38;
	s11 =	simm.s32 $0x7180  }
0x38a: {  	[tilespmem:s11], [sflag:$0xB] =	stream.indirect_vreg.gather [hbm4b:s16+s4], $0x80, v36, vm0, $0xb8;
	[tilespmem:$0x1DC80] =	vst v63  }
0x38b: {  	v18 =	vperm.xlane v18, v17;
	v41 =	vadd.s32 v4, v40;
	s9 =	simm.s32 $0x7200  }
0x38c: {  	[tilespmem:s9], [sflag:$0xB] =	stream.indirect_vreg.gather [hbm4b:s16+s4], $0x80, v19, vm0, $0xb8;
	[tilespmem:$0x1DC80] =	vst v63  }
0x38d: {  	v18 =	vadd.s32 v4, v18;
	s11 =	simm.s32 $0x7280  }
0x38e: {  	[tilespmem:s11], [sflag:$0xB] =	stream.indirect_vreg.gather [hbm4b:s16+s4], $0x80, v39, vm0, $0xb8;
	[tilespmem:$0x1DC80] =	vst v63  }
0x38f: {  	s9 =	simm.s32 $0x7300  }
0x390: {  	[tilespmem:s9], [sflag:$0xB] =	stream.indirect_vreg.gather [hbm4b:s16+s4], $0x80, v41, vm0, $0xb8;
	[tilespmem:$0x1DC80] =	vst v63  }
0x391: {  	s11 =	simm.s32 $0x7380  }
0x392: {  	[tilespmem:s11], [sflag:$0xB] =	stream.indirect_vreg.gather [hbm4b:s16+s4], $0x80, v18, vm0, $0xb8;
	[tilespmem:$0x1DC80] =	vst v63  }
0x393: {  	v18 =	vld [tilespmem:$0x140];
	_ =	sdelay $0x4  }
0x394: {  	v19 =	vshll.u32 v18, $0x1  }
0x395: {  	v18 =	vand.u32 $0x7, v18;
	v19 =	vand.u32 $0xFFFFFFF0, v19  }
0x396: {  	v18 =	vor.u32 v18, v19  }
0x397: {  	v19 =	vperm.xlane v18, v3;
	_ =	sdelay $0x1  }
0x398: {  	v42 =	vperm.xlane v18, v2;
	v19 =	vadd.s32 v4, v19;
	_ =	sdelay $0x1  }
0x399: {  	v43 =	vperm.xlane v18, v5;
	v20 =	vadd.s32 v4, v42;
	_ =	sdelay $0x1  }
0x39a: {  	s9 =	simm.s32 $0x7400;
	v44 =	vperm.xlane v18, v6;
	v21 =	vadd.s32 v4, v43  }
0x39b: {  	[tilespmem:s9], [sflag:$0xB] =	stream.indirect_vreg.gather [hbm4b:s16+s4], $0x80, v19, vm0, $0xb8;
	[tilespmem:$0x1DC80] =	vst v63  }
0x39c: {  	s11 =	simm.s32 $0x7480;
	v45 =	vperm.xlane v18, v7;
	v19 =	vadd.s32 v4, v44  }
0x39d: {  	[tilespmem:s11], [sflag:$0xB] =	stream.indirect_vreg.gather [hbm4b:s16+s4], $0x80, v20, vm0, $0xb8;
	[tilespmem:$0x1DC80] =	vst v63  }
0x39e: {  	v47 =	vperm.xlane v18, v8;
	v46 =	vadd.s32 v4, v45;
	s9 =	simm.s32 $0x7500  }
0x39f: {  	[tilespmem:s9], [sflag:$0xB] =	stream.indirect_vreg.gather [hbm4b:s16+s4], $0x80, v21, vm0, $0xb8;
	[tilespmem:$0x1DC80] =	vst v63  }
0x3a0: {  	v49 =	vperm.xlane v18, v9;
	v48 =	vadd.s32 v4, v47;
	s11 =	simm.s32 $0x7580  }
0x3a1: {  	[tilespmem:s11], [sflag:$0xB] =	stream.indirect_vreg.gather [hbm4b:s16+s4], $0x80, v19, vm0, $0xb8;
	[tilespmem:$0x1DC80] =	vst v63  }
0x3a2: {  	v50 =	vperm.xlane v18, v1;
	s9 =	simm.s32 $0x7600;
	v19 =	vadd.s32 v4, v49  }
0x3a3: {  	[tilespmem:s9], [sflag:$0xB] =	stream.indirect_vreg.gather [hbm4b:s16+s4], $0x80, v46, vm0, $0xb8;
	[tilespmem:$0x1DC80] =	vst v63  }
0x3a4: {  	v52 =	vperm.xlane v18, v10;
	v51 =	vadd.s32 v4, v50;
	s11 =	simm.s32 $0x7680  }
0x3a5: {  	[tilespmem:s11], [sflag:$0xB] =	stream.indirect_vreg.gather [hbm4b:s16+s4], $0x80, v48, vm0, $0xb8;
	[tilespmem:$0x1DC80] =	vst v63  }
0x3a6: {  	v54 =	vperm.xlane v18, v11;
	v53 =	vadd.s32 v4, v52;
	s9 =	simm.s32 $0x7700  }
0x3a7: {  	[tilespmem:s9], [sflag:$0xB] =	stream.indirect_vreg.gather [hbm4b:s16+s4], $0x80, v19, vm0, $0xb8;
	[tilespmem:$0x1DC80] =	vst v63  }
0x3a8: {  	v55 =	vperm.xlane v18, v12;
	s11 =	simm.s32 $0x7780;
	v19 =	vadd.s32 v4, v54  }
0x3a9: {  	[tilespmem:s11], [sflag:$0xB] =	stream.indirect_vreg.gather [hbm4b:s16+s4], $0x80, v51, vm0, $0xb8;
	[tilespmem:$0x1DC80] =	vst v63  }
0x3aa: {  	v57 =	vperm.xlane v18, v13;
	v56 =	vadd.s32 v4, v55;
	s9 =	simm.s32 $0x7800  }
0x3ab: {  	[tilespmem:s9], [sflag:$0xB] =	stream.indirect_vreg.gather [hbm4b:s16+s4], $0x80, v53, vm0, $0xb8;
	[tilespmem:$0x1DC80] =	vst v63  }
0x3ac: {  	v59 =	vperm.xlane v18, v14;
	v58 =	vadd.s32 v4, v57;
	s11 =	simm.s32 $0x7880  }
0x3ad: {  	[tilespmem:s11], [sflag:$0xB] =	stream.indirect_vreg.gather [hbm4b:s16+s4], $0x80, v19, vm0, $0xb8;
	[tilespmem:$0x1DC80] =	vst v63  }
0x3ae: {  	v60 =	vperm.xlane v18, v15;
	s9 =	simm.s32 $0x7900;
	v19 =	vadd.s32 v4, v59  }
0x3af: {  	[tilespmem:s9], [sflag:$0xB] =	stream.indirect_vreg.gather [hbm4b:s16+s4], $0x80, v56, vm0, $0xb8;
	[tilespmem:$0x1DC80] =	vst v63  }
0x3b0: {  	v62 =	vperm.xlane v18, v16;
	v61 =	vadd.s32 v4, v60;
	s11 =	simm.s32 $0x7980  }
0x3b1: {  	[tilespmem:s11], [sflag:$0xB] =	stream.indirect_vreg.gather [hbm4b:s16+s4], $0x80, v58, vm0, $0xb8;
	[tilespmem:$0x1DC80] =	vst v63  }
0x3b2: {  	v18 =	vperm.xlane v18, v17;
	v63 =	vadd.s32 v4, v62;
	s9 =	simm.s32 $0x7A00  }
0x3b3: {  	[tilespmem:s9], [sflag:$0xB] =	stream.indirect_vreg.gather [hbm4b:s16+s4], $0x80, v19, vm0, $0xb8;
	[tilespmem:$0x1DC80] =	vst v63  }
0x3b4: {  	v18 =	vadd.s32 v4, v18;
	s11 =	simm.s32 $0x7A80  }
0x3b5: {  	[tilespmem:s11], [sflag:$0xB] =	stream.indirect_vreg.gather [hbm4b:s16+s4], $0x80, v61, vm0, $0xb8;
	[tilespmem:$0x1DC80] =	vst v63  }
0x3b6: {  	s9 =	simm.s32 $0x7B00  }
0x3b7: {  	[tilespmem:s9], [sflag:$0xB] =	stream.indirect_vreg.gather [hbm4b:s16+s4], $0x80, v63, vm0, $0xb8;
	[tilespmem:$0x1DC80] =	vst v63  }
0x3b8: {  	p3 =	por $0x1, $0x1;
	s11 =	simm.s32 $0x7B80  }
0x3b9: {  	[tilespmem:s11], [sflag:$0xB] =	stream.indirect_vreg.gather [hbm4b:s16+s4], $0x80, v18, vm0, $0xb8;
	[tilespmem:$0x1DC80] =	vst v63  }
.LBB2_6:
0x3ba: {  	p2 =	sgt.u32 s5, $0x1E  }
.Ltmp6:
0x3bb: {  	_ = 	snop;
	(pc) =	sbr.rel @p2 .LBB2_10-.Ltmp6, $4  }
0x3bc: {  	_ =	swait.ge [sflag:s21], $0x50  }
0x3bd: {  	[sflag:s21] =	ssyncset.done $0x0  }
0x3be: {  	[sflag:s21] =	ssyncadd.s32 $0xFFFFFFB0  }
0x3bf: {  	[spmem:s3] =	stream.indirect.scatter.add.f32 [tilespmem:s31], [sflag:$0xD], $0x80, s10, s24, $0xb8;
	[tilespmem:$0x1DC80] =	vst v63  }
0x3c0: {  	p4 =	seq.s32 s1, $0x4B0  }
0x3c1: {  	p5 =	seq.s32 @!p4 s1, $0x0  }
0x3c2: {  	p5 =	por p4, !p5  }
.Ltmp7:
0x3c3: {  	_ =	swait.ge [sflag:s25], $0x2800;
	(pc) =	sbr.rel @!p5 .LBB2_9-.Ltmp7, $4  }
0x3c4: {  	[sflag:s25] =	ssyncset.done $0x0;
	s9 =	sadd.s32 @!p4 s1, s22;
	s11 =	simm.s32 @!p4 $0x0  }
0x3c5: {  	s2 =	simm.s32 @!p4 $0x80;
	[sflag:s25] =	ssyncadd.s32 $0xFFFFD800;
	s9 =	sadd.s32 @!p4 $0x32, s9  }
0x3c6: {  	[tilespmem:s2], [sflag:$0x2] =	stream.linear.gather @!p4 [hbm4b:s9+s11], $0x50, $0x38;
	[tilespmem:$0x1DC80] =	vst v63  }
0x3c7: {  	s11 =	rddreg [dreg:$0xb]  }
0x3c8: {  	s2 =	smov.u32 s29;
	_ =	swait.ge [sflag:s20], $0x2800  }
0x3c9: {  	s2 =	simm.s32 @p4 $0x2580;
	s9 =	rddreg [dreg:$0x8]  }
0x3ca: {  	[sflag:s20] =	ssyncset.done $0x0;
	s2 =	sadd.s32 s9, s2  }
0x3cb: {  	[sflag:s20] =	ssyncadd.s32 $0xFFFFD800;
	s11 =	sshrl.u32 s2, $0x3  }
.LBB2_9:
0x3cc: {  	s2 =	rddreg [dreg:$0x1]  }
0x3cd: {  	s2 =	sadd.s32 s2, s11  }
0x3ce: {  	[tilespmem:s26], [sflag:$0x8] =	stream.linear.gather [hbm4b:s2+s4], $0x50, $0x38;
	[tilespmem:$0x1DC80] =	vst v63  }
0x3cf: {  	_ =	swait.ge [sflag:s28], $0x50  }
0x3d0: {  	[sflag:s28] =	ssyncset.done $0x0  }
0x3d1: {  	[sflag:s28] =	ssyncadd.s32 $0xFFFFFFB0  }
0x3d2: {  	v18 =	vld [tilespmem:$0x180];
	_ =	sdelay $0x4  }
0x3d3: {  	v19 =	vshll.u32 v18, $0x1  }
0x3d4: {  	v18 =	vand.u32 $0x7, v18;
	v19 =	vand.u32 $0xFFFFFFF0, v19  }
0x3d5: {  	v18 =	vor.u32 v18, v19  }
0x3d6: {  	v19 =	vperm.xlane v18, v3;
	_ =	sdelay $0x1  }
0x3d7: {  	v20 =	vperm.xlane v18, v2;
	v19 =	vadd.s32 v4, v19;
	_ =	sdelay $0x1  }
0x3d8: {  	v21 =	vperm.xlane v18, v5;
	v20 =	vadd.s32 v4, v20;
	_ =	sdelay $0x1  }
0x3d9: {  	v22 =	vperm.xlane v18, v6;
	v21 =	vadd.s32 v4, v21  }
0x3da: {  	[tilespmem:s7], [sflag:$0xC] =	stream.indirect_vreg.gather [hbm4b:s16+s4], $0x80, v19, vm0, $0xb8;
	[tilespmem:$0x1DC80] =	vst v63  }
0x3db: {  	s9 =	simm.s32 $0x7C80;
	v37 =	vperm.xlane v18, v7;
	v19 =	vadd.s32 v4, v22  }
0x3dc: {  	[tilespmem:s9], [sflag:$0xC] =	stream.indirect_vreg.gather [hbm4b:s16+s4], $0x80, v20, vm0, $0xb8;
	[tilespmem:$0x1DC80] =	vst v63  }
0x3dd: {  	s11 =	simm.s32 $0x7D00;
	v39 =	vperm.xlane v18, v8;
	v38 =	vadd.s32 v4, v37  }
0x3de: {  	[tilespmem:s11], [sflag:$0xC] =	stream.indirect_vreg.gather [hbm4b:s16+s4], $0x80, v21, vm0, $0xb8;
	[tilespmem:$0x1DC80] =	vst v63  }
0x3df: {  	v41 =	vperm.xlane v18, v9;
	v40 =	vadd.s32 v4, v39;
	s9 =	simm.s32 $0x7D80  }
0x3e0: {  	[tilespmem:s9], [sflag:$0xC] =	stream.indirect_vreg.gather [hbm4b:s16+s4], $0x80, v19, vm0, $0xb8;
	[tilespmem:$0x1DC80] =	vst v63  }
0x3e1: {  	v42 =	vperm.xlane v18, v1;
	s11 =	simm.s32 $0x7E00;
	v19 =	vadd.s32 v4, v41  }
0x3e2: {  	[tilespmem:s11], [sflag:$0xC] =	stream.indirect_vreg.gather [hbm4b:s16+s4], $0x80, v38, vm0, $0xb8;
	[tilespmem:$0x1DC80] =	vst v63  }
0x3e3: {  	v44 =	vperm.xlane v18, v10;
	v43 =	vadd.s32 v4, v42;
	s9 =	simm.s32 $0x7E80  }
0x3e4: {  	[tilespmem:s9], [sflag:$0xC] =	stream.indirect_vreg.gather [hbm4b:s16+s4], $0x80, v40, vm0, $0xb8;
	[tilespmem:$0x1DC80] =	vst v63  }
0x3e5: {  	v46 =	vperm.xlane v18, v11;
	v45 =	vadd.s32 v4, v44;
	s11 =	simm.s32 $0x7F00  }
0x3e6: {  	[tilespmem:s11], [sflag:$0xC] =	stream.indirect_vreg.gather [hbm4b:s16+s4], $0x80, v19, vm0, $0xb8;
	[tilespmem:$0x1DC80] =	vst v63  }
0x3e7: {  	v47 =	vperm.xlane v18, v12;
	s9 =	simm.s32 $0x7F80;
	v19 =	vadd.s32 v4, v46  }
0x3e8: {  	[tilespmem:s9], [sflag:$0xC] =	stream.indirect_vreg.gather [hbm4b:s16+s4], $0x80, v43, vm0, $0xb8;
	[tilespmem:$0x1DC80] =	vst v63  }
0x3e9: {  	v49 =	vperm.xlane v18, v13;
	v48 =	vadd.s32 v4, v47;
	s11 =	simm.s32 $0x8000  }
0x3ea: {  	[tilespmem:s11], [sflag:$0xC] =	stream.indirect_vreg.gather [hbm4b:s16+s4], $0x80, v45, vm0, $0xb8;
	[tilespmem:$0x1DC80] =	vst v63  }
0x3eb: {  	v51 =	vperm.xlane v18, v14;
	v50 =	vadd.s32 v4, v49;
	s9 =	simm.s32 $0x8080  }
0x3ec: {  	[tilespmem:s9], [sflag:$0xC] =	stream.indirect_vreg.gather [hbm4b:s16+s4], $0x80, v19, vm0, $0xb8;
	[tilespmem:$0x1DC80] =	vst v63  }
0x3ed: {  	v52 =	vperm.xlane v18, v15;
	s11 =	simm.s32 $0x8100;
	v19 =	vadd.s32 v4, v51  }
0x3ee: {  	[tilespmem:s11], [sflag:$0xC] =	stream.indirect_vreg.gather [hbm4b:s16+s4], $0x80, v48, vm0, $0xb8;
	[tilespmem:$0x1DC80] =	vst v63  }
0x3ef: {  	v54 =	vperm.xlane v18, v16;
	v53 =	vadd.s32 v4, v52;
	s9 =	simm.s32 $0x8180  }
0x3f0: {  	[tilespmem:s9], [sflag:$0xC] =	stream.indirect_vreg.gather [hbm4b:s16+s4], $0x80, v50, vm0, $0xb8;
	[tilespmem:$0x1DC80] =	vst v63  }
0x3f1: {  	v18 =	vperm.xlane v18, v17;
	v55 =	vadd.s32 v4, v54;
	s11 =	simm.s32 $0x8200  }
0x3f2: {  	[tilespmem:s11], [sflag:$0xC] =	stream.indirect_vreg.gather [hbm4b:s16+s4], $0x80, v19, vm0, $0xb8;
	[tilespmem:$0x1DC80] =	vst v63  }
0x3f3: {  	v18 =	vadd.s32 v4, v18;
	s9 =	simm.s32 $0x8280  }
0x3f4: {  	[tilespmem:s9], [sflag:$0xC] =	stream.indirect_vreg.gather [hbm4b:s16+s4], $0x80, v53, vm0, $0xb8;
	[tilespmem:$0x1DC80] =	vst v63  }
0x3f5: {  	s11 =	simm.s32 $0x8300  }
0x3f6: {  	[tilespmem:s11], [sflag:$0xC] =	stream.indirect_vreg.gather [hbm4b:s16+s4], $0x80, v55, vm0, $0xb8;
	[tilespmem:$0x1DC80] =	vst v63  }
0x3f7: {  	s9 =	simm.s32 $0x8380  }
0x3f8: {  	[tilespmem:s9], [sflag:$0xC] =	stream.indirect_vreg.gather [hbm4b:s16+s4], $0x80, v18, vm0, $0xb8;
	[tilespmem:$0x1DC80] =	vst v63  }
0x3f9: {  	v18 =	vld [tilespmem:$0x190];
	_ =	sdelay $0x4  }
0x3fa: {  	v19 =	vshll.u32 v18, $0x1  }
0x3fb: {  	v18 =	vand.u32 $0x7, v18;
	v19 =	vand.u32 $0xFFFFFFF0, v19  }
0x3fc: {  	v18 =	vor.u32 v18, v19  }
0x3fd: {  	v19 =	vperm.xlane v18, v3;
	_ =	sdelay $0x1  }
0x3fe: {  	v56 =	vperm.xlane v18, v2;
	v19 =	vadd.s32 v4, v19;
	_ =	sdelay $0x1  }
0x3ff: {  	v57 =	vperm.xlane v18, v5;
	v20 =	vadd.s32 v4, v56;
	_ =	sdelay $0x1  }
0x400: {  	s11 =	simm.s32 $0x8400;
	v58 =	vperm.xlane v18, v6;
	v21 =	vadd.s32 v4, v57  }
0x401: {  	[tilespmem:s11], [sflag:$0xC] =	stream.indirect_vreg.gather [hbm4b:s16+s4], $0x80, v19, vm0, $0xb8;
	[tilespmem:$0x1DC80] =	vst v63  }
0x402: {  	s9 =	simm.s32 $0x8480;
	v59 =	vperm.xlane v18, v7;
	v19 =	vadd.s32 v4, v58  }
0x403: {  	[tilespmem:s9], [sflag:$0xC] =	stream.indirect_vreg.gather [hbm4b:s16+s4], $0x80, v20, vm0, $0xb8;
	[tilespmem:$0x1DC80] =	vst v63  }
0x404: {  	v61 =	vperm.xlane v18, v8;
	v60 =	vadd.s32 v4, v59;
	s11 =	simm.s32 $0x8500  }
0x405: {  	[tilespmem:s11], [sflag:$0xC] =	stream.indirect_vreg.gather [hbm4b:s16+s4], $0x80, v21, vm0, $0xb8;
	[tilespmem:$0x1DC80] =	vst v63  }
0x406: {  	v63 =	vperm.xlane v18, v9;
	v62 =	vadd.s32 v4, v61;
	s9 =	simm.s32 $0x8580  }
0x407: {  	[tilespmem:s9], [sflag:$0xC] =	stream.indirect_vreg.gather [hbm4b:s16+s4], $0x80, v19, vm0, $0xb8;
	[tilespmem:$0x1DC80] =	vst v63  }
0x408: {  	v24 =	vperm.xlane v18, v1;
	s11 =	simm.s32 $0x8600;
	v19 =	vadd.s32 v4, v63  }
0x409: {  	[tilespmem:s11], [sflag:$0xC] =	stream.indirect_vreg.gather [hbm4b:s16+s4], $0x80, v60, vm0, $0xb8;
	[tilespmem:$0x1DC80] =	vst v63  }
0x40a: {  	v26 =	vperm.xlane v18, v10;
	v25 =	vadd.s32 v4, v24;
	s9 =	simm.s32 $0x8680  }
0x40b: {  	[tilespmem:s9], [sflag:$0xC] =	stream.indirect_vreg.gather [hbm4b:s16+s4], $0x80, v62, vm0, $0xb8;
	[tilespmem:$0x1DC80] =	vst v63  }
0x40c: {  	v28 =	vperm.xlane v18, v11;
	v27 =	vadd.s32 v4, v26;
	s11 =	simm.s32 $0x8700  }
0x40d: {  	[tilespmem:s11], [sflag:$0xC] =	stream.indirect_vreg.gather [hbm4b:s16+s4], $0x80, v19, vm0, $0xb8;
	[tilespmem:$0x1DC80] =	vst v63  }
0x40e: {  	v29 =	vperm.xlane v18, v12;
	s9 =	simm.s32 $0x8780;
	v19 =	vadd.s32 v4, v28  }
0x40f: {  	[tilespmem:s9], [sflag:$0xC] =	stream.indirect_vreg.gather [hbm4b:s16+s4], $0x80, v25, vm0, $0xb8;
	[tilespmem:$0x1DC80] =	vst v63  }
0x410: {  	v31 =	vperm.xlane v18, v13;
	v30 =	vadd.s32 v4, v29;
	s11 =	simm.s32 $0x8800  }
0x411: {  	[tilespmem:s11], [sflag:$0xC] =	stream.indirect_vreg.gather [hbm4b:s16+s4], $0x80, v27, vm0, $0xb8;
	[tilespmem:$0x1DC80] =	vst v63  }
0x412: {  	v33 =	vperm.xlane v18, v14;
	v32 =	vadd.s32 v4, v31;
	s9 =	simm.s32 $0x8880  }
0x413: {  	[tilespmem:s9], [sflag:$0xC] =	stream.indirect_vreg.gather [hbm4b:s16+s4], $0x80, v19, vm0, $0xb8;
	[tilespmem:$0x1DC80] =	vst v63  }
0x414: {  	v34 =	vperm.xlane v18, v15;
	s11 =	simm.s32 $0x8900;
	v19 =	vadd.s32 v4, v33  }
0x415: {  	[tilespmem:s11], [sflag:$0xC] =	stream.indirect_vreg.gather [hbm4b:s16+s4], $0x80, v30, vm0, $0xb8;
	[tilespmem:$0x1DC80] =	vst v63  }
0x416: {  	v36 =	vperm.xlane v18, v16;
	v35 =	vadd.s32 v4, v34;
	s9 =	simm.s32 $0x8980  }
0x417: {  	[tilespmem:s9], [sflag:$0xC] =	stream.indirect_vreg.gather [hbm4b:s16+s4], $0x80, v32, vm0, $0xb8;
	[tilespmem:$0x1DC80] =	vst v63  }
0x418: {  	v18 =	vperm.xlane v18, v17;
	v37 =	vadd.s32 v4, v36;
	s11 =	simm.s32 $0x8A00  }
0x419: {  	[tilespmem:s11], [sflag:$0xC] =	stream.indirect_vreg.gather [hbm4b:s16+s4], $0x80, v19, vm0, $0xb8;
	[tilespmem:$0x1DC80] =	vst v63  }
0x41a: {  	v18 =	vadd.s32 v4, v18;
	s9 =	simm.s32 $0x8A80  }
0x41b: {  	[tilespmem:s9], [sflag:$0xC] =	stream.indirect_vreg.gather [hbm4b:s16+s4], $0x80, v35, vm0, $0xb8;
	[tilespmem:$0x1DC80] =	vst v63  }
0x41c: {  	s11 =	simm.s32 $0x8B00  }
0x41d: {  	[tilespmem:s11], [sflag:$0xC] =	stream.indirect_vreg.gather [hbm4b:s16+s4], $0x80, v37, vm0, $0xb8;
	[tilespmem:$0x1DC80] =	vst v63  }
0x41e: {  	s9 =	simm.s32 $0x8B80  }
0x41f: {  	[tilespmem:s9], [sflag:$0xC] =	stream.indirect_vreg.gather [hbm4b:s16+s4], $0x80, v18, vm0, $0xb8;
	[tilespmem:$0x1DC80] =	vst v63  }
0x420: {  	v18 =	vld [tilespmem:$0x1A0];
	_ =	sdelay $0x4  }
0x421: {  	v19 =	vshll.u32 v18, $0x1  }
0x422: {  	v18 =	vand.u32 $0x7, v18;
	v19 =	vand.u32 $0xFFFFFFF0, v19  }
0x423: {  	v18 =	vor.u32 v18, v19  }
0x424: {  	v19 =	vperm.xlane v18, v3;
	_ =	sdelay $0x1  }
0x425: {  	v38 =	vperm.xlane v18, v2;
	v19 =	vadd.s32 v4, v19;
	_ =	sdelay $0x1  }
0x426: {  	v39 =	vperm.xlane v18, v5;
	v20 =	vadd.s32 v4, v38;
	_ =	sdelay $0x1  }
0x427: {  	s11 =	simm.s32 $0x8C00;
	v40 =	vperm.xlane v18, v6;
	v21 =	vadd.s32 v4, v39  }
0x428: {  	[tilespmem:s11], [sflag:$0xC] =	stream.indirect_vreg.gather [hbm4b:s16+s4], $0x80, v19, vm0, $0xb8;
	[tilespmem:$0x1DC80] =	vst v63  }
0x429: {  	s9 =	simm.s32 $0x8C80;
	v41 =	vperm.xlane v18, v7;
	v19 =	vadd.s32 v4, v40  }
0x42a: {  	[tilespmem:s9], [sflag:$0xC] =	stream.indirect_vreg.gather [hbm4b:s16+s4], $0x80, v20, vm0, $0xb8;
	[tilespmem:$0x1DC80] =	vst v63  }
0x42b: {  	v43 =	vperm.xlane v18, v8;
	v42 =	vadd.s32 v4, v41;
	s11 =	simm.s32 $0x8D00  }
0x42c: {  	[tilespmem:s11], [sflag:$0xC] =	stream.indirect_vreg.gather [hbm4b:s16+s4], $0x80, v21, vm0, $0xb8;
	[tilespmem:$0x1DC80] =	vst v63  }
0x42d: {  	v45 =	vperm.xlane v18, v9;
	v44 =	vadd.s32 v4, v43;
	s9 =	simm.s32 $0x8D80  }
0x42e: {  	[tilespmem:s9], [sflag:$0xC] =	stream.indirect_vreg.gather [hbm4b:s16+s4], $0x80, v19, vm0, $0xb8;
	[tilespmem:$0x1DC80] =	vst v63  }
0x42f: {  	v46 =	vperm.xlane v18, v1;
	s11 =	simm.s32 $0x8E00;
	v19 =	vadd.s32 v4, v45  }
0x430: {  	[tilespmem:s11], [sflag:$0xC] =	stream.indirect_vreg.gather [hbm4b:s16+s4], $0x80, v42, vm0, $0xb8;
	[tilespmem:$0x1DC80] =	vst v63  }
0x431: {  	v48 =	vperm.xlane v18, v10;
	v47 =	vadd.s32 v4, v46;
	s9 =	simm.s32 $0x8E80  }
0x432: {  	[tilespmem:s9], [sflag:$0xC] =	stream.indirect_vreg.gather [hbm4b:s16+s4], $0x80, v44, vm0, $0xb8;
	[tilespmem:$0x1DC80] =	vst v63  }
0x433: {  	v50 =	vperm.xlane v18, v11;
	v49 =	vadd.s32 v4, v48;
	s11 =	simm.s32 $0x8F00  }
0x434: {  	[tilespmem:s11], [sflag:$0xC] =	stream.indirect_vreg.gather [hbm4b:s16+s4], $0x80, v19, vm0, $0xb8;
	[tilespmem:$0x1DC80] =	vst v63  }
0x435: {  	v51 =	vperm.xlane v18, v12;
	s9 =	simm.s32 $0x8F80;
	v19 =	vadd.s32 v4, v50  }
0x436: {  	[tilespmem:s9], [sflag:$0xC] =	stream.indirect_vreg.gather [hbm4b:s16+s4], $0x80, v47, vm0, $0xb8;
	[tilespmem:$0x1DC80] =	vst v63  }
0x437: {  	v53 =	vperm.xlane v18, v13;
	v52 =	vadd.s32 v4, v51;
	s11 =	simm.s32 $0x9000  }
0x438: {  	[tilespmem:s11], [sflag:$0xC] =	stream.indirect_vreg.gather [hbm4b:s16+s4], $0x80, v49, vm0, $0xb8;
	[tilespmem:$0x1DC80] =	vst v63  }
0x439: {  	v55 =	vperm.xlane v18, v14;
	v54 =	vadd.s32 v4, v53;
	s9 =	simm.s32 $0x9080  }
0x43a: {  	[tilespmem:s9], [sflag:$0xC] =	stream.indirect_vreg.gather [hbm4b:s16+s4], $0x80, v19, vm0, $0xb8;
	[tilespmem:$0x1DC80] =	vst v63  }
0x43b: {  	v56 =	vperm.xlane v18, v15;
	s11 =	simm.s32 $0x9100;
	v19 =	vadd.s32 v4, v55  }
0x43c: {  	[tilespmem:s11], [sflag:$0xC] =	stream.indirect_vreg.gather [hbm4b:s16+s4], $0x80, v52, vm0, $0xb8;
	[tilespmem:$0x1DC80] =	vst v63  }
0x43d: {  	v58 =	vperm.xlane v18, v16;
	v57 =	vadd.s32 v4, v56;
	s9 =	simm.s32 $0x9180  }
0x43e: {  	[tilespmem:s9], [sflag:$0xC] =	stream.indirect_vreg.gather [hbm4b:s16+s4], $0x80, v54, vm0, $0xb8;
	[tilespmem:$0x1DC80] =	vst v63  }
0x43f: {  	v18 =	vperm.xlane v18, v17;
	v59 =	vadd.s32 v4, v58;
	s11 =	simm.s32 $0x9200  }
0x440: {  	[tilespmem:s11], [sflag:$0xC] =	stream.indirect_vreg.gather [hbm4b:s16+s4], $0x80, v19, vm0, $0xb8;
	[tilespmem:$0x1DC80] =	vst v63  }
0x441: {  	v18 =	vadd.s32 v4, v18;
	s9 =	simm.s32 $0x9280  }
0x442: {  	[tilespmem:s9], [sflag:$0xC] =	stream.indirect_vreg.gather [hbm4b:s16+s4], $0x80, v57, vm0, $0xb8;
	[tilespmem:$0x1DC80] =	vst v63  }
0x443: {  	s11 =	simm.s32 $0x9300  }
0x444: {  	[tilespmem:s11], [sflag:$0xC] =	stream.indirect_vreg.gather [hbm4b:s16+s4], $0x80, v59, vm0, $0xb8;
	[tilespmem:$0x1DC80] =	vst v63  }
0x445: {  	s9 =	simm.s32 $0x9380  }
0x446: {  	[tilespmem:s9], [sflag:$0xC] =	stream.indirect_vreg.gather [hbm4b:s16+s4], $0x80, v18, vm0, $0xb8;
	[tilespmem:$0x1DC80] =	vst v63  }
0x447: {  	v18 =	vld [tilespmem:$0x1B0];
	_ =	sdelay $0x4  }
0x448: {  	v19 =	vshll.u32 v18, $0x1  }
0x449: {  	v18 =	vand.u32 $0x7, v18;
	v19 =	vand.u32 $0xFFFFFFF0, v19  }
0x44a: {  	v18 =	vor.u32 v18, v19  }
0x44b: {  	v19 =	vperm.xlane v18, v3;
	_ =	sdelay $0x1  }
0x44c: {  	v60 =	vperm.xlane v18, v2;
	v19 =	vadd.s32 v4, v19;
	_ =	sdelay $0x1  }
0x44d: {  	v61 =	vperm.xlane v18, v5;
	v20 =	vadd.s32 v4, v60;
	_ =	sdelay $0x1  }
0x44e: {  	s11 =	simm.s32 $0x9400;
	v62 =	vperm.xlane v18, v6;
	v21 =	vadd.s32 v4, v61  }
0x44f: {  	[tilespmem:s11], [sflag:$0xC] =	stream.indirect_vreg.gather [hbm4b:s16+s4], $0x80, v19, vm0, $0xb8;
	[tilespmem:$0x1DC80] =	vst v63  }
0x450: {  	s9 =	simm.s32 $0x9480;
	v63 =	vperm.xlane v18, v7;
	v19 =	vadd.s32 v4, v62  }
0x451: {  	[tilespmem:s9], [sflag:$0xC] =	stream.indirect_vreg.gather [hbm4b:s16+s4], $0x80, v20, vm0, $0xb8;
	[tilespmem:$0x1DC80] =	vst v63  }
0x452: {  	v25 =	vperm.xlane v18, v8;
	v24 =	vadd.s32 v4, v63;
	s11 =	simm.s32 $0x9500  }
0x453: {  	[tilespmem:s11], [sflag:$0xC] =	stream.indirect_vreg.gather [hbm4b:s16+s4], $0x80, v21, vm0, $0xb8;
	[tilespmem:$0x1DC80] =	vst v63  }
0x454: {  	v27 =	vperm.xlane v18, v9;
	v26 =	vadd.s32 v4, v25;
	s9 =	simm.s32 $0x9580  }
0x455: {  	[tilespmem:s9], [sflag:$0xC] =	stream.indirect_vreg.gather [hbm4b:s16+s4], $0x80, v19, vm0, $0xb8;
	[tilespmem:$0x1DC80] =	vst v63  }
0x456: {  	v28 =	vperm.xlane v18, v1;
	s11 =	simm.s32 $0x9600;
	v19 =	vadd.s32 v4, v27  }
0x457: {  	[tilespmem:s11], [sflag:$0xC] =	stream.indirect_vreg.gather [hbm4b:s16+s4], $0x80, v24, vm0, $0xb8;
	[tilespmem:$0x1DC80] =	vst v63  }
0x458: {  	v30 =	vperm.xlane v18, v10;
	v29 =	vadd.s32 v4, v28;
	s9 =	simm.s32 $0x9680  }
0x459: {  	[tilespmem:s9], [sflag:$0xC] =	stream.indirect_vreg.gather [hbm4b:s16+s4], $0x80, v26, vm0, $0xb8;
	[tilespmem:$0x1DC80] =	vst v63  }
0x45a: {  	v32 =	vperm.xlane v18, v11;
	v31 =	vadd.s32 v4, v30;
	s11 =	simm.s32 $0x9700  }
0x45b: {  	[tilespmem:s11], [sflag:$0xC] =	stream.indirect_vreg.gather [hbm4b:s16+s4], $0x80, v19, vm0, $0xb8;
	[tilespmem:$0x1DC80] =	vst v63  }
0x45c: {  	v33 =	vperm.xlane v18, v12;
	s9 =	simm.s32 $0x9780;
	v19 =	vadd.s32 v4, v32  }
0x45d: {  	[tilespmem:s9], [sflag:$0xC] =	stream.indirect_vreg.gather [hbm4b:s16+s4], $0x80, v29, vm0, $0xb8;
	[tilespmem:$0x1DC80] =	vst v63  }
0x45e: {  	v35 =	vperm.xlane v18, v13;
	v34 =	vadd.s32 v4, v33;
	s11 =	simm.s32 $0x9800  }
0x45f: {  	[tilespmem:s11], [sflag:$0xC] =	stream.indirect_vreg.gather [hbm4b:s16+s4], $0x80, v31, vm0, $0xb8;
	[tilespmem:$0x1DC80] =	vst v63  }
0x460: {  	v37 =	vperm.xlane v18, v14;
	v36 =	vadd.s32 v4, v35;
	s9 =	simm.s32 $0x9880  }
0x461: {  	[tilespmem:s9], [sflag:$0xC] =	stream.indirect_vreg.gather [hbm4b:s16+s4], $0x80, v19, vm0, $0xb8;
	[tilespmem:$0x1DC80] =	vst v63  }
0x462: {  	v38 =	vperm.xlane v18, v15;
	s11 =	simm.s32 $0x9900;
	v19 =	vadd.s32 v4, v37  }
0x463: {  	[tilespmem:s11], [sflag:$0xC] =	stream.indirect_vreg.gather [hbm4b:s16+s4], $0x80, v34, vm0, $0xb8;
	[tilespmem:$0x1DC80] =	vst v63  }
0x464: {  	v40 =	vperm.xlane v18, v16;
	v39 =	vadd.s32 v4, v38;
	s9 =	simm.s32 $0x9980  }
0x465: {  	[tilespmem:s9], [sflag:$0xC] =	stream.indirect_vreg.gather [hbm4b:s16+s4], $0x80, v36, vm0, $0xb8;
	[tilespmem:$0x1DC80] =	vst v63  }
0x466: {  	v18 =	vperm.xlane v18, v17;
	v41 =	vadd.s32 v4, v40;
	s11 =	simm.s32 $0x9A00  }
0x467: {  	[tilespmem:s11], [sflag:$0xC] =	stream.indirect_vreg.gather [hbm4b:s16+s4], $0x80, v19, vm0, $0xb8;
	[tilespmem:$0x1DC80] =	vst v63  }
0x468: {  	v18 =	vadd.s32 v4, v18;
	s9 =	simm.s32 $0x9A80  }
0x469: {  	[tilespmem:s9], [sflag:$0xC] =	stream.indirect_vreg.gather [hbm4b:s16+s4], $0x80, v39, vm0, $0xb8;
	[tilespmem:$0x1DC80] =	vst v63  }
0x46a: {  	s11 =	simm.s32 $0x9B00  }
0x46b: {  	[tilespmem:s11], [sflag:$0xC] =	stream.indirect_vreg.gather [hbm4b:s16+s4], $0x80, v41, vm0, $0xb8;
	[tilespmem:$0x1DC80] =	vst v63  }
0x46c: {  	s9 =	simm.s32 $0x9B80  }
0x46d: {  	[tilespmem:s9], [sflag:$0xC] =	stream.indirect_vreg.gather [hbm4b:s16+s4], $0x80, v18, vm0, $0xb8;
	[tilespmem:$0x1DC80] =	vst v63  }
0x46e: {  	v18 =	vld [tilespmem:$0x1C0];
	_ =	sdelay $0x4  }
0x46f: {  	v19 =	vshll.u32 v18, $0x1  }
0x470: {  	v18 =	vand.u32 $0x7, v18;
	v19 =	vand.u32 $0xFFFFFFF0, v19  }
0x471: {  	v18 =	vor.u32 v18, v19  }
0x472: {  	v19 =	vperm.xlane v18, v3;
	_ =	sdelay $0x1  }
0x473: {  	v42 =	vperm.xlane v18, v2;
	v19 =	vadd.s32 v4, v19;
	_ =	sdelay $0x1  }
0x474: {  	v43 =	vperm.xlane v18, v5;
	v20 =	vadd.s32 v4, v42;
	_ =	sdelay $0x1  }
0x475: {  	s11 =	simm.s32 $0x9C00;
	v44 =	vperm.xlane v18, v6;
	v21 =	vadd.s32 v4, v43  }
0x476: {  	[tilespmem:s11], [sflag:$0xC] =	stream.indirect_vreg.gather [hbm4b:s16+s4], $0x80, v19, vm0, $0xb8;
	[tilespmem:$0x1DC80] =	vst v63  }
0x477: {  	s9 =	simm.s32 $0x9C80;
	v45 =	vperm.xlane v18, v7;
	v19 =	vadd.s32 v4, v44  }
0x478: {  	[tilespmem:s9], [sflag:$0xC] =	stream.indirect_vreg.gather [hbm4b:s16+s4], $0x80, v20, vm0, $0xb8;
	[tilespmem:$0x1DC80] =	vst v63  }
0x479: {  	v47 =	vperm.xlane v18, v8;
	v46 =	vadd.s32 v4, v45;
	s11 =	simm.s32 $0x9D00  }
0x47a: {  	[tilespmem:s11], [sflag:$0xC] =	stream.indirect_vreg.gather [hbm4b:s16+s4], $0x80, v21, vm0, $0xb8;
	[tilespmem:$0x1DC80] =	vst v63  }
0x47b: {  	v49 =	vperm.xlane v18, v9;
	v48 =	vadd.s32 v4, v47;
	s9 =	simm.s32 $0x9D80  }
0x47c: {  	[tilespmem:s9], [sflag:$0xC] =	stream.indirect_vreg.gather [hbm4b:s16+s4], $0x80, v19, vm0, $0xb8;
	[tilespmem:$0x1DC80] =	vst v63  }
0x47d: {  	v50 =	vperm.xlane v18, v1;
	s11 =	simm.s32 $0x9E00;
	v19 =	vadd.s32 v4, v49  }
0x47e: {  	[tilespmem:s11], [sflag:$0xC] =	stream.indirect_vreg.gather [hbm4b:s16+s4], $0x80, v46, vm0, $0xb8;
	[tilespmem:$0x1DC80] =	vst v63  }
0x47f: {  	v52 =	vperm.xlane v18, v10;
	v51 =	vadd.s32 v4, v50;
	s9 =	simm.s32 $0x9E80  }
0x480: {  	[tilespmem:s9], [sflag:$0xC] =	stream.indirect_vreg.gather [hbm4b:s16+s4], $0x80, v48, vm0, $0xb8;
	[tilespmem:$0x1DC80] =	vst v63  }
0x481: {  	v54 =	vperm.xlane v18, v11;
	v53 =	vadd.s32 v4, v52;
	s11 =	simm.s32 $0x9F00  }
0x482: {  	[tilespmem:s11], [sflag:$0xC] =	stream.indirect_vreg.gather [hbm4b:s16+s4], $0x80, v19, vm0, $0xb8;
	[tilespmem:$0x1DC80] =	vst v63  }
0x483: {  	v55 =	vperm.xlane v18, v12;
	s9 =	simm.s32 $0x9F80;
	v19 =	vadd.s32 v4, v54  }
0x484: {  	[tilespmem:s9], [sflag:$0xC] =	stream.indirect_vreg.gather [hbm4b:s16+s4], $0x80, v51, vm0, $0xb8;
	[tilespmem:$0x1DC80] =	vst v63  }
0x485: {  	v57 =	vperm.xlane v18, v13;
	v56 =	vadd.s32 v4, v55;
	s11 =	simm.s32 $0xA000  }
0x486: {  	[tilespmem:s11], [sflag:$0xC] =	stream.indirect_vreg.gather [hbm4b:s16+s4], $0x80, v53, vm0, $0xb8;
	[tilespmem:$0x1DC80] =	vst v63  }
0x487: {  	v59 =	vperm.xlane v18, v14;
	v58 =	vadd.s32 v4, v57;
	s9 =	simm.s32 $0xA080  }
0x488: {  	[tilespmem:s9], [sflag:$0xC] =	stream.indirect_vreg.gather [hbm4b:s16+s4], $0x80, v19, vm0, $0xb8;
	[tilespmem:$0x1DC80] =	vst v63  }
0x489: {  	v60 =	vperm.xlane v18, v15;
	s11 =	simm.s32 $0xA100;
	v19 =	vadd.s32 v4, v59  }
0x48a: {  	[tilespmem:s11], [sflag:$0xC] =	stream.indirect_vreg.gather [hbm4b:s16+s4], $0x80, v56, vm0, $0xb8;
	[tilespmem:$0x1DC80] =	vst v63  }
0x48b: {  	v62 =	vperm.xlane v18, v16;
	v61 =	vadd.s32 v4, v60;
	s9 =	simm.s32 $0xA180  }
0x48c: {  	[tilespmem:s9], [sflag:$0xC] =	stream.indirect_vreg.gather [hbm4b:s16+s4], $0x80, v58, vm0, $0xb8;
	[tilespmem:$0x1DC80] =	vst v63  }
0x48d: {  	v18 =	vperm.xlane v18, v17;
	v63 =	vadd.s32 v4, v62;
	s11 =	simm.s32 $0xA200  }
0x48e: {  	[tilespmem:s11], [sflag:$0xC] =	stream.indirect_vreg.gather [hbm4b:s16+s4], $0x80, v19, vm0, $0xb8;
	[tilespmem:$0x1DC80] =	vst v63  }
0x48f: {  	v18 =	vadd.s32 v4, v18;
	s9 =	simm.s32 $0xA280  }
0x490: {  	[tilespmem:s9], [sflag:$0xC] =	stream.indirect_vreg.gather [hbm4b:s16+s4], $0x80, v61, vm0, $0xb8;
	[tilespmem:$0x1DC80] =	vst v63  }
0x491: {  	s11 =	simm.s32 $0xA300  }
0x492: {  	[tilespmem:s11], [sflag:$0xC] =	stream.indirect_vreg.gather [hbm4b:s16+s4], $0x80, v63, vm0, $0xb8;
	[tilespmem:$0x1DC80] =	vst v63  }
0x493: {  	s9 =	simm.s32 $0xA380  }
0x494: {  	[tilespmem:s9], [sflag:$0xC] =	stream.indirect_vreg.gather [hbm4b:s16+s4], $0x80, v18, vm0, $0xb8;
	[tilespmem:$0x1DC80] =	vst v63  }
0x495: {  	_ =	swait.ge [sflag:s8], $0x50  }
0x496: {  	[sflag:s8] =	ssyncset.done $0x0  }
0x497: {  	s11 =	simm.s32 $0x280;
	s9 =	simm.s32 $0x2C00;
	[sflag:s8] =	ssyncadd.s32 $0xFFFFFFB0  }
0x498: {  	[spmem:s3] =	stream.indirect.scatter.add.f32 [tilespmem:s9], [sflag:$0xE], $0x80, s11, s24, $0xb8;
	[tilespmem:$0x1DC80] =	vst v63  }
.LBB2_10:
.Ltmp8:
0x499: {  	(pc) =	sbr.rel @!p3 .LBB2_16-.Ltmp8, $1  }
0x49a: {  	_ =	sdelay $0x3  }
0x49b: {  	p3 =	sgt.u32 s5, $0x1D  }
.Ltmp9:
0x49c: {  	_ = 	snop;
	(pc) =	sbr.rel @p3 .LBB2_13-.Ltmp9, $4  }
0x49d: {  	_ = 	snop  }
0x49e: {  	_ =	swait.ge [sflag:s18], $0x2800  }
0x49f: {  	[sflag:s18] =	ssyncset.done $0x0  }
0x4a0: {  	[sflag:s18] =	ssyncadd.s32 $0xFFFFD800  }
0x4a1: {  	s2 =	sadd.s32 s1, s22  }
.Ltmp10:
0x4a2: {  	s9 =	simm.s32 $0x100;
	s2 =	sadd.s32 $0x3C, s2;
	(pc) =	sbr.rel .LBB2_14-.Ltmp10, $4  }
0x4a3: {  	[tilespmem:s9], [sflag:$0x3] =	stream.linear.gather [hbm4b:s2+s4], $0x50, $0x38;
	[tilespmem:$0x1DC80] =	vst v63  }
0x4a4: {  	_ =	swait.ge [sflag:s15], $0x2800  }
0x4a5: {  	[sflag:s15] =	ssyncset.done $0x0  }
0x4a6: {  	[sflag:s15] =	ssyncadd.s32 $0xFFFFD800  }
.LBB2_13:
.Ltmp11:
0x4a7: {  	(pc) =	sbr.rel @p1 .LBB2_15-.Ltmp11, $4  }
0x4a8: {  	_ = 	snop  }
0x4a9: {  	_ =	swait.ge [sflag:s15], $0x2800  }
0x4aa: {  	[sflag:s15] =	ssyncset.done $0x0  }
0x4ab: {  	[sflag:s15] =	ssyncadd.s32 $0xFFFFD800  }
.LBB2_14:
0x4ac: {  	s2 =	sadd.s32 s1, s23  }
0x4ad: {  	s2 =	sadd.s32 $0x28, s2  }
0x4ae: {  	[tilespmem:s10], [sflag:$0x5] =	stream.linear.gather [hbm4b:s2+s4], $0x50, $0x38;
	[tilespmem:$0x1DC80] =	vst v63  }
0x4af: {  	_ =	swait.ge [sflag:s13], $0x50  }
0x4b0: {  	[sflag:s13] =	ssyncset.done $0x0  }
0x4b1: {  	[sflag:s13] =	ssyncadd.s32 $0xFFFFFFB0  }
0x4b2: {  	v18 =	vld [tilespmem:$0x0];
	_ =	sdelay $0x4  }
0x4b3: {  	v19 =	vshll.u32 v18, $0x1  }
0x4b4: {  	v18 =	vand.u32 $0x7, v18;
	v19 =	vand.u32 $0xFFFFFFF0, v19  }
0x4b5: {  	v18 =	vor.u32 v18, v19  }
0x4b6: {  	v19 =	vperm.xlane v18, v3;
	_ =	sdelay $0x1  }
0x4b7: {  	v20 =	vperm.xlane v18, v2;
	v19 =	vadd.s32 v4, v19;
	_ =	sdelay $0x1  }
0x4b8: {  	v21 =	vperm.xlane v18, v5;
	v20 =	vadd.s32 v4, v20;
	_ =	sdelay $0x1  }
0x4b9: {  	v22 =	vperm.xlane v18, v6;
	v21 =	vadd.s32 v4, v21  }
0x4ba: {  	[tilespmem:s31], [sflag:$0x9] =	stream.indirect_vreg.gather [hbm4b:s16+s4], $0x80, v19, vm0, $0xb8;
	[tilespmem:$0x1DC80] =	vst v63  }
0x4bb: {  	s11 =	simm.s32 $0x480;
	v37 =	vperm.xlane v18, v7;
	v19 =	vadd.s32 v4, v22  }
0x4bc: {  	[tilespmem:s11], [sflag:$0x9] =	stream.indirect_vreg.gather [hbm4b:s16+s4], $0x80, v20, vm0, $0xb8;
	[tilespmem:$0x1DC80] =	vst v63  }
0x4bd: {  	s9 =	simm.s32 $0x500;
	v39 =	vperm.xlane v18, v8;
	v38 =	vadd.s32 v4, v37  }
0x4be: {  	[tilespmem:s9], [sflag:$0x9] =	stream.indirect_vreg.gather [hbm4b:s16+s4], $0x80, v21, vm0, $0xb8;
	[tilespmem:$0x1DC80] =	vst v63  }
0x4bf: {  	v41 =	vperm.xlane v18, v9;
	v40 =	vadd.s32 v4, v39;
	s11 =	simm.s32 $0x580  }
0x4c0: {  	[tilespmem:s11], [sflag:$0x9] =	stream.indirect_vreg.gather [hbm4b:s16+s4], $0x80, v19, vm0, $0xb8;
	[tilespmem:$0x1DC80] =	vst v63  }
0x4c1: {  	v42 =	vperm.xlane v18, v1;
	s9 =	simm.s32 $0x600;
	v19 =	vadd.s32 v4, v41  }
0x4c2: {  	[tilespmem:s9], [sflag:$0x9] =	stream.indirect_vreg.gather [hbm4b:s16+s4], $0x80, v38, vm0, $0xb8;
	[tilespmem:$0x1DC80] =	vst v63  }
0x4c3: {  	v44 =	vperm.xlane v18, v10;
	v43 =	vadd.s32 v4, v42;
	s11 =	simm.s32 $0x680  }
0x4c4: {  	[tilespmem:s11], [sflag:$0x9] =	stream.indirect_vreg.gather [hbm4b:s16+s4], $0x80, v40, vm0, $0xb8;
	[tilespmem:$0x1DC80] =	vst v63  }
0x4c5: {  	v46 =	vperm.xlane v18, v11;
	v45 =	vadd.s32 v4, v44;
	s9 =	simm.s32 $0x700  }
0x4c6: {  	[tilespmem:s9], [sflag:$0x9] =	stream.indirect_vreg.gather [hbm4b:s16+s4], $0x80, v19, vm0, $0xb8;
	[tilespmem:$0x1DC80] =	vst v63  }
0x4c7: {  	v47 =	vperm.xlane v18, v12;
	s11 =	simm.s32 $0x780;
	v19 =	vadd.s32 v4, v46  }
0x4c8: {  	[tilespmem:s11], [sflag:$0x9] =	stream.indirect_vreg.gather [hbm4b:s16+s4], $0x80, v43, vm0, $0xb8;
	[tilespmem:$0x1DC80] =	vst v63  }
0x4c9: {  	v49 =	vperm.xlane v18, v13;
	v48 =	vadd.s32 v4, v47;
	s9 =	simm.s32 $0x800  }
0x4ca: {  	[tilespmem:s9], [sflag:$0x9] =	stream.indirect_vreg.gather [hbm4b:s16+s4], $0x80, v45, vm0, $0xb8;
	[tilespmem:$0x1DC80] =	vst v63  }
0x4cb: {  	v51 =	vperm.xlane v18, v14;
	v50 =	vadd.s32 v4, v49;
	s11 =	simm.s32 $0x880  }
0x4cc: {  	[tilespmem:s11], [sflag:$0x9] =	stream.indirect_vreg.gather [hbm4b:s16+s4], $0x80, v19, vm0, $0xb8;
	[tilespmem:$0x1DC80] =	vst v63  }
0x4cd: {  	v52 =	vperm.xlane v18, v15;
	s9 =	simm.s32 $0x900;
	v19 =	vadd.s32 v4, v51  }
0x4ce: {  	[tilespmem:s9], [sflag:$0x9] =	stream.indirect_vreg.gather [hbm4b:s16+s4], $0x80, v48, vm0, $0xb8;
	[tilespmem:$0x1DC80] =	vst v63  }
0x4cf: {  	v54 =	vperm.xlane v18, v16;
	v53 =	vadd.s32 v4, v52;
	s11 =	simm.s32 $0x980  }
0x4d0: {  	[tilespmem:s11], [sflag:$0x9] =	stream.indirect_vreg.gather [hbm4b:s16+s4], $0x80, v50, vm0, $0xb8;
	[tilespmem:$0x1DC80] =	vst v63  }
0x4d1: {  	v18 =	vperm.xlane v18, v17;
	v55 =	vadd.s32 v4, v54;
	s9 =	simm.s32 $0xA00  }
0x4d2: {  	[tilespmem:s9], [sflag:$0x9] =	stream.indirect_vreg.gather [hbm4b:s16+s4], $0x80, v19, vm0, $0xb8;
	[tilespmem:$0x1DC80] =	vst v63  }
0x4d3: {  	v18 =	vadd.s32 v4, v18;
	s11 =	simm.s32 $0xA80  }
0x4d4: {  	[tilespmem:s11], [sflag:$0x9] =	stream.indirect_vreg.gather [hbm4b:s16+s4], $0x80, v53, vm0, $0xb8;
	[tilespmem:$0x1DC80] =	vst v63  }
0x4d5: {  	s9 =	simm.s32 $0xB00  }
0x4d6: {  	[tilespmem:s9], [sflag:$0x9] =	stream.indirect_vreg.gather [hbm4b:s16+s4], $0x80, v55, vm0, $0xb8;
	[tilespmem:$0x1DC80] =	vst v63  }
0x4d7: {  	s11 =	simm.s32 $0xB80  }
0x4d8: {  	[tilespmem:s11], [sflag:$0x9] =	stream.indirect_vreg.gather [hbm4b:s16+s4], $0x80, v18, vm0, $0xb8;
	[tilespmem:$0x1DC80] =	vst v63  }
0x4d9: {  	v18 =	vld [tilespmem:$0x10];
	_ =	sdelay $0x4  }
0x4da: {  	v19 =	vshll.u32 v18, $0x1  }
0x4db: {  	v18 =	vand.u32 $0x7, v18;
	v19 =	vand.u32 $0xFFFFFFF0, v19  }
0x4dc: {  	v18 =	vor.u32 v18, v19  }
0x4dd: {  	v19 =	vperm.xlane v18, v3;
	_ =	sdelay $0x1  }
0x4de: {  	v56 =	vperm.xlane v18, v2;
	v19 =	vadd.s32 v4, v19;
	_ =	sdelay $0x1  }
0x4df: {  	v57 =	vperm.xlane v18, v5;
	v20 =	vadd.s32 v4, v56;
	_ =	sdelay $0x1  }
0x4e0: {  	s9 =	simm.s32 $0xC00;
	v58 =	vperm.xlane v18, v6;
	v21 =	vadd.s32 v4, v57  }
0x4e1: {  	[tilespmem:s9], [sflag:$0x9] =	stream.indirect_vreg.gather [hbm4b:s16+s4], $0x80, v19, vm0, $0xb8;
	[tilespmem:$0x1DC80] =	vst v63  }
0x4e2: {  	s11 =	simm.s32 $0xC80;
	v59 =	vperm.xlane v18, v7;
	v19 =	vadd.s32 v4, v58  }
0x4e3: {  	[tilespmem:s11], [sflag:$0x9] =	stream.indirect_vreg.gather [hbm4b:s16+s4], $0x80, v20, vm0, $0xb8;
	[tilespmem:$0x1DC80] =	vst v63  }
0x4e4: {  	v61 =	vperm.xlane v18, v8;
	v60 =	vadd.s32 v4, v59;
	s9 =	simm.s32 $0xD00  }
0x4e5: {  	[tilespmem:s9], [sflag:$0x9] =	stream.indirect_vreg.gather [hbm4b:s16+s4], $0x80, v21, vm0, $0xb8;
	[tilespmem:$0x1DC80] =	vst v63  }
0x4e6: {  	v63 =	vperm.xlane v18, v9;
	v62 =	vadd.s32 v4, v61;
	s11 =	simm.s32 $0xD80  }
0x4e7: {  	[tilespmem:s11], [sflag:$0x9] =	stream.indirect_vreg.gather [hbm4b:s16+s4], $0x80, v19, vm0, $0xb8;
	[tilespmem:$0x1DC80] =	vst v63  }
0x4e8: {  	v24 =	vperm.xlane v18, v1;
	s9 =	simm.s32 $0xE00;
	v19 =	vadd.s32 v4, v63  }
0x4e9: {  	[tilespmem:s9], [sflag:$0x9] =	stream.indirect_vreg.gather [hbm4b:s16+s4], $0x80, v60, vm0, $0xb8;
	[tilespmem:$0x1DC80] =	vst v63  }
0x4ea: {  	v26 =	vperm.xlane v18, v10;
	v25 =	vadd.s32 v4, v24;
	s11 =	simm.s32 $0xE80  }
0x4eb: {  	[tilespmem:s11], [sflag:$0x9] =	stream.indirect_vreg.gather [hbm4b:s16+s4], $0x80, v62, vm0, $0xb8;
	[tilespmem:$0x1DC80] =	vst v63  }
0x4ec: {  	v28 =	vperm.xlane v18, v11;
	v27 =	vadd.s32 v4, v26;
	s9 =	simm.s32 $0xF00  }
0x4ed: {  	[tilespmem:s9], [sflag:$0x9] =	stream.indirect_vreg.gather [hbm4b:s16+s4], $0x80, v19, vm0, $0xb8;
	[tilespmem:$0x1DC80] =	vst v63  }
0x4ee: {  	v29 =	vperm.xlane v18, v12;
	s11 =	simm.s32 $0xF80;
	v19 =	vadd.s32 v4, v28  }
0x4ef: {  	[tilespmem:s11], [sflag:$0x9] =	stream.indirect_vreg.gather [hbm4b:s16+s4], $0x80, v25, vm0, $0xb8;
	[tilespmem:$0x1DC80] =	vst v63  }
0x4f0: {  	v31 =	vperm.xlane v18, v13;
	v30 =	vadd.s32 v4, v29;
	s9 =	simm.s32 $0x1000  }
0x4f1: {  	[tilespmem:s9], [sflag:$0x9] =	stream.indirect_vreg.gather [hbm4b:s16+s4], $0x80, v27, vm0, $0xb8;
	[tilespmem:$0x1DC80] =	vst v63  }
0x4f2: {  	v33 =	vperm.xlane v18, v14;
	v32 =	vadd.s32 v4, v31;
	s11 =	simm.s32 $0x1080  }
0x4f3: {  	[tilespmem:s11], [sflag:$0x9] =	stream.indirect_vreg.gather [hbm4b:s16+s4], $0x80, v19, vm0, $0xb8;
	[tilespmem:$0x1DC80] =	vst v63  }
0x4f4: {  	v34 =	vperm.xlane v18, v15;
	s9 =	simm.s32 $0x1100;
	v19 =	vadd.s32 v4, v33  }
0x4f5: {  	[tilespmem:s9], [sflag:$0x9] =	stream.indirect_vreg.gather [hbm4b:s16+s4], $0x80, v30, vm0, $0xb8;
	[tilespmem:$0x1DC80] =	vst v63  }
0x4f6: {  	v36 =	vperm.xlane v18, v16;
	v35 =	vadd.s32 v4, v34;
	s11 =	simm.s32 $0x1180  }
0x4f7: {  	[tilespmem:s11], [sflag:$0x9] =	stream.indirect_vreg.gather [hbm4b:s16+s4], $0x80, v32, vm0, $0xb8;
	[tilespmem:$0x1DC80] =	vst v63  }
0x4f8: {  	v18 =	vperm.xlane v18, v17;
	v37 =	vadd.s32 v4, v36;
	s9 =	simm.s32 $0x1200  }
0x4f9: {  	[tilespmem:s9], [sflag:$0x9] =	stream.indirect_vreg.gather [hbm4b:s16+s4], $0x80, v19, vm0, $0xb8;
	[tilespmem:$0x1DC80] =	vst v63  }
0x4fa: {  	v18 =	vadd.s32 v4, v18;
	s11 =	simm.s32 $0x1280  }
0x4fb: {  	[tilespmem:s11], [sflag:$0x9] =	stream.indirect_vreg.gather [hbm4b:s16+s4], $0x80, v35, vm0, $0xb8;
	[tilespmem:$0x1DC80] =	vst v63  }
0x4fc: {  	s9 =	simm.s32 $0x1300  }
0x4fd: {  	[tilespmem:s9], [sflag:$0x9] =	stream.indirect_vreg.gather [hbm4b:s16+s4], $0x80, v37, vm0, $0xb8;
	[tilespmem:$0x1DC80] =	vst v63  }
0x4fe: {  	s11 =	simm.s32 $0x1380  }
0x4ff: {  	[tilespmem:s11], [sflag:$0x9] =	stream.indirect_vreg.gather [hbm4b:s16+s4], $0x80, v18, vm0, $0xb8;
	[tilespmem:$0x1DC80] =	vst v63  }
0x500: {  	v18 =	vld [tilespmem:$0x20];
	_ =	sdelay $0x4  }
0x501: {  	v19 =	vshll.u32 v18, $0x1  }
0x502: {  	v18 =	vand.u32 $0x7, v18;
	v19 =	vand.u32 $0xFFFFFFF0, v19  }
0x503: {  	v18 =	vor.u32 v18, v19  }
0x504: {  	v19 =	vperm.xlane v18, v3;
	_ =	sdelay $0x1  }
0x505: {  	v38 =	vperm.xlane v18, v2;
	v19 =	vadd.s32 v4, v19;
	_ =	sdelay $0x1  }
0x506: {  	v39 =	vperm.xlane v18, v5;
	v20 =	vadd.s32 v4, v38;
	_ =	sdelay $0x1  }
0x507: {  	s9 =	simm.s32 $0x1400;
	v40 =	vperm.xlane v18, v6;
	v21 =	vadd.s32 v4, v39  }
0x508: {  	[tilespmem:s9], [sflag:$0x9] =	stream.indirect_vreg.gather [hbm4b:s16+s4], $0x80, v19, vm0, $0xb8;
	[tilespmem:$0x1DC80] =	vst v63  }
0x509: {  	s11 =	simm.s32 $0x1480;
	v41 =	vperm.xlane v18, v7;
	v19 =	vadd.s32 v4, v40  }
0x50a: {  	[tilespmem:s11], [sflag:$0x9] =	stream.indirect_vreg.gather [hbm4b:s16+s4], $0x80, v20, vm0, $0xb8;
	[tilespmem:$0x1DC80] =	vst v63  }
0x50b: {  	v43 =	vperm.xlane v18, v8;
	v42 =	vadd.s32 v4, v41;
	s9 =	simm.s32 $0x1500  }
0x50c: {  	[tilespmem:s9], [sflag:$0x9] =	stream.indirect_vreg.gather [hbm4b:s16+s4], $0x80, v21, vm0, $0xb8;
	[tilespmem:$0x1DC80] =	vst v63  }
0x50d: {  	v45 =	vperm.xlane v18, v9;
	v44 =	vadd.s32 v4, v43;
	s11 =	simm.s32 $0x1580  }
0x50e: {  	[tilespmem:s11], [sflag:$0x9] =	stream.indirect_vreg.gather [hbm4b:s16+s4], $0x80, v19, vm0, $0xb8;
	[tilespmem:$0x1DC80] =	vst v63  }
0x50f: {  	v46 =	vperm.xlane v18, v1;
	s9 =	simm.s32 $0x1600;
	v19 =	vadd.s32 v4, v45  }
0x510: {  	[tilespmem:s9], [sflag:$0x9] =	stream.indirect_vreg.gather [hbm4b:s16+s4], $0x80, v42, vm0, $0xb8;
	[tilespmem:$0x1DC80] =	vst v63  }
0x511: {  	v48 =	vperm.xlane v18, v10;
	v47 =	vadd.s32 v4, v46;
	s11 =	simm.s32 $0x1680  }
0x512: {  	[tilespmem:s11], [sflag:$0x9] =	stream.indirect_vreg.gather [hbm4b:s16+s4], $0x80, v44, vm0, $0xb8;
	[tilespmem:$0x1DC80] =	vst v63  }
0x513: {  	v50 =	vperm.xlane v18, v11;
	v49 =	vadd.s32 v4, v48;
	s9 =	simm.s32 $0x1700  }
0x514: {  	[tilespmem:s9], [sflag:$0x9] =	stream.indirect_vreg.gather [hbm4b:s16+s4], $0x80, v19, vm0, $0xb8;
	[tilespmem:$0x1DC80] =	vst v63  }
0x515: {  	v51 =	vperm.xlane v18, v12;
	s11 =	simm.s32 $0x1780;
	v19 =	vadd.s32 v4, v50  }
0x516: {  	[tilespmem:s11], [sflag:$0x9] =	stream.indirect_vreg.gather [hbm4b:s16+s4], $0x80, v47, vm0, $0xb8;
	[tilespmem:$0x1DC80] =	vst v63  }
0x517: {  	v53 =	vperm.xlane v18, v13;
	v52 =	vadd.s32 v4, v51;
	s9 =	simm.s32 $0x1800  }
0x518: {  	[tilespmem:s9], [sflag:$0x9] =	stream.indirect_vreg.gather [hbm4b:s16+s4], $0x80, v49, vm0, $0xb8;
	[tilespmem:$0x1DC80] =	vst v63  }
0x519: {  	v55 =	vperm.xlane v18, v14;
	v54 =	vadd.s32 v4, v53;
	s11 =	simm.s32 $0x1880  }
0x51a: {  	[tilespmem:s11], [sflag:$0x9] =	stream.indirect_vreg.gather [hbm4b:s16+s4], $0x80, v19, vm0, $0xb8;
	[tilespmem:$0x1DC80] =	vst v63  }
0x51b: {  	v56 =	vperm.xlane v18, v15;
	s9 =	simm.s32 $0x1900;
	v19 =	vadd.s32 v4, v55  }
0x51c: {  	[tilespmem:s9], [sflag:$0x9] =	stream.indirect_vreg.gather [hbm4b:s16+s4], $0x80, v52, vm0, $0xb8;
	[tilespmem:$0x1DC80] =	vst v63  }
0x51d: {  	v58 =	vperm.xlane v18, v16;
	v57 =	vadd.s32 v4, v56;
	s11 =	simm.s32 $0x1980  }
0x51e: {  	[tilespmem:s11], [sflag:$0x9] =	stream.indirect_vreg.gather [hbm4b:s16+s4], $0x80, v54, vm0, $0xb8;
	[tilespmem:$0x1DC80] =	vst v63  }
0x51f: {  	v18 =	vperm.xlane v18, v17;
	v59 =	vadd.s32 v4, v58;
	s9 =	simm.s32 $0x1A00  }
0x520: {  	[tilespmem:s9], [sflag:$0x9] =	stream.indirect_vreg.gather [hbm4b:s16+s4], $0x80, v19, vm0, $0xb8;
	[tilespmem:$0x1DC80] =	vst v63  }
0x521: {  	v18 =	vadd.s32 v4, v18;
	s11 =	simm.s32 $0x1A80  }
0x522: {  	[tilespmem:s11], [sflag:$0x9] =	stream.indirect_vreg.gather [hbm4b:s16+s4], $0x80, v57, vm0, $0xb8;
	[tilespmem:$0x1DC80] =	vst v63  }
0x523: {  	s9 =	simm.s32 $0x1B00  }
0x524: {  	[tilespmem:s9], [sflag:$0x9] =	stream.indirect_vreg.gather [hbm4b:s16+s4], $0x80, v59, vm0, $0xb8;
	[tilespmem:$0x1DC80] =	vst v63  }
0x525: {  	s11 =	simm.s32 $0x1B80  }
0x526: {  	[tilespmem:s11], [sflag:$0x9] =	stream.indirect_vreg.gather [hbm4b:s16+s4], $0x80, v18, vm0, $0xb8;
	[tilespmem:$0x1DC80] =	vst v63  }
0x527: {  	v18 =	vld [tilespmem:$0x30];
	_ =	sdelay $0x4  }
0x528: {  	v19 =	vshll.u32 v18, $0x1  }
0x529: {  	v18 =	vand.u32 $0x7, v18;
	v19 =	vand.u32 $0xFFFFFFF0, v19  }
0x52a: {  	v18 =	vor.u32 v18, v19  }
0x52b: {  	v19 =	vperm.xlane v18, v3;
	_ =	sdelay $0x1  }
0x52c: {  	v60 =	vperm.xlane v18, v2;
	v19 =	vadd.s32 v4, v19;
	_ =	sdelay $0x1  }
0x52d: {  	v61 =	vperm.xlane v18, v5;
	v20 =	vadd.s32 v4, v60;
	_ =	sdelay $0x1  }
0x52e: {  	s9 =	simm.s32 $0x1C00;
	v62 =	vperm.xlane v18, v6;
	v21 =	vadd.s32 v4, v61  }
0x52f: {  	[tilespmem:s9], [sflag:$0x9] =	stream.indirect_vreg.gather [hbm4b:s16+s4], $0x80, v19, vm0, $0xb8;
	[tilespmem:$0x1DC80] =	vst v63  }
0x530: {  	s11 =	simm.s32 $0x1C80;
	v63 =	vperm.xlane v18, v7;
	v19 =	vadd.s32 v4, v62  }
0x531: {  	[tilespmem:s11], [sflag:$0x9] =	stream.indirect_vreg.gather [hbm4b:s16+s4], $0x80, v20, vm0, $0xb8;
	[tilespmem:$0x1DC80] =	vst v63  }
0x532: {  	v25 =	vperm.xlane v18, v8;
	v24 =	vadd.s32 v4, v63;
	s9 =	simm.s32 $0x1D00  }
0x533: {  	[tilespmem:s9], [sflag:$0x9] =	stream.indirect_vreg.gather [hbm4b:s16+s4], $0x80, v21, vm0, $0xb8;
	[tilespmem:$0x1DC80] =	vst v63  }
0x534: {  	v27 =	vperm.xlane v18, v9;
	v26 =	vadd.s32 v4, v25;
	s11 =	simm.s32 $0x1D80  }
0x535: {  	[tilespmem:s11], [sflag:$0x9] =	stream.indirect_vreg.gather [hbm4b:s16+s4], $0x80, v19, vm0, $0xb8;
	[tilespmem:$0x1DC80] =	vst v63  }
0x536: {  	v28 =	vperm.xlane v18, v1;
	s9 =	simm.s32 $0x1E00;
	v19 =	vadd.s32 v4, v27  }
0x537: {  	[tilespmem:s9], [sflag:$0x9] =	stream.indirect_vreg.gather [hbm4b:s16+s4], $0x80, v24, vm0, $0xb8;
	[tilespmem:$0x1DC80] =	vst v63  }
0x538: {  	v30 =	vperm.xlane v18, v10;
	v29 =	vadd.s32 v4, v28;
	s11 =	simm.s32 $0x1E80  }
0x539: {  	[tilespmem:s11], [sflag:$0x9] =	stream.indirect_vreg.gather [hbm4b:s16+s4], $0x80, v26, vm0, $0xb8;
	[tilespmem:$0x1DC80] =	vst v63  }
0x53a: {  	v32 =	vperm.xlane v18, v11;
	v31 =	vadd.s32 v4, v30;
	s9 =	simm.s32 $0x1F00  }
0x53b: {  	[tilespmem:s9], [sflag:$0x9] =	stream.indirect_vreg.gather [hbm4b:s16+s4], $0x80, v19, vm0, $0xb8;
	[tilespmem:$0x1DC80] =	vst v63  }
0x53c: {  	v33 =	vperm.xlane v18, v12;
	s11 =	simm.s32 $0x1F80;
	v19 =	vadd.s32 v4, v32  }
0x53d: {  	[tilespmem:s11], [sflag:$0x9] =	stream.indirect_vreg.gather [hbm4b:s16+s4], $0x80, v29, vm0, $0xb8;
	[tilespmem:$0x1DC80] =	vst v63  }
0x53e: {  	v35 =	vperm.xlane v18, v13;
	v34 =	vadd.s32 v4, v33;
	s9 =	simm.s32 $0x2000  }
0x53f: {  	[tilespmem:s9], [sflag:$0x9] =	stream.indirect_vreg.gather [hbm4b:s16+s4], $0x80, v31, vm0, $0xb8;
	[tilespmem:$0x1DC80] =	vst v63  }
0x540: {  	v37 =	vperm.xlane v18, v14;
	v36 =	vadd.s32 v4, v35;
	s11 =	simm.s32 $0x2080  }
0x541: {  	[tilespmem:s11], [sflag:$0x9] =	stream.indirect_vreg.gather [hbm4b:s16+s4], $0x80, v19, vm0, $0xb8;
	[tilespmem:$0x1DC80] =	vst v63  }
0x542: {  	v38 =	vperm.xlane v18, v15;
	s9 =	simm.s32 $0x2100;
	v19 =	vadd.s32 v4, v37  }
0x543: {  	[tilespmem:s9], [sflag:$0x9] =	stream.indirect_vreg.gather [hbm4b:s16+s4], $0x80, v34, vm0, $0xb8;
	[tilespmem:$0x1DC80] =	vst v63  }
0x544: {  	v40 =	vperm.xlane v18, v16;
	v39 =	vadd.s32 v4, v38;
	s11 =	simm.s32 $0x2180  }
0x545: {  	[tilespmem:s11], [sflag:$0x9] =	stream.indirect_vreg.gather [hbm4b:s16+s4], $0x80, v36, vm0, $0xb8;
	[tilespmem:$0x1DC80] =	vst v63  }
0x546: {  	v18 =	vperm.xlane v18, v17;
	v41 =	vadd.s32 v4, v40;
	s9 =	simm.s32 $0x2200  }
0x547: {  	[tilespmem:s9], [sflag:$0x9] =	stream.indirect_vreg.gather [hbm4b:s16+s4], $0x80, v19, vm0, $0xb8;
	[tilespmem:$0x1DC80] =	vst v63  }
0x548: {  	v18 =	vadd.s32 v4, v18;
	s11 =	simm.s32 $0x2280  }
0x549: {  	[tilespmem:s11], [sflag:$0x9] =	stream.indirect_vreg.gather [hbm4b:s16+s4], $0x80, v39, vm0, $0xb8;
	[tilespmem:$0x1DC80] =	vst v63  }
0x54a: {  	s9 =	simm.s32 $0x2300  }
0x54b: {  	[tilespmem:s9], [sflag:$0x9] =	stream.indirect_vreg.gather [hbm4b:s16+s4], $0x80, v41, vm0, $0xb8;
	[tilespmem:$0x1DC80] =	vst v63  }
0x54c: {  	s11 =	simm.s32 $0x2380  }
0x54d: {  	[tilespmem:s11], [sflag:$0x9] =	stream.indirect_vreg.gather [hbm4b:s16+s4], $0x80, v18, vm0, $0xb8;
	[tilespmem:$0x1DC80] =	vst v63  }
0x54e: {  	v18 =	vld [tilespmem:$0x40];
	_ =	sdelay $0x4  }
0x54f: {  	v19 =	vshll.u32 v18, $0x1  }
0x550: {  	v18 =	vand.u32 $0x7, v18;
	v19 =	vand.u32 $0xFFFFFFF0, v19  }
0x551: {  	v18 =	vor.u32 v18, v19  }
0x552: {  	v19 =	vperm.xlane v18, v3;
	_ =	sdelay $0x1  }
0x553: {  	v42 =	vperm.xlane v18, v2;
	v19 =	vadd.s32 v4, v19;
	_ =	sdelay $0x1  }
0x554: {  	v43 =	vperm.xlane v18, v5;
	v20 =	vadd.s32 v4, v42;
	_ =	sdelay $0x1  }
0x555: {  	s9 =	simm.s32 $0x2400;
	v44 =	vperm.xlane v18, v6;
	v21 =	vadd.s32 v4, v43  }
0x556: {  	[tilespmem:s9], [sflag:$0x9] =	stream.indirect_vreg.gather [hbm4b:s16+s4], $0x80, v19, vm0, $0xb8;
	[tilespmem:$0x1DC80] =	vst v63  }
0x557: {  	s11 =	simm.s32 $0x2480;
	v45 =	vperm.xlane v18, v7;
	v19 =	vadd.s32 v4, v44  }
0x558: {  	[tilespmem:s11], [sflag:$0x9] =	stream.indirect_vreg.gather [hbm4b:s16+s4], $0x80, v20, vm0, $0xb8;
	[tilespmem:$0x1DC80] =	vst v63  }
0x559: {  	v47 =	vperm.xlane v18, v8;
	v46 =	vadd.s32 v4, v45;
	s9 =	simm.s32 $0x2500  }
0x55a: {  	[tilespmem:s9], [sflag:$0x9] =	stream.indirect_vreg.gather [hbm4b:s16+s4], $0x80, v21, vm0, $0xb8;
	[tilespmem:$0x1DC80] =	vst v63  }
0x55b: {  	v49 =	vperm.xlane v18, v9;
	v48 =	vadd.s32 v4, v47;
	s11 =	simm.s32 $0x2580  }
0x55c: {  	[tilespmem:s11], [sflag:$0x9] =	stream.indirect_vreg.gather [hbm4b:s16+s4], $0x80, v19, vm0, $0xb8;
	[tilespmem:$0x1DC80] =	vst v63  }
0x55d: {  	v50 =	vperm.xlane v18, v1;
	s9 =	simm.s32 $0x2600;
	v19 =	vadd.s32 v4, v49  }
0x55e: {  	[tilespmem:s9], [sflag:$0x9] =	stream.indirect_vreg.gather [hbm4b:s16+s4], $0x80, v46, vm0, $0xb8;
	[tilespmem:$0x1DC80] =	vst v63  }
0x55f: {  	v52 =	vperm.xlane v18, v10;
	v51 =	vadd.s32 v4, v50;
	s11 =	simm.s32 $0x2680  }
0x560: {  	[tilespmem:s11], [sflag:$0x9] =	stream.indirect_vreg.gather [hbm4b:s16+s4], $0x80, v48, vm0, $0xb8;
	[tilespmem:$0x1DC80] =	vst v63  }
0x561: {  	v54 =	vperm.xlane v18, v11;
	v53 =	vadd.s32 v4, v52;
	s9 =	simm.s32 $0x2700  }
0x562: {  	[tilespmem:s9], [sflag:$0x9] =	stream.indirect_vreg.gather [hbm4b:s16+s4], $0x80, v19, vm0, $0xb8;
	[tilespmem:$0x1DC80] =	vst v63  }
0x563: {  	v55 =	vperm.xlane v18, v12;
	s11 =	simm.s32 $0x2780;
	v19 =	vadd.s32 v4, v54  }
0x564: {  	[tilespmem:s11], [sflag:$0x9] =	stream.indirect_vreg.gather [hbm4b:s16+s4], $0x80, v51, vm0, $0xb8;
	[tilespmem:$0x1DC80] =	vst v63  }
0x565: {  	v57 =	vperm.xlane v18, v13;
	v56 =	vadd.s32 v4, v55;
	s9 =	simm.s32 $0x2800  }
0x566: {  	[tilespmem:s9], [sflag:$0x9] =	stream.indirect_vreg.gather [hbm4b:s16+s4], $0x80, v53, vm0, $0xb8;
	[tilespmem:$0x1DC80] =	vst v63  }
0x567: {  	v59 =	vperm.xlane v18, v14;
	v58 =	vadd.s32 v4, v57;
	s11 =	simm.s32 $0x2880  }
0x568: {  	[tilespmem:s11], [sflag:$0x9] =	stream.indirect_vreg.gather [hbm4b:s16+s4], $0x80, v19, vm0, $0xb8;
	[tilespmem:$0x1DC80] =	vst v63  }
0x569: {  	v60 =	vperm.xlane v18, v15;
	s9 =	simm.s32 $0x2900;
	v19 =	vadd.s32 v4, v59  }
0x56a: {  	[tilespmem:s9], [sflag:$0x9] =	stream.indirect_vreg.gather [hbm4b:s16+s4], $0x80, v56, vm0, $0xb8;
	[tilespmem:$0x1DC80] =	vst v63  }
0x56b: {  	v62 =	vperm.xlane v18, v16;
	v61 =	vadd.s32 v4, v60;
	s11 =	simm.s32 $0x2980  }
0x56c: {  	[tilespmem:s11], [sflag:$0x9] =	stream.indirect_vreg.gather [hbm4b:s16+s4], $0x80, v58, vm0, $0xb8;
	[tilespmem:$0x1DC80] =	vst v63  }
0x56d: {  	v18 =	vperm.xlane v18, v17;
	v63 =	vadd.s32 v4, v62;
	s9 =	simm.s32 $0x2A00  }
0x56e: {  	[tilespmem:s9], [sflag:$0x9] =	stream.indirect_vreg.gather [hbm4b:s16+s4], $0x80, v19, vm0, $0xb8;
	[tilespmem:$0x1DC80] =	vst v63  }
0x56f: {  	v18 =	vadd.s32 v4, v18;
	s11 =	simm.s32 $0x2A80  }
0x570: {  	[tilespmem:s11], [sflag:$0x9] =	stream.indirect_vreg.gather [hbm4b:s16+s4], $0x80, v61, vm0, $0xb8;
	[tilespmem:$0x1DC80] =	vst v63  }
0x571: {  	s9 =	simm.s32 $0x2B00  }
0x572: {  	[tilespmem:s9], [sflag:$0x9] =	stream.indirect_vreg.gather [hbm4b:s16+s4], $0x80, v63, vm0, $0xb8;
	[tilespmem:$0x1DC80] =	vst v63  }
0x573: {  	s11 =	simm.s32 $0x2B80  }
0x574: {  	[tilespmem:s11], [sflag:$0x9] =	stream.indirect_vreg.gather [hbm4b:s16+s4], $0x80, v18, vm0, $0xb8;
	[tilespmem:$0x1DC80] =	vst v63  }
.LBB2_15:
0x575: {  	_ =	swait.ge [sflag:s19], $0x50  }
0x576: {  	[sflag:s19] =	ssyncset.done $0x0  }
0x577: {  	s2 =	simm.s32 $0x300;
	s9 =	simm.s32 $0x5400;
	[sflag:s19] =	ssyncadd.s32 $0xFFFFFFB0  }
0x578: {  	[spmem:s3] =	stream.indirect.scatter.add.f32 [tilespmem:s9], [sflag:$0xF], $0x80, s2, s24, $0xb8;
	[tilespmem:$0x1DC80] =	vst v63  }
.LBB2_16:
.Ltmp12:
0x579: {  	(pc) =	sbr.rel @p2 .LBB2_21-.Ltmp12, $1  }
0x57a: {  	_ =	sdelay $0x3  }
0x57b: {  	p1 =	sne.s32 s1, $0x4B0  }
.Ltmp13:
0x57c: {  	_ = 	snop;
	(pc) =	sbr.rel @p1 .LBB2_19-.Ltmp13, $4  }
0x57d: {  	_ = 	snop  }
0x57e: {  	_ =	swait.ge [sflag:s17], $0x2800  }
0x57f: {  	[sflag:s17] =	ssyncset.done $0x0  }
0x580: {  	[sflag:s17] =	ssyncadd.s32 $0xFFFFD800  }
.Ltmp14:
0x581: {  	(pc) =	sbr.rel .LBB2_20-.Ltmp14, $4  }
0x582: {  	_ = 	snop  }
0x583: {  	_ =	swait.ge [sflag:s14], $0x2800  }
0x584: {  	[sflag:s14] =	ssyncset.done $0x0  }
0x585: {  	[sflag:s14] =	ssyncadd.s32 $0xFFFFD800  }
.LBB2_23:
0x586: {  	_ =	sfence.sel $0x180000  }
0x587: {  	[bflag:$0x0] =	sbarrier.arrive $0xFFFF  }
0x588: {  	_ =	strace $0x90000047  }
0x589: {  	s0 =	stileid.u32;
	[bflag:$0x2] =	sbarrier.arrive $0xFFFF  }
0x58a: {  	p0 =	sne.s32 s0, $0x0;
	s0 =	rddreg [dreg:$0x4]  }
0x58b: {  	s0 =	sadd.s32 @!p0 $0x100000, s0  }
0x58c: {  	[sflag:s0] =	ssyncadd.tile.s32 @!p0 $0x1;
	_ =	shalt  }
.Lfunc_end2:
_tile_overlayer_lowered:
.L_overlay_start_2:
0x58d: {  	(tag) =	ssettag $0x2  }
0x58e: {  	s0 =	rddreg [dreg:$0x0];
	s2 =	stileid.u32  }
0x58f: {  	s1 =	rddreg [dreg:$0x1];
	p0 =	sne.s32 s2, $0x0  }
0x590: {  	s3 =	rddreg [dreg:$0x2];
	[bflag:$0x3] =	sbarrier.arrive $0xFFFF;
	s2 =	simm.s32 @!p0 $0x1C11  }
0x591: {  	[timem:s3], [sflag:s2] =	dma.local @!p0 [hbm:s0], s1  }
0x592: {  	s0 =	simm.s32 @!p0 $0x11  }
0x593: {  	_ =	swait.ge @!p0 [sflag:s0], s1  }
0x594: {  	s1 =	ssub.s32 @!p0 $0x0, s1;
	[sflag:s0] =	ssyncset.done @!p0 $0x0  }
0x595: {  	[sflag:s0] =	ssyncadd.s32 @!p0 s1  }
0x596: {  	[bflag:$0x3] =	sbarrier.arrive $0xFFFF  }
0x597: {  	_ =	shalt  }

</sc_bundles>
